<compile_context>
chip_gen: v7x
topology: tpu7x:2x2x1
jax: 0.10.2.dev20260603
libtpu: 0.0.44.dev20260713+nightly
codegen_flags: <defaults>
</compile_context>

<pallas_src>
import jax
import jax.numpy as jnp
from jax import lax
from jax.experimental import pallas as pl
from jax.experimental.pallas import tpu as pltpu
from jax.experimental.pallas import tpu_sc as plsc

_N = 10000
_E = 320000
_D = 128
_H = 128
_NORM = 100.0

_PARTS = ((0, 160000), (160000, 160000))
_NC = 2
_NS = 16
_NW = _NC * _NS
_CH = 200
_CHS = 200
_NP = 10240
_RPT = _NP // _NS
_RST = 128

_f32 = jnp.float32



_bf16 = jnp.bfloat16


def _pre_body(h_ref, wa_ref, wb_ref, b1_ref, ei_ref, a_ref, b_ref,
              row_ref, col_ref):
    hb = h_ref[...]
    a_ref[...] = (jnp.dot(hb, wa_ref[...], preferred_element_type=_f32)
                  + b1_ref[...])
    b_ref[...] = jnp.dot(hb, wb_ref[...], preferred_element_type=_f32)
    row_ref[...] = ei_ref[0, :]
    col_ref[...] = ei_ref[1, :]


def _precompute(h, wa, wb, be1_2d, edge_index):
    bn = 1000
    beb = 32768
    epad = beb * (_N // bn)
    return pl.pallas_call(
        _pre_body,
        grid=(_N // bn,),
        in_specs=[
            pl.BlockSpec((bn, _D), lambda i: (i, 0)),
            pl.BlockSpec((_D, _H), lambda i: (0, 0)),
            pl.BlockSpec((_D, _H), lambda i: (0, 0)),
            pl.BlockSpec((1, _H), lambda i: (0, 0)),
            pl.BlockSpec((2, beb), lambda i: (0, i)),
        ],
        out_specs=[
            pl.BlockSpec((bn, _H), lambda i: (i, 0)),
            pl.BlockSpec((bn, _H), lambda i: (i, 0)),
            pl.BlockSpec((beb,), lambda i: (i,)),
            pl.BlockSpec((beb,), lambda i: (i,)),
        ],
        out_shape=[
            jax.ShapeDtypeStruct((_N, _H), _f32),
            jax.ShapeDtypeStruct((_N, _H), _f32),
            jax.ShapeDtypeStruct((epad,), jnp.int32),
            jax.ShapeDtypeStruct((epad,), jnp.int32),
        ],
    )(h, wa, wb, be1_2d, edge_index)



def _make_gather_body(off, epw):
    nch = epw // _CH
    assert nch >= 4

    def _gather_body(a_hbm, b_hbm, row_hbm, col_hbm, g1_hbm, g2_hbm,
                     i1a, i2a, ba1, ba2, i1b, i2b, bb1, bb2,
                     gsem1, gsem2, wsem_a, wsem_b):
        wid = lax.axis_index("s") * _NC + lax.axis_index("c")
        base_w = wid * epw

        def chunk(k, idx1_v, idx2_v, buf1_v, buf2_v, wsem, drain):
            base = base_w + k * _CH
            if drain:
                pltpu.make_async_copy(buf1_v, g1_hbm.at[pl.ds(base, _CH)],
                                      wsem).wait()
                pltpu.make_async_copy(buf2_v, g2_hbm.at[pl.ds(base, _CH)],
                                      wsem).wait()
            pltpu.sync_copy(row_hbm.at[pl.ds(off + base, _CH)], idx1_v)
            pltpu.sync_copy(col_hbm.at[pl.ds(off + base, _CH)], idx2_v)
            cp1 = pltpu.async_copy(a_hbm.at[idx1_v], buf1_v, gsem1)
            cp2 = pltpu.async_copy(b_hbm.at[idx2_v], buf2_v, gsem2)
            cp1.wait()
            cp2.wait()
            pltpu.async_copy(buf1_v, g1_hbm.at[pl.ds(base, _CH)], wsem)
            pltpu.async_copy(buf2_v, g2_hbm.at[pl.ds(base, _CH)], wsem)

        chunk(0, i1a, i2a, ba1, ba2, wsem_a, False)
        chunk(1, i1b, i2b, bb1, bb2, wsem_b, False)

        def pair(j, carry):
            chunk(2 * j, i1a, i2a, ba1, ba2, wsem_a, True)
            chunk(2 * j + 1, i1b, i2b, bb1, bb2, wsem_b, True)
            return carry

        lax.fori_loop(1, nch // 2, pair, 0)
        if nch % 2:
            chunk(nch - 1, i1a, i2a, ba1, ba2, wsem_a, True)
        pltpu.make_async_copy(ba1, g1_hbm.at[pl.ds(base_w, _CH)],
                              wsem_a).wait()
        pltpu.make_async_copy(ba2, g2_hbm.at[pl.ds(base_w, _CH)],
                              wsem_a).wait()
        pltpu.make_async_copy(bb1, g1_hbm.at[pl.ds(base_w, _CH)],
                              wsem_b).wait()
        pltpu.make_async_copy(bb2, g2_hbm.at[pl.ds(base_w, _CH)],
                              wsem_b).wait()

    return _gather_body


def _sc_gather(a, b, row, col, off, size):
    mesh = plsc.VectorSubcoreMesh(core_axis_name="c", subcore_axis_name="s")
    fn = pl.kernel(
        _make_gather_body(off, size // _NW),
        out_type=[jax.ShapeDtypeStruct((size, _H), _f32)] * 2,
        mesh=mesh,
        scratch_types=[
            pltpu.VMEM((_CH,), jnp.int32),
            pltpu.VMEM((_CH,), jnp.int32),
            pltpu.VMEM((_CH, _H), _f32),
            pltpu.VMEM((_CH, _H), _f32),
            pltpu.VMEM((_CH,), jnp.int32),
            pltpu.VMEM((_CH,), jnp.int32),
            pltpu.VMEM((_CH, _H), _f32),
            pltpu.VMEM((_CH, _H), _f32),
            pltpu.SemaphoreType.DMA,
            pltpu.SemaphoreType.DMA,
            pltpu.SemaphoreType.DMA,
            pltpu.SemaphoreType.DMA,
        ],
    )
    return fn(a, b, row, col)



def _silu(x):
    return x * (0.5 + 0.5 * jnp.tanh(0.5 * x))


def _edge_body(g1_ref, g2_ref, w2_ref, b2_ref, out_ref):
    x = _silu(g1_ref[...] + g2_ref[...])
    y = (jnp.dot(x.astype(_bf16), w2_ref[...].astype(_bf16),
                 preferred_element_type=_f32) + b2_ref[...])
    out_ref[...] = _silu(y)


def _edge_mlp(g1, g2, We2, be2_2d):
    be = 2000
    return pl.pallas_call(
        _edge_body,
        grid=(g1.shape[0] // be,),
        in_specs=[
            pl.BlockSpec((be, _H), lambda i: (i, 0)),
            pl.BlockSpec((be, _H), lambda i: (i, 0)),
            pl.BlockSpec((_H, _H), lambda i: (0, 0)),
            pl.BlockSpec((1, _H), lambda i: (0, 0)),
        ],
        out_specs=pl.BlockSpec((be, _H), lambda i: (i, 0)),
        out_shape=jax.ShapeDtypeStruct((g1.shape[0], _H), _f32),
    )(g1, g2, We2, be2_2d)



def _make_scatter_body(off, epw):
    nchs = epw // _CHS

    def _scatter_body(e2_hbm, row_hbm, out_hbm, idx_a, ebuf_a, zbuf_v,
                      acc_sh):
        c = lax.axis_index("c")
        s = lax.axis_index("s")
        wid = s * _NC + c

        def zfill(t, carry):
            zbuf_v[t // 8, pl.ds((t % 8) * 16, 16)] = jnp.zeros((16,), _f32)
            return carry

        lax.fori_loop(0, _RST * 8, zfill, 0)

        def zslice(j, carry):
            pltpu.sync_copy(zbuf_v,
                            acc_sh.at[pl.ds(s * _RPT + j * _RST, _RST)])
            return carry

        lax.fori_loop(0, _RPT // _RST, zslice, 0)
        plsc.subcore_barrier()

        base_w = wid * epw

        def step(k, carry):
            base = base_w + k * _CHS
            pltpu.sync_copy(row_hbm.at[pl.ds(off + base, _CHS)], idx_a)
            pltpu.sync_copy(e2_hbm.at[pl.ds(base, _CHS)], ebuf_a)
            pltpu.sync_copy(ebuf_a, acc_sh.at[idx_a], add=True)
            return carry

        lax.fori_loop(0, nchs, step, 0)
        plsc.subcore_barrier()

        r0 = s * _RPT
        pltpu.sync_copy(acc_sh.at[pl.ds(r0, _RPT)],
                        out_hbm.at[c, pl.ds(r0, _RPT)])

    return _scatter_body


def _sc_scatter(e2, row, off):
    mesh = plsc.VectorSubcoreMesh(core_axis_name="c", subcore_axis_name="s")
    fn = pl.kernel(
        _make_scatter_body(off, e2.shape[0] // _NW),
        out_type=jax.ShapeDtypeStruct((_NC, _NP, _H), _f32),
        mesh=mesh,
        scratch_types=[
            pltpu.VMEM((_CHS,), jnp.int32),
            pltpu.VMEM((_CHS, _H), _f32),
            pltpu.VMEM((_RST, _H), _f32),
            pltpu.VMEM_SHARED((_NP, _H), _f32),
        ],
    )
    return fn(e2, row)



def _node_body(h_ref, p0_ref, p1_ref, wa_ref, wb_ref, b1_ref, w2_ref,
               b2_ref, out_ref):
    hb = h_ref[...]
    agg = (p0_ref[0] + p0_ref[1] + p1_ref[0] + p1_ref[1]) * (1.0 / _NORM)
    x = (jnp.dot(hb, wa_ref[...], preferred_element_type=_f32)
         + jnp.dot(agg, wb_ref[...], preferred_element_type=_f32)
         + b1_ref[...])
    x = _silu(x)
    z = jnp.dot(x, w2_ref[...], preferred_element_type=_f32) + b2_ref[...]
    out_ref[...] = hb + z


def _node_mlp(h, p0, p1, wa, wb, bn1_2d, Wn2, bn2_2d):
    bn = 1000
    pspec = pl.BlockSpec((_NC, bn, _H), lambda i: (0, i, 0))
    return pl.pallas_call(
        _node_body,
        grid=(_N // bn,),
        in_specs=[
            pl.BlockSpec((bn, _D), lambda i: (i, 0)),
            pspec,
            pspec,
            pl.BlockSpec((_D, _H), lambda i: (0, 0)),
            pl.BlockSpec((_H, _H), lambda i: (0, 0)),
            pl.BlockSpec((1, _H), lambda i: (0, 0)),
            pl.BlockSpec((_H, _D), lambda i: (0, 0)),
            pl.BlockSpec((1, _D), lambda i: (0, 0)),
        ],
        out_specs=pl.BlockSpec((bn, _D), lambda i: (i, 0)),
        out_shape=jax.ShapeDtypeStruct((_N, _D), _f32),
    )(h, p0, p1, wa, wb, bn1_2d, Wn2, bn2_2d)



def kernel(h, edge_index, We1, be1, We2, be2, Wn1, bn1, Wn2, bn2):
    a, b, row, col = _precompute(h, We1[:_D], We1[_D:], be1.reshape(1, _H),
                                 edge_index)
    be2_2d = be2.reshape(1, _H)
    partials = []
    for off, size in _PARTS:
        g1, g2 = _sc_gather(a, b, row, col, off, size)
        e2 = _edge_mlp(g1, g2, We2, be2_2d)
        partials.append(_sc_scatter(e2, row, off))
    return _node_mlp(h, partials[0], partials[1], Wn1[:_D],
                     Wn1[_D:], bn1.reshape(1, _H), Wn2, bn2.reshape(1, _D))

# --- scband reference (transcript-rebuilt; emitter-appended) ---
"""Pipeline reference for scband-gcl-39951785787492 (READ-ONLY COPY).

The authoritative reference and input builder live on the scoring server;
editing this copy changes nothing except your own understanding.
"""

import jax, jax.numpy as jnp
import numpy as np

N = 10000
E = 320000
D = 128
H = 128
NORM = 100.0


def _uniform(key, shape, fan_in):
    s = 1.0 / np.sqrt(fan_in)
    return jax.random.uniform(key, shape, minval=-s, maxval=s, dtype=jnp.float32)


def setup_inputs(seed: int = 0) -> dict:
    key = jax.random.key(seed)
    ks = jax.random.split(key, 12)
    h = jax.random.normal(ks[0], (N, D), dtype=jnp.float32)
    edge_index = jax.random.randint(ks[1], (2, E), 0, N, dtype=jnp.int32)
    # edge_mlp: Linear(2*D, H), SiLU, Linear(H, H), SiLU
    We1 = _uniform(ks[2], (2 * D, H), 2 * D)
    be1 = _uniform(ks[3], (H,), 2 * D)
    We2 = _uniform(ks[4], (H, H), H)
    be2 = _uniform(ks[5], (H,), H)
    # node_mlp: Linear(H + D, H), SiLU, Linear(H, D)
    Wn1 = _uniform(ks[6], (H + D, H), H + D)
    bn1 = _uniform(ks[7], (H,), H + D)
    Wn2 = _uniform(ks[8], (H, D), H)
    bn2 = _uniform(ks[9], (D,), H)
    return {"h": h, "edge_index": edge_index, "We1": We1, "be1": be1,
            "We2": We2, "be2": be2, "Wn1": Wn1, "bn1": bn1,
            "Wn2": Wn2, "bn2": bn2}


def reference(h, edge_index, We1, be1, We2, be2, Wn1, bn1, Wn2, bn2):
    row = edge_index[0]
    col = edge_index[1]
    # edge_model: gather endpoint features, concat, 2-layer SiLU MLP
    source = jnp.take(h, row, axis=0)
    target = jnp.take(h, col, axis=0)
    e = jnp.concatenate([source, target], axis=1)
    e = jax.nn.silu(e @ We1 + be1)
    e = jax.nn.silu(e @ We2 + be2)
    # node_model: unsorted_segment_sum over row (dst), 'sum' normalization
    agg = jax.ops.segment_sum(e, row, num_segments=h.shape[0]) / NORM
    z = jnp.concatenate([h, agg], axis=1)
    z = jax.nn.silu(z @ Wn1 + bn1)
    z = z @ Wn2 + bn2
    return h + z

if __name__ == "__main__":
    import jax
    _d = setup_inputs()
    print(jax.jit(kernel)(*tuple(_d.values())))

</pallas_src>

<mosaic_0001>
#map = affine_map<(d0, d1) -> (0, 0)>
#map1 = affine_map<(d0, d1) -> (0)>
module attributes {stable_mosaic.version = 14 : i64} {
  func.func @_gather_body(%arg0: i32, %arg1: i32, %arg2: memref<10000x128xf32, #tpu.memory_space<hbm>>, %arg3: memref<10000x128xf32, #tpu.memory_space<hbm>>, %arg4: memref<327680xi32, #tpu.memory_space<hbm>>, %arg5: memref<327680xi32, #tpu.memory_space<hbm>>, %arg6: memref<160000x128xf32, #tpu.memory_space<hbm>>, %arg7: memref<160000x128xf32, #tpu.memory_space<hbm>>, %arg8: memref<200xi32, #tpu.memory_space<vmem>>, %arg9: memref<200xi32, #tpu.memory_space<vmem>>, %arg10: memref<200x128xf32, #tpu.memory_space<vmem>>, %arg11: memref<200x128xf32, #tpu.memory_space<vmem>>, %arg12: memref<200xi32, #tpu.memory_space<vmem>>, %arg13: memref<200xi32, #tpu.memory_space<vmem>>, %arg14: memref<200x128xf32, #tpu.memory_space<vmem>>, %arg15: memref<200x128xf32, #tpu.memory_space<vmem>>, %arg16: memref<!tpu.dma_semaphore, #tpu.memory_space<semaphore_mem>>, %arg17: memref<!tpu.dma_semaphore, #tpu.memory_space<semaphore_mem>>, %arg18: memref<!tpu.dma_semaphore, #tpu.memory_space<semaphore_mem>>, %arg19: memref<!tpu.dma_semaphore, #tpu.memory_space<semaphore_mem>>) attributes {dimension_semantics = [#tpu.dimension_semantics<core_parallel>, #tpu.dimension_semantics<subcore_parallel>], iteration_bounds = array<i64: 2, 16>, scalar_prefetch = 0 : i64, scratch_operands = 12 : i64, tpu.core_type = #tpu.core_type<sc_vector_subcore>, window_params = [{transform_indices = #map}, {transform_indices = #map}, {transform_indices = #map1}, {transform_indices = #map1}, {transform_indices = #map}, {transform_indices = #map}]} {
    %mul3A = arith.constant 2 : i32
    %mul3A_0 = arith.muli %arg1, %mul3A : i32
    %add3A = arith.addi %mul3A_0, %arg0 : i32
    %mul3A_1 = arith.constant 5000 : i32
    %mul3A_2 = arith.muli %add3A, %mul3A_1 : i32
    %add3A_3 = arith.constant 0 : i32
    %add3A_4 = arith.addi %mul3A_2, %add3A_3 : i32
    %add3A_5 = arith.constant 160000 : i32
    %add3A_6 = arith.addi %add3A_5, %add3A_4 : i32
    "tpu.region"() ({
      %run_scoped3A = tpu.sem_alloc : memref<!tpu.dma_semaphore, #tpu.memory_space<semaphore_mem>>
      %dma_start3A_108 = tpu.memref_slice %arg4[%add3A_6] : memref<327680xi32, #tpu.memory_space<hbm>> -> memref<200xi32, #tpu.memory_space<hbm>>
      %dma_start3A_109 = tpu.memref_slice %arg4[%add3A_6] : memref<327680xi32, #tpu.memory_space<hbm>> -> memref<200xi32, #tpu.memory_space<hbm>>
      tpu.enqueue_dma source(%dma_start3A_109 : memref<200xi32, #tpu.memory_space<hbm>>) target(%arg8 : memref<200xi32, #tpu.memory_space<vmem>>) target_semaphore(%run_scoped3A : memref<!tpu.dma_semaphore, #tpu.memory_space<semaphore_mem>>)
      %dma_wait3A_110 = tpu.memref_slice %arg4[%add3A_6] : memref<327680xi32, #tpu.memory_space<hbm>> -> memref<200xi32, #tpu.memory_space<hbm>>
      %dma_wait3A_111 = tpu.memref_slice %arg4[%add3A_6] : memref<327680xi32, #tpu.memory_space<hbm>> -> memref<200xi32, #tpu.memory_space<hbm>>
      tpu.wait_dma2 semaphore(%run_scoped3A : memref<!tpu.dma_semaphore, #tpu.memory_space<semaphore_mem>>) src(%dma_wait3A_111 : memref<200xi32, #tpu.memory_space<hbm>>) dst(%arg8 : memref<200xi32, #tpu.memory_space<vmem>>)
      tpu.yield
    }) : () -> ()
    %add3A_7 = arith.constant 160000 : i32
    %add3A_8 = arith.addi %add3A_7, %add3A_4 : i32
    "tpu.region"() ({
      %run_scoped3A = tpu.sem_alloc : memref<!tpu.dma_semaphore, #tpu.memory_space<semaphore_mem>>
      %dma_start3A_108 = tpu.memref_slice %arg5[%add3A_8] : memref<327680xi32, #tpu.memory_space<hbm>> -> memref<200xi32, #tpu.memory_space<hbm>>
      %dma_start3A_109 = tpu.memref_slice %arg5[%add3A_8] : memref<327680xi32, #tpu.memory_space<hbm>> -> memref<200xi32, #tpu.memory_space<hbm>>
      tpu.enqueue_dma source(%dma_start3A_109 : memref<200xi32, #tpu.memory_space<hbm>>) target(%arg9 : memref<200xi32, #tpu.memory_space<vmem>>) target_semaphore(%run_scoped3A : memref<!tpu.dma_semaphore, #tpu.memory_space<semaphore_mem>>)
      %dma_wait3A_110 = tpu.memref_slice %arg5[%add3A_8] : memref<327680xi32, #tpu.memory_space<hbm>> -> memref<200xi32, #tpu.memory_space<hbm>>
      %dma_wait3A_111 = tpu.memref_slice %arg5[%add3A_8] : memref<327680xi32, #tpu.memory_space<hbm>> -> memref<200xi32, #tpu.memory_space<hbm>>
      tpu.wait_dma2 semaphore(%run_scoped3A : memref<!tpu.dma_semaphore, #tpu.memory_space<semaphore_mem>>) src(%dma_wait3A_111 : memref<200xi32, #tpu.memory_space<hbm>>) dst(%arg9 : memref<200xi32, #tpu.memory_space<vmem>>)
      tpu.yield
    }) : () -> ()
    %dma_start3A = arith.constant 0 : i32
    %dma_start3A_9 = arith.constant 0 : i32
    %dma_start3A_10 = tpu.memref_slice %arg2[%dma_start3A, %dma_start3A_9] : memref<10000x128xf32, #tpu.memory_space<hbm>> -> memref<10000x128xf32, #tpu.memory_space<hbm>>
    tpu.enqueue_indirect_dma source(%dma_start3A_10 : memref<10000x128xf32, #tpu.memory_space<hbm>>) target(%arg10 : memref<200x128xf32, #tpu.memory_space<vmem>>) offsets(%arg8 : memref<200xi32, #tpu.memory_space<vmem>>) semaphore(%arg16 : memref<!tpu.dma_semaphore, #tpu.memory_space<semaphore_mem>>)
    %dma_start3A_11 = arith.constant 0 : i32
    %dma_start3A_12 = arith.constant 0 : i32
    %dma_start3A_13 = tpu.memref_slice %arg3[%dma_start3A_11, %dma_start3A_12] : memref<10000x128xf32, #tpu.memory_space<hbm>> -> memref<10000x128xf32, #tpu.memory_space<hbm>>
    tpu.enqueue_indirect_dma source(%dma_start3A_13 : memref<10000x128xf32, #tpu.memory_space<hbm>>) target(%arg11 : memref<200x128xf32, #tpu.memory_space<vmem>>) offsets(%arg9 : memref<200xi32, #tpu.memory_space<vmem>>) semaphore(%arg17 : memref<!tpu.dma_semaphore, #tpu.memory_space<semaphore_mem>>)
    %dma_wait3A = arith.constant 0 : i32
    %dma_wait3A_14 = arith.constant 0 : i32
    %dma_wait3A_15 = tpu.memref_slice %arg2[%dma_wait3A, %dma_wait3A_14] : memref<10000x128xf32, #tpu.memory_space<hbm>> -> memref<10000x128xf32, #tpu.memory_space<hbm>>
    tpu.wait_indirect_dma semaphore(%arg16 : memref<!tpu.dma_semaphore, #tpu.memory_space<semaphore_mem>>) src(%dma_wait3A_15 : memref<10000x128xf32, #tpu.memory_space<hbm>>) dst(%arg10 : memref<200x128xf32, #tpu.memory_space<vmem>>)
    %dma_wait3A_16 = arith.constant 0 : i32
    %dma_wait3A_17 = arith.constant 0 : i32
    %dma_wait3A_18 = tpu.memref_slice %arg3[%dma_wait3A_16, %dma_wait3A_17] : memref<10000x128xf32, #tpu.memory_space<hbm>> -> memref<10000x128xf32, #tpu.memory_space<hbm>>
    tpu.wait_indirect_dma semaphore(%arg17 : memref<!tpu.dma_semaphore, #tpu.memory_space<semaphore_mem>>) src(%dma_wait3A_18 : memref<10000x128xf32, #tpu.memory_space<hbm>>) dst(%arg11 : memref<200x128xf32, #tpu.memory_space<vmem>>)
    %dma_start3A_19 = arith.constant 0 : i32
    %dma_start3A_20 = tpu.memref_slice %arg6[%add3A_4, %dma_start3A_19] : memref<160000x128xf32, #tpu.memory_space<hbm>> -> memref<200x128xf32, #tpu.memory_space<hbm>>
    %dma_start3A_21 = arith.constant 0 : i32
    %dma_start3A_22 = tpu.memref_slice %arg6[%add3A_4, %dma_start3A_21] : memref<160000x128xf32, #tpu.memory_space<hbm>> -> memref<200x128xf32, #tpu.memory_space<hbm>>
    tpu.enqueue_dma source(%arg10 : memref<200x128xf32, #tpu.memory_space<vmem>>) target(%dma_start3A_22 : memref<200x128xf32, #tpu.memory_space<hbm>>) target_semaphore(%arg18 : memref<!tpu.dma_semaphore, #tpu.memory_space<semaphore_mem>>)
    %dma_start3A_23 = arith.constant 0 : i32
    %dma_start3A_24 = tpu.memref_slice %arg7[%add3A_4, %dma_start3A_23] : memref<160000x128xf32, #tpu.memory_space<hbm>> -> memref<200x128xf32, #tpu.memory_space<hbm>>
    %dma_start3A_25 = arith.constant 0 : i32
    %dma_start3A_26 = tpu.memref_slice %arg7[%add3A_4, %dma_start3A_25] : memref<160000x128xf32, #tpu.memory_space<hbm>> -> memref<200x128xf32, #tpu.memory_space<hbm>>
    tpu.enqueue_dma source(%arg11 : memref<200x128xf32, #tpu.memory_space<vmem>>) target(%dma_start3A_26 : memref<200x128xf32, #tpu.memory_space<hbm>>) target_semaphore(%arg18 : memref<!tpu.dma_semaphore, #tpu.memory_space<semaphore_mem>>)
    %add3A_27 = arith.constant 200 : i32
    %add3A_28 = arith.addi %mul3A_2, %add3A_27 : i32
    %add3A_29 = arith.constant 160000 : i32
    %add3A_30 = arith.addi %add3A_29, %add3A_28 : i32
    "tpu.region"() ({
      %run_scoped3A = tpu.sem_alloc : memref<!tpu.dma_semaphore, #tpu.memory_space<semaphore_mem>>
      %dma_start3A_108 = tpu.memref_slice %arg4[%add3A_30] : memref<327680xi32, #tpu.memory_space<hbm>> -> memref<200xi32, #tpu.memory_space<hbm>>
      %dma_start3A_109 = tpu.memref_slice %arg4[%add3A_30] : memref<327680xi32, #tpu.memory_space<hbm>> -> memref<200xi32, #tpu.memory_space<hbm>>
      tpu.enqueue_dma source(%dma_start3A_109 : memref<200xi32, #tpu.memory_space<hbm>>) target(%arg12 : memref<200xi32, #tpu.memory_space<vmem>>) target_semaphore(%run_scoped3A : memref<!tpu.dma_semaphore, #tpu.memory_space<semaphore_mem>>)
      %dma_wait3A_110 = tpu.memref_slice %arg4[%add3A_30] : memref<327680xi32, #tpu.memory_space<hbm>> -> memref<200xi32, #tpu.memory_space<hbm>>
      %dma_wait3A_111 = tpu.memref_slice %arg4[%add3A_30] : memref<327680xi32, #tpu.memory_space<hbm>> -> memref<200xi32, #tpu.memory_space<hbm>>
      tpu.wait_dma2 semaphore(%run_scoped3A : memref<!tpu.dma_semaphore, #tpu.memory_space<semaphore_mem>>) src(%dma_wait3A_111 : memref<200xi32, #tpu.memory_space<hbm>>) dst(%arg12 : memref<200xi32, #tpu.memory_space<vmem>>)
      tpu.yield
    }) : () -> ()
    %add3A_31 = arith.constant 160000 : i32
    %add3A_32 = arith.addi %add3A_31, %add3A_28 : i32
    "tpu.region"() ({
      %run_scoped3A = tpu.sem_alloc : memref<!tpu.dma_semaphore, #tpu.memory_space<semaphore_mem>>
      %dma_start3A_108 = tpu.memref_slice %arg5[%add3A_32] : memref<327680xi32, #tpu.memory_space<hbm>> -> memref<200xi32, #tpu.memory_space<hbm>>
      %dma_start3A_109 = tpu.memref_slice %arg5[%add3A_32] : memref<327680xi32, #tpu.memory_space<hbm>> -> memref<200xi32, #tpu.memory_space<hbm>>
      tpu.enqueue_dma source(%dma_start3A_109 : memref<200xi32, #tpu.memory_space<hbm>>) target(%arg13 : memref<200xi32, #tpu.memory_space<vmem>>) target_semaphore(%run_scoped3A : memref<!tpu.dma_semaphore, #tpu.memory_space<semaphore_mem>>)
      %dma_wait3A_110 = tpu.memref_slice %arg5[%add3A_32] : memref<327680xi32, #tpu.memory_space<hbm>> -> memref<200xi32, #tpu.memory_space<hbm>>
      %dma_wait3A_111 = tpu.memref_slice %arg5[%add3A_32] : memref<327680xi32, #tpu.memory_space<hbm>> -> memref<200xi32, #tpu.memory_space<hbm>>
      tpu.wait_dma2 semaphore(%run_scoped3A : memref<!tpu.dma_semaphore, #tpu.memory_space<semaphore_mem>>) src(%dma_wait3A_111 : memref<200xi32, #tpu.memory_space<hbm>>) dst(%arg13 : memref<200xi32, #tpu.memory_space<vmem>>)
      tpu.yield
    }) : () -> ()
    %dma_start3A_33 = arith.constant 0 : i32
    %dma_start3A_34 = arith.constant 0 : i32
    %dma_start3A_35 = tpu.memref_slice %arg2[%dma_start3A_33, %dma_start3A_34] : memref<10000x128xf32, #tpu.memory_space<hbm>> -> memref<10000x128xf32, #tpu.memory_space<hbm>>
    tpu.enqueue_indirect_dma source(%dma_start3A_35 : memref<10000x128xf32, #tpu.memory_space<hbm>>) target(%arg14 : memref<200x128xf32, #tpu.memory_space<vmem>>) offsets(%arg12 : memref<200xi32, #tpu.memory_space<vmem>>) semaphore(%arg16 : memref<!tpu.dma_semaphore, #tpu.memory_space<semaphore_mem>>)
    %dma_start3A_36 = arith.constant 0 : i32
    %dma_start3A_37 = arith.constant 0 : i32
    %dma_start3A_38 = tpu.memref_slice %arg3[%dma_start3A_36, %dma_start3A_37] : memref<10000x128xf32, #tpu.memory_space<hbm>> -> memref<10000x128xf32, #tpu.memory_space<hbm>>
    tpu.enqueue_indirect_dma source(%dma_start3A_38 : memref<10000x128xf32, #tpu.memory_space<hbm>>) target(%arg15 : memref<200x128xf32, #tpu.memory_space<vmem>>) offsets(%arg13 : memref<200xi32, #tpu.memory_space<vmem>>) semaphore(%arg17 : memref<!tpu.dma_semaphore, #tpu.memory_space<semaphore_mem>>)
    %dma_wait3A_39 = arith.constant 0 : i32
    %dma_wait3A_40 = arith.constant 0 : i32
    %dma_wait3A_41 = tpu.memref_slice %arg2[%dma_wait3A_39, %dma_wait3A_40] : memref<10000x128xf32, #tpu.memory_space<hbm>> -> memref<10000x128xf32, #tpu.memory_space<hbm>>
    tpu.wait_indirect_dma semaphore(%arg16 : memref<!tpu.dma_semaphore, #tpu.memory_space<semaphore_mem>>) src(%dma_wait3A_41 : memref<10000x128xf32, #tpu.memory_space<hbm>>) dst(%arg14 : memref<200x128xf32, #tpu.memory_space<vmem>>)
    %dma_wait3A_42 = arith.constant 0 : i32
    %dma_wait3A_43 = arith.constant 0 : i32
    %dma_wait3A_44 = tpu.memref_slice %arg3[%dma_wait3A_42, %dma_wait3A_43] : memref<10000x128xf32, #tpu.memory_space<hbm>> -> memref<10000x128xf32, #tpu.memory_space<hbm>>
    tpu.wait_indirect_dma semaphore(%arg17 : memref<!tpu.dma_semaphore, #tpu.memory_space<semaphore_mem>>) src(%dma_wait3A_44 : memref<10000x128xf32, #tpu.memory_space<hbm>>) dst(%arg15 : memref<200x128xf32, #tpu.memory_space<vmem>>)
    %dma_start3A_45 = arith.constant 0 : i32
    %dma_start3A_46 = tpu.memref_slice %arg6[%add3A_28, %dma_start3A_45] : memref<160000x128xf32, #tpu.memory_space<hbm>> -> memref<200x128xf32, #tpu.memory_space<hbm>>
    %dma_start3A_47 = arith.constant 0 : i32
    %dma_start3A_48 = tpu.memref_slice %arg6[%add3A_28, %dma_start3A_47] : memref<160000x128xf32, #tpu.memory_space<hbm>> -> memref<200x128xf32, #tpu.memory_space<hbm>>
    tpu.enqueue_dma source(%arg14 : memref<200x128xf32, #tpu.memory_space<vmem>>) target(%dma_start3A_48 : memref<200x128xf32, #tpu.memory_space<hbm>>) target_semaphore(%arg19 : memref<!tpu.dma_semaphore, #tpu.memory_space<semaphore_mem>>)
    %dma_start3A_49 = arith.constant 0 : i32
    %dma_start3A_50 = tpu.memref_slice %arg7[%add3A_28, %dma_start3A_49] : memref<160000x128xf32, #tpu.memory_space<hbm>> -> memref<200x128xf32, #tpu.memory_space<hbm>>
    %dma_start3A_51 = arith.constant 0 : i32
    %dma_start3A_52 = tpu.memref_slice %arg7[%add3A_28, %dma_start3A_51] : memref<160000x128xf32, #tpu.memory_space<hbm>> -> memref<200x128xf32, #tpu.memory_space<hbm>>
    tpu.enqueue_dma source(%arg15 : memref<200x128xf32, #tpu.memory_space<vmem>>) target(%dma_start3A_52 : memref<200x128xf32, #tpu.memory_space<hbm>>) target_semaphore(%arg19 : memref<!tpu.dma_semaphore, #tpu.memory_space<semaphore_mem>>)
    %scan3A = arith.constant 0 : i32
    %scan3A_53 = arith.constant 1 : i32
    %scan3A_54 = arith.constant 11 : i32
    %scan3A_55 = arith.addi %scan3A_53, %scan3A_54 : i32
    %scan3A_56 = arith.constant 1 : i32
    scf.for %scan3A_108 = %scan3A_53 to %scan3A_55 step %scan3A_56  : i32 {
      %mul3A_109 = arith.constant 2 : i32
      %mul3A_110 = arith.muli %mul3A_109, %scan3A_108 : i32
      %mul3A_111 = arith.constant 200 : i32
      %mul3A_112 = arith.muli %mul3A_110, %mul3A_111 : i32
      %add3A_113 = arith.addi %mul3A_2, %mul3A_112 : i32
      %dma_wait3A_114 = arith.constant 0 : i32
      %dma_wait3A_115 = tpu.memref_slice %arg6[%add3A_113, %dma_wait3A_114] : memref<160000x128xf32, #tpu.memory_space<hbm>> -> memref<200x128xf32, #tpu.memory_space<hbm>>
      %dma_wait3A_116 = arith.constant 0 : i32
      %dma_wait3A_117 = tpu.memref_slice %arg6[%add3A_113, %dma_wait3A_116] : memref<160000x128xf32, #tpu.memory_space<hbm>> -> memref<200x128xf32, #tpu.memory_space<hbm>>
      tpu.wait_dma2 semaphore(%arg18 : memref<!tpu.dma_semaphore, #tpu.memory_space<semaphore_mem>>) src(%arg10 : memref<200x128xf32, #tpu.memory_space<vmem>>) dst(%dma_wait3A_117 : memref<200x128xf32, #tpu.memory_space<hbm>>)
      %dma_wait3A_118 = arith.constant 0 : i32
      %dma_wait3A_119 = tpu.memref_slice %arg7[%add3A_113, %dma_wait3A_118] : memref<160000x128xf32, #tpu.memory_space<hbm>> -> memref<200x128xf32, #tpu.memory_space<hbm>>
      %dma_wait3A_120 = arith.constant 0 : i32
      %dma_wait3A_121 = tpu.memref_slice %arg7[%add3A_113, %dma_wait3A_120] : memref<160000x128xf32, #tpu.memory_space<hbm>> -> memref<200x128xf32, #tpu.memory_space<hbm>>
      tpu.wait_dma2 semaphore(%arg18 : memref<!tpu.dma_semaphore, #tpu.memory_space<semaphore_mem>>) src(%arg11 : memref<200x128xf32, #tpu.memory_space<vmem>>) dst(%dma_wait3A_121 : memref<200x128xf32, #tpu.memory_space<hbm>>)
      %add3A_122 = arith.constant 160000 : i32
      %add3A_123 = arith.addi %add3A_122, %add3A_113 : i32
      "tpu.region"() ({
        %run_scoped3A = tpu.sem_alloc : memref<!tpu.dma_semaphore, #tpu.memory_space<semaphore_mem>>
        %dma_start3A_185 = tpu.memref_slice %arg4[%add3A_123] : memref<327680xi32, #tpu.memory_space<hbm>> -> memref<200xi32, #tpu.memory_space<hbm>>
        %dma_start3A_186 = tpu.memref_slice %arg4[%add3A_123] : memref<327680xi32, #tpu.memory_space<hbm>> -> memref<200xi32, #tpu.memory_space<hbm>>
        tpu.enqueue_dma source(%dma_start3A_186 : memref<200xi32, #tpu.memory_space<hbm>>) target(%arg8 : memref<200xi32, #tpu.memory_space<vmem>>) target_semaphore(%run_scoped3A : memref<!tpu.dma_semaphore, #tpu.memory_space<semaphore_mem>>)
        %dma_wait3A_187 = tpu.memref_slice %arg4[%add3A_123] : memref<327680xi32, #tpu.memory_space<hbm>> -> memref<200xi32, #tpu.memory_space<hbm>>
        %dma_wait3A_188 = tpu.memref_slice %arg4[%add3A_123] : memref<327680xi32, #tpu.memory_space<hbm>> -> memref<200xi32, #tpu.memory_space<hbm>>
        tpu.wait_dma2 semaphore(%run_scoped3A : memref<!tpu.dma_semaphore, #tpu.memory_space<semaphore_mem>>) src(%dma_wait3A_188 : memref<200xi32, #tpu.memory_space<hbm>>) dst(%arg8 : memref<200xi32, #tpu.memory_space<vmem>>)
        tpu.yield
      }) : () -> ()
      %add3A_124 = arith.constant 160000 : i32
      %add3A_125 = arith.addi %add3A_124, %add3A_113 : i32
      "tpu.region"() ({
        %run_scoped3A = tpu.sem_alloc : memref<!tpu.dma_semaphore, #tpu.memory_space<semaphore_mem>>
        %dma_start3A_185 = tpu.memref_slice %arg5[%add3A_125] : memref<327680xi32, #tpu.memory_space<hbm>> -> memref<200xi32, #tpu.memory_space<hbm>>
        %dma_start3A_186 = tpu.memref_slice %arg5[%add3A_125] : memref<327680xi32, #tpu.memory_space<hbm>> -> memref<200xi32, #tpu.memory_space<hbm>>
        tpu.enqueue_dma source(%dma_start3A_186 : memref<200xi32, #tpu.memory_space<hbm>>) target(%arg9 : memref<200xi32, #tpu.memory_space<vmem>>) target_semaphore(%run_scoped3A : memref<!tpu.dma_semaphore, #tpu.memory_space<semaphore_mem>>)
        %dma_wait3A_187 = tpu.memref_slice %arg5[%add3A_125] : memref<327680xi32, #tpu.memory_space<hbm>> -> memref<200xi32, #tpu.memory_space<hbm>>
        %dma_wait3A_188 = tpu.memref_slice %arg5[%add3A_125] : memref<327680xi32, #tpu.memory_space<hbm>> -> memref<200xi32, #tpu.memory_space<hbm>>
        tpu.wait_dma2 semaphore(%run_scoped3A : memref<!tpu.dma_semaphore, #tpu.memory_space<semaphore_mem>>) src(%dma_wait3A_188 : memref<200xi32, #tpu.memory_space<hbm>>) dst(%arg9 : memref<200xi32, #tpu.memory_space<vmem>>)
        tpu.yield
      }) : () -> ()
      %dma_start3A_126 = arith.constant 0 : i32
      %dma_start3A_127 = arith.constant 0 : i32
      %dma_start3A_128 = tpu.memref_slice %arg2[%dma_start3A_126, %dma_start3A_127] : memref<10000x128xf32, #tpu.memory_space<hbm>> -> memref<10000x128xf32, #tpu.memory_space<hbm>>
      tpu.enqueue_indirect_dma source(%dma_start3A_128 : memref<10000x128xf32, #tpu.memory_space<hbm>>) target(%arg10 : memref<200x128xf32, #tpu.memory_space<vmem>>) offsets(%arg8 : memref<200xi32, #tpu.memory_space<vmem>>) semaphore(%arg16 : memref<!tpu.dma_semaphore, #tpu.memory_space<semaphore_mem>>)
      %dma_start3A_129 = arith.constant 0 : i32
      %dma_start3A_130 = arith.constant 0 : i32
      %dma_start3A_131 = tpu.memref_slice %arg3[%dma_start3A_129, %dma_start3A_130] : memref<10000x128xf32, #tpu.memory_space<hbm>> -> memref<10000x128xf32, #tpu.memory_space<hbm>>
      tpu.enqueue_indirect_dma source(%dma_start3A_131 : memref<10000x128xf32, #tpu.memory_space<hbm>>) target(%arg11 : memref<200x128xf32, #tpu.memory_space<vmem>>) offsets(%arg9 : memref<200xi32, #tpu.memory_space<vmem>>) semaphore(%arg17 : memref<!tpu.dma_semaphore, #tpu.memory_space<semaphore_mem>>)
      %dma_wait3A_132 = arith.constant 0 : i32
      %dma_wait3A_133 = arith.constant 0 : i32
      %dma_wait3A_134 = tpu.memref_slice %arg2[%dma_wait3A_132, %dma_wait3A_133] : memref<10000x128xf32, #tpu.memory_space<hbm>> -> memref<10000x128xf32, #tpu.memory_space<hbm>>
      tpu.wait_indirect_dma semaphore(%arg16 : memref<!tpu.dma_semaphore, #tpu.memory_space<semaphore_mem>>) src(%dma_wait3A_134 : memref<10000x128xf32, #tpu.memory_space<hbm>>) dst(%arg10 : memref<200x128xf32, #tpu.memory_space<vmem>>)
      %dma_wait3A_135 = arith.constant 0 : i32
      %dma_wait3A_136 = arith.constant 0 : i32
      %dma_wait3A_137 = tpu.memref_slice %arg3[%dma_wait3A_135, %dma_wait3A_136] : memref<10000x128xf32, #tpu.memory_space<hbm>> -> memref<10000x128xf32, #tpu.memory_space<hbm>>
      tpu.wait_indirect_dma semaphore(%arg17 : memref<!tpu.dma_semaphore, #tpu.memory_space<semaphore_mem>>) src(%dma_wait3A_137 : memref<10000x128xf32, #tpu.memory_space<hbm>>) dst(%arg11 : memref<200x128xf32, #tpu.memory_space<vmem>>)
      %dma_start3A_138 = arith.constant 0 : i32
      %dma_start3A_139 = tpu.memref_slice %arg6[%add3A_113, %dma_start3A_138] : memref<160000x128xf32, #tpu.memory_space<hbm>> -> memref<200x128xf32, #tpu.memory_space<hbm>>
      %dma_start3A_140 = arith.constant 0 : i32
      %dma_start3A_141 = tpu.memref_slice %arg6[%add3A_113, %dma_start3A_140] : memref<160000x128xf32, #tpu.memory_space<hbm>> -> memref<200x128xf32, #tpu.memory_space<hbm>>
      tpu.enqueue_dma source(%arg10 : memref<200x128xf32, #tpu.memory_space<vmem>>) target(%dma_start3A_141 : memref<200x128xf32, #tpu.memory_space<hbm>>) target_semaphore(%arg18 : memref<!tpu.dma_semaphore, #tpu.memory_space<semaphore_mem>>)
      %dma_start3A_142 = arith.constant 0 : i32
      %dma_start3A_143 = tpu.memref_slice %arg7[%add3A_113, %dma_start3A_142] : memref<160000x128xf32, #tpu.memory_space<hbm>> -> memref<200x128xf32, #tpu.memory_space<hbm>>
      %dma_start3A_144 = arith.constant 0 : i32
      %dma_start3A_145 = tpu.memref_slice %arg7[%add3A_113, %dma_start3A_144] : memref<160000x128xf32, #tpu.memory_space<hbm>> -> memref<200x128xf32, #tpu.memory_space<hbm>>
      tpu.enqueue_dma source(%arg11 : memref<200x128xf32, #tpu.memory_space<vmem>>) target(%dma_start3A_145 : memref<200x128xf32, #tpu.memory_space<hbm>>) target_semaphore(%arg18 : memref<!tpu.dma_semaphore, #tpu.memory_space<semaphore_mem>>)
      %mul3A_146 = arith.constant 2 : i32
      %mul3A_147 = arith.muli %mul3A_146, %scan3A_108 : i32
      %add3A_148 = arith.constant 1 : i32
      %add3A_149 = arith.addi %mul3A_147, %add3A_148 : i32
      %mul3A_150 = arith.constant 200 : i32
      %mul3A_151 = arith.muli %add3A_149, %mul3A_150 : i32
      %add3A_152 = arith.addi %mul3A_2, %mul3A_151 : i32
      %dma_wait3A_153 = arith.constant 0 : i32
      %dma_wait3A_154 = tpu.memref_slice %arg6[%add3A_152, %dma_wait3A_153] : memref<160000x128xf32, #tpu.memory_space<hbm>> -> memref<200x128xf32, #tpu.memory_space<hbm>>
      %dma_wait3A_155 = arith.constant 0 : i32
      %dma_wait3A_156 = tpu.memref_slice %arg6[%add3A_152, %dma_wait3A_155] : memref<160000x128xf32, #tpu.memory_space<hbm>> -> memref<200x128xf32, #tpu.memory_space<hbm>>
      tpu.wait_dma2 semaphore(%arg19 : memref<!tpu.dma_semaphore, #tpu.memory_space<semaphore_mem>>) src(%arg14 : memref<200x128xf32, #tpu.memory_space<vmem>>) dst(%dma_wait3A_156 : memref<200x128xf32, #tpu.memory_space<hbm>>)
      %dma_wait3A_157 = arith.constant 0 : i32
      %dma_wait3A_158 = tpu.memref_slice %arg7[%add3A_152, %dma_wait3A_157] : memref<160000x128xf32, #tpu.memory_space<hbm>> -> memref<200x128xf32, #tpu.memory_space<hbm>>
      %dma_wait3A_159 = arith.constant 0 : i32
      %dma_wait3A_160 = tpu.memref_slice %arg7[%add3A_152, %dma_wait3A_159] : memref<160000x128xf32, #tpu.memory_space<hbm>> -> memref<200x128xf32, #tpu.memory_space<hbm>>
      tpu.wait_dma2 semaphore(%arg19 : memref<!tpu.dma_semaphore, #tpu.memory_space<semaphore_mem>>) src(%arg15 : memref<200x128xf32, #tpu.memory_space<vmem>>) dst(%dma_wait3A_160 : memref<200x128xf32, #tpu.memory_space<hbm>>)
      %add3A_161 = arith.constant 160000 : i32
      %add3A_162 = arith.addi %add3A_161, %add3A_152 : i32
      "tpu.region"() ({
        %run_scoped3A = tpu.sem_alloc : memref<!tpu.dma_semaphore, #tpu.memory_space<semaphore_mem>>
        %dma_start3A_185 = tpu.memref_slice %arg4[%add3A_162] : memref<327680xi32, #tpu.memory_space<hbm>> -> memref<200xi32, #tpu.memory_space<hbm>>
        %dma_start3A_186 = tpu.memref_slice %arg4[%add3A_162] : memref<327680xi32, #tpu.memory_space<hbm>> -> memref<200xi32, #tpu.memory_space<hbm>>
        tpu.enqueue_dma source(%dma_start3A_186 : memref<200xi32, #tpu.memory_space<hbm>>) target(%arg12 : memref<200xi32, #tpu.memory_space<vmem>>) target_semaphore(%run_scoped3A : memref<!tpu.dma_semaphore, #tpu.memory_space<semaphore_mem>>)
        %dma_wait3A_187 = tpu.memref_slice %arg4[%add3A_162] : memref<327680xi32, #tpu.memory_space<hbm>> -> memref<200xi32, #tpu.memory_space<hbm>>
        %dma_wait3A_188 = tpu.memref_slice %arg4[%add3A_162] : memref<327680xi32, #tpu.memory_space<hbm>> -> memref<200xi32, #tpu.memory_space<hbm>>
        tpu.wait_dma2 semaphore(%run_scoped3A : memref<!tpu.dma_semaphore, #tpu.memory_space<semaphore_mem>>) src(%dma_wait3A_188 : memref<200xi32, #tpu.memory_space<hbm>>) dst(%arg12 : memref<200xi32, #tpu.memory_space<vmem>>)
        tpu.yield
      }) : () -> ()
      %add3A_163 = arith.constant 160000 : i32
      %add3A_164 = arith.addi %add3A_163, %add3A_152 : i32
      "tpu.region"() ({
        %run_scoped3A = tpu.sem_alloc : memref<!tpu.dma_semaphore, #tpu.memory_space<semaphore_mem>>
        %dma_start3A_185 = tpu.memref_slice %arg5[%add3A_164] : memref<327680xi32, #tpu.memory_space<hbm>> -> memref<200xi32, #tpu.memory_space<hbm>>
        %dma_start3A_186 = tpu.memref_slice %arg5[%add3A_164] : memref<327680xi32, #tpu.memory_space<hbm>> -> memref<200xi32, #tpu.memory_space<hbm>>
        tpu.enqueue_dma source(%dma_start3A_186 : memref<200xi32, #tpu.memory_space<hbm>>) target(%arg13 : memref<200xi32, #tpu.memory_space<vmem>>) target_semaphore(%run_scoped3A : memref<!tpu.dma_semaphore, #tpu.memory_space<semaphore_mem>>)
        %dma_wait3A_187 = tpu.memref_slice %arg5[%add3A_164] : memref<327680xi32, #tpu.memory_space<hbm>> -> memref<200xi32, #tpu.memory_space<hbm>>
        %dma_wait3A_188 = tpu.memref_slice %arg5[%add3A_164] : memref<327680xi32, #tpu.memory_space<hbm>> -> memref<200xi32, #tpu.memory_space<hbm>>
        tpu.wait_dma2 semaphore(%run_scoped3A : memref<!tpu.dma_semaphore, #tpu.memory_space<semaphore_mem>>) src(%dma_wait3A_188 : memref<200xi32, #tpu.memory_space<hbm>>) dst(%arg13 : memref<200xi32, #tpu.memory_space<vmem>>)
        tpu.yield
      }) : () -> ()
      %dma_start3A_165 = arith.constant 0 : i32
      %dma_start3A_166 = arith.constant 0 : i32
      %dma_start3A_167 = tpu.memref_slice %arg2[%dma_start3A_165, %dma_start3A_166] : memref<10000x128xf32, #tpu.memory_space<hbm>> -> memref<10000x128xf32, #tpu.memory_space<hbm>>
      tpu.enqueue_indirect_dma source(%dma_start3A_167 : memref<10000x128xf32, #tpu.memory_space<hbm>>) target(%arg14 : memref<200x128xf32, #tpu.memory_space<vmem>>) offsets(%arg12 : memref<200xi32, #tpu.memory_space<vmem>>) semaphore(%arg16 : memref<!tpu.dma_semaphore, #tpu.memory_space<semaphore_mem>>)
      %dma_start3A_168 = arith.constant 0 : i32
      %dma_start3A_169 = arith.constant 0 : i32
      %dma_start3A_170 = tpu.memref_slice %arg3[%dma_start3A_168, %dma_start3A_169] : memref<10000x128xf32, #tpu.memory_space<hbm>> -> memref<10000x128xf32, #tpu.memory_space<hbm>>
      tpu.enqueue_indirect_dma source(%dma_start3A_170 : memref<10000x128xf32, #tpu.memory_space<hbm>>) target(%arg15 : memref<200x128xf32, #tpu.memory_space<vmem>>) offsets(%arg13 : memref<200xi32, #tpu.memory_space<vmem>>) semaphore(%arg17 : memref<!tpu.dma_semaphore, #tpu.memory_space<semaphore_mem>>)
      %dma_wait3A_171 = arith.constant 0 : i32
      %dma_wait3A_172 = arith.constant 0 : i32
      %dma_wait3A_173 = tpu.memref_slice %arg2[%dma_wait3A_171, %dma_wait3A_172] : memref<10000x128xf32, #tpu.memory_space<hbm>> -> memref<10000x128xf32, #tpu.memory_space<hbm>>
      tpu.wait_indirect_dma semaphore(%arg16 : memref<!tpu.dma_semaphore, #tpu.memory_space<semaphore_mem>>) src(%dma_wait3A_173 : memref<10000x128xf32, #tpu.memory_space<hbm>>) dst(%arg14 : memref<200x128xf32, #tpu.memory_space<vmem>>)
      %dma_wait3A_174 = arith.constant 0 : i32
      %dma_wait3A_175 = arith.constant 0 : i32
      %dma_wait3A_176 = tpu.memref_slice %arg3[%dma_wait3A_174, %dma_wait3A_175] : memref<10000x128xf32, #tpu.memory_space<hbm>> -> memref<10000x128xf32, #tpu.memory_space<hbm>>
      tpu.wait_indirect_dma semaphore(%arg17 : memref<!tpu.dma_semaphore, #tpu.memory_space<semaphore_mem>>) src(%dma_wait3A_176 : memref<10000x128xf32, #tpu.memory_space<hbm>>) dst(%arg15 : memref<200x128xf32, #tpu.memory_space<vmem>>)
      %dma_start3A_177 = arith.constant 0 : i32
      %dma_start3A_178 = tpu.memref_slice %arg6[%add3A_152, %dma_start3A_177] : memref<160000x128xf32, #tpu.memory_space<hbm>> -> memref<200x128xf32, #tpu.memory_space<hbm>>
      %dma_start3A_179 = arith.constant 0 : i32
      %dma_start3A_180 = tpu.memref_slice %arg6[%add3A_152, %dma_start3A_179] : memref<160000x128xf32, #tpu.memory_space<hbm>> -> memref<200x128xf32, #tpu.memory_space<hbm>>
      tpu.enqueue_dma source(%arg14 : memref<200x128xf32, #tpu.memory_space<vmem>>) target(%dma_start3A_180 : memref<200x128xf32, #tpu.memory_space<hbm>>) target_semaphore(%arg19 : memref<!tpu.dma_semaphore, #tpu.memory_space<semaphore_mem>>)
      %dma_start3A_181 = arith.constant 0 : i32
      %dma_start3A_182 = tpu.memref_slice %arg7[%add3A_152, %dma_start3A_181] : memref<160000x128xf32, #tpu.memory_space<hbm>> -> memref<200x128xf32, #tpu.memory_space<hbm>>
      %dma_start3A_183 = arith.constant 0 : i32
      %dma_start3A_184 = tpu.memref_slice %arg7[%add3A_152, %dma_start3A_183] : memref<160000x128xf32, #tpu.memory_space<hbm>> -> memref<200x128xf32, #tpu.memory_space<hbm>>
      tpu.enqueue_dma source(%arg15 : memref<200x128xf32, #tpu.memory_space<vmem>>) target(%dma_start3A_184 : memref<200x128xf32, #tpu.memory_space<hbm>>) target_semaphore(%arg19 : memref<!tpu.dma_semaphore, #tpu.memory_space<semaphore_mem>>)
    }
    %scan3A_57 = arith.constant 11 : i32
    %add3A_58 = arith.constant 4800 : i32
    %add3A_59 = arith.addi %mul3A_2, %add3A_58 : i32
    %dma_wait3A_60 = arith.constant 0 : i32
    %dma_wait3A_61 = tpu.memref_slice %arg6[%add3A_59, %dma_wait3A_60] : memref<160000x128xf32, #tpu.memory_space<hbm>> -> memref<200x128xf32, #tpu.memory_space<hbm>>
    %dma_wait3A_62 = arith.constant 0 : i32
    %dma_wait3A_63 = tpu.memref_slice %arg6[%add3A_59, %dma_wait3A_62] : memref<160000x128xf32, #tpu.memory_space<hbm>> -> memref<200x128xf32, #tpu.memory_space<hbm>>
    tpu.wait_dma2 semaphore(%arg18 : memref<!tpu.dma_semaphore, #tpu.memory_space<semaphore_mem>>) src(%arg10 : memref<200x128xf32, #tpu.memory_space<vmem>>) dst(%dma_wait3A_63 : memref<200x128xf32, #tpu.memory_space<hbm>>)
    %dma_wait3A_64 = arith.constant 0 : i32
    %dma_wait3A_65 = tpu.memref_slice %arg7[%add3A_59, %dma_wait3A_64] : memref<160000x128xf32, #tpu.memory_space<hbm>> -> memref<200x128xf32, #tpu.memory_space<hbm>>
    %dma_wait3A_66 = arith.constant 0 : i32
    %dma_wait3A_67 = tpu.memref_slice %arg7[%add3A_59, %dma_wait3A_66] : memref<160000x128xf32, #tpu.memory_space<hbm>> -> memref<200x128xf32, #tpu.memory_space<hbm>>
    tpu.wait_dma2 semaphore(%arg18 : memref<!tpu.dma_semaphore, #tpu.memory_space<semaphore_mem>>) src(%arg11 : memref<200x128xf32, #tpu.memory_space<vmem>>) dst(%dma_wait3A_67 : memref<200x128xf32, #tpu.memory_space<hbm>>)
    %add3A_68 = arith.constant 160000 : i32
    %add3A_69 = arith.addi %add3A_68, %add3A_59 : i32
    "tpu.region"() ({
      %run_scoped3A = tpu.sem_alloc : memref<!tpu.dma_semaphore, #tpu.memory_space<semaphore_mem>>
      %dma_start3A_108 = tpu.memref_slice %arg4[%add3A_69] : memref<327680xi32, #tpu.memory_space<hbm>> -> memref<200xi32, #tpu.memory_space<hbm>>
      %dma_start3A_109 = tpu.memref_slice %arg4[%add3A_69] : memref<327680xi32, #tpu.memory_space<hbm>> -> memref<200xi32, #tpu.memory_space<hbm>>
      tpu.enqueue_dma source(%dma_start3A_109 : memref<200xi32, #tpu.memory_space<hbm>>) target(%arg8 : memref<200xi32, #tpu.memory_space<vmem>>) target_semaphore(%run_scoped3A : memref<!tpu.dma_semaphore, #tpu.memory_space<semaphore_mem>>)
      %dma_wait3A_110 = tpu.memref_slice %arg4[%add3A_69] : memref<327680xi32, #tpu.memory_space<hbm>> -> memref<200xi32, #tpu.memory_space<hbm>>
      %dma_wait3A_111 = tpu.memref_slice %arg4[%add3A_69] : memref<327680xi32, #tpu.memory_space<hbm>> -> memref<200xi32, #tpu.memory_space<hbm>>
      tpu.wait_dma2 semaphore(%run_scoped3A : memref<!tpu.dma_semaphore, #tpu.memory_space<semaphore_mem>>) src(%dma_wait3A_111 : memref<200xi32, #tpu.memory_space<hbm>>) dst(%arg8 : memref<200xi32, #tpu.memory_space<vmem>>)
      tpu.yield
    }) : () -> ()
    %add3A_70 = arith.constant 160000 : i32
    %add3A_71 = arith.addi %add3A_70, %add3A_59 : i32
    "tpu.region"() ({
      %run_scoped3A = tpu.sem_alloc : memref<!tpu.dma_semaphore, #tpu.memory_space<semaphore_mem>>
      %dma_start3A_108 = tpu.memref_slice %arg5[%add3A_71] : memref<327680xi32, #tpu.memory_space<hbm>> -> memref<200xi32, #tpu.memory_space<hbm>>
      %dma_start3A_109 = tpu.memref_slice %arg5[%add3A_71] : memref<327680xi32, #tpu.memory_space<hbm>> -> memref<200xi32, #tpu.memory_space<hbm>>
      tpu.enqueue_dma source(%dma_start3A_109 : memref<200xi32, #tpu.memory_space<hbm>>) target(%arg9 : memref<200xi32, #tpu.memory_space<vmem>>) target_semaphore(%run_scoped3A : memref<!tpu.dma_semaphore, #tpu.memory_space<semaphore_mem>>)
      %dma_wait3A_110 = tpu.memref_slice %arg5[%add3A_71] : memref<327680xi32, #tpu.memory_space<hbm>> -> memref<200xi32, #tpu.memory_space<hbm>>
      %dma_wait3A_111 = tpu.memref_slice %arg5[%add3A_71] : memref<327680xi32, #tpu.memory_space<hbm>> -> memref<200xi32, #tpu.memory_space<hbm>>
      tpu.wait_dma2 semaphore(%run_scoped3A : memref<!tpu.dma_semaphore, #tpu.memory_space<semaphore_mem>>) src(%dma_wait3A_111 : memref<200xi32, #tpu.memory_space<hbm>>) dst(%arg9 : memref<200xi32, #tpu.memory_space<vmem>>)
      tpu.yield
    }) : () -> ()
    %dma_start3A_72 = arith.constant 0 : i32
    %dma_start3A_73 = arith.constant 0 : i32
    %dma_start3A_74 = tpu.memref_slice %arg2[%dma_start3A_72, %dma_start3A_73] : memref<10000x128xf32, #tpu.memory_space<hbm>> -> memref<10000x128xf32, #tpu.memory_space<hbm>>
    tpu.enqueue_indirect_dma source(%dma_start3A_74 : memref<10000x128xf32, #tpu.memory_space<hbm>>) target(%arg10 : memref<200x128xf32, #tpu.memory_space<vmem>>) offsets(%arg8 : memref<200xi32, #tpu.memory_space<vmem>>) semaphore(%arg16 : memref<!tpu.dma_semaphore, #tpu.memory_space<semaphore_mem>>)
    %dma_start3A_75 = arith.constant 0 : i32
    %dma_start3A_76 = arith.constant 0 : i32
    %dma_start3A_77 = tpu.memref_slice %arg3[%dma_start3A_75, %dma_start3A_76] : memref<10000x128xf32, #tpu.memory_space<hbm>> -> memref<10000x128xf32, #tpu.memory_space<hbm>>
    tpu.enqueue_indirect_dma source(%dma_start3A_77 : memref<10000x128xf32, #tpu.memory_space<hbm>>) target(%arg11 : memref<200x128xf32, #tpu.memory_space<vmem>>) offsets(%arg9 : memref<200xi32, #tpu.memory_space<vmem>>) semaphore(%arg17 : memref<!tpu.dma_semaphore, #tpu.memory_space<semaphore_mem>>)
    %dma_wait3A_78 = arith.constant 0 : i32
    %dma_wait3A_79 = arith.constant 0 : i32
    %dma_wait3A_80 = tpu.memref_slice %arg2[%dma_wait3A_78, %dma_wait3A_79] : memref<10000x128xf32, #tpu.memory_space<hbm>> -> memref<10000x128xf32, #tpu.memory_space<hbm>>
    tpu.wait_indirect_dma semaphore(%arg16 : memref<!tpu.dma_semaphore, #tpu.memory_space<semaphore_mem>>) src(%dma_wait3A_80 : memref<10000x128xf32, #tpu.memory_space<hbm>>) dst(%arg10 : memref<200x128xf32, #tpu.memory_space<vmem>>)
    %dma_wait3A_81 = arith.constant 0 : i32
    %dma_wait3A_82 = arith.constant 0 : i32
    %dma_wait3A_83 = tpu.memref_slice %arg3[%dma_wait3A_81, %dma_wait3A_82] : memref<10000x128xf32, #tpu.memory_space<hbm>> -> memref<10000x128xf32, #tpu.memory_space<hbm>>
    tpu.wait_indirect_dma semaphore(%arg17 : memref<!tpu.dma_semaphore, #tpu.memory_space<semaphore_mem>>) src(%dma_wait3A_83 : memref<10000x128xf32, #tpu.memory_space<hbm>>) dst(%arg11 : memref<200x128xf32, #tpu.memory_space<vmem>>)
    %dma_start3A_84 = arith.constant 0 : i32
    %dma_start3A_85 = tpu.memref_slice %arg6[%add3A_59, %dma_start3A_84] : memref<160000x128xf32, #tpu.memory_space<hbm>> -> memref<200x128xf32, #tpu.memory_space<hbm>>
    %dma_start3A_86 = arith.constant 0 : i32
    %dma_start3A_87 = tpu.memref_slice %arg6[%add3A_59, %dma_start3A_86] : memref<160000x128xf32, #tpu.memory_space<hbm>> -> memref<200x128xf32, #tpu.memory_space<hbm>>
    tpu.enqueue_dma source(%arg10 : memref<200x128xf32, #tpu.memory_space<vmem>>) target(%dma_start3A_87 : memref<200x128xf32, #tpu.memory_space<hbm>>) target_semaphore(%arg18 : memref<!tpu.dma_semaphore, #tpu.memory_space<semaphore_mem>>)
    %dma_start3A_88 = arith.constant 0 : i32
    %dma_start3A_89 = tpu.memref_slice %arg7[%add3A_59, %dma_start3A_88] : memref<160000x128xf32, #tpu.memory_space<hbm>> -> memref<200x128xf32, #tpu.memory_space<hbm>>
    %dma_start3A_90 = arith.constant 0 : i32
    %dma_start3A_91 = tpu.memref_slice %arg7[%add3A_59, %dma_start3A_90] : memref<160000x128xf32, #tpu.memory_space<hbm>> -> memref<200x128xf32, #tpu.memory_space<hbm>>
    tpu.enqueue_dma source(%arg11 : memref<200x128xf32, #tpu.memory_space<vmem>>) target(%dma_start3A_91 : memref<200x128xf32, #tpu.memory_space<hbm>>) target_semaphore(%arg18 : memref<!tpu.dma_semaphore, #tpu.memory_space<semaphore_mem>>)
    %dma_wait3A_92 = arith.constant 0 : i32
    %dma_wait3A_93 = tpu.memref_slice %arg6[%mul3A_2, %dma_wait3A_92] : memref<160000x128xf32, #tpu.memory_space<hbm>> -> memref<200x128xf32, #tpu.memory_space<hbm>>
    %dma_wait3A_94 = arith.constant 0 : i32
    %dma_wait3A_95 = tpu.memref_slice %arg6[%mul3A_2, %dma_wait3A_94] : memref<160000x128xf32, #tpu.memory_space<hbm>> -> memref<200x128xf32, #tpu.memory_space<hbm>>
    tpu.wait_dma2 semaphore(%arg18 : memref<!tpu.dma_semaphore, #tpu.memory_space<semaphore_mem>>) src(%arg10 : memref<200x128xf32, #tpu.memory_space<vmem>>) dst(%dma_wait3A_95 : memref<200x128xf32, #tpu.memory_space<hbm>>)
    %dma_wait3A_96 = arith.constant 0 : i32
    %dma_wait3A_97 = tpu.memref_slice %arg7[%mul3A_2, %dma_wait3A_96] : memref<160000x128xf32, #tpu.memory_space<hbm>> -> memref<200x128xf32, #tpu.memory_space<hbm>>
    %dma_wait3A_98 = arith.constant 0 : i32
    %dma_wait3A_99 = tpu.memref_slice %arg7[%mul3A_2, %dma_wait3A_98] : memref<160000x128xf32, #tpu.memory_space<hbm>> -> memref<200x128xf32, #tpu.memory_space<hbm>>
    tpu.wait_dma2 semaphore(%arg18 : memref<!tpu.dma_semaphore, #tpu.memory_space<semaphore_mem>>) src(%arg11 : memref<200x128xf32, #tpu.memory_space<vmem>>) dst(%dma_wait3A_99 : memref<200x128xf32, #tpu.memory_space<hbm>>)
    %dma_wait3A_100 = arith.constant 0 : i32
    %dma_wait3A_101 = tpu.memref_slice %arg6[%mul3A_2, %dma_wait3A_100] : memref<160000x128xf32, #tpu.memory_space<hbm>> -> memref<200x128xf32, #tpu.memory_space<hbm>>
    %dma_wait3A_102 = arith.constant 0 : i32
    %dma_wait3A_103 = tpu.memref_slice %arg6[%mul3A_2, %dma_wait3A_102] : memref<160000x128xf32, #tpu.memory_space<hbm>> -> memref<200x128xf32, #tpu.memory_space<hbm>>
    tpu.wait_dma2 semaphore(%arg19 : memref<!tpu.dma_semaphore, #tpu.memory_space<semaphore_mem>>) src(%arg14 : memref<200x128xf32, #tpu.memory_space<vmem>>) dst(%dma_wait3A_103 : memref<200x128xf32, #tpu.memory_space<hbm>>)
    %dma_wait3A_104 = arith.constant 0 : i32
    %dma_wait3A_105 = tpu.memref_slice %arg7[%mul3A_2, %dma_wait3A_104] : memref<160000x128xf32, #tpu.memory_space<hbm>> -> memref<200x128xf32, #tpu.memory_space<hbm>>
    %dma_wait3A_106 = arith.constant 0 : i32
    %dma_wait3A_107 = tpu.memref_slice %arg7[%mul3A_2, %dma_wait3A_106] : memref<160000x128xf32, #tpu.memory_space<hbm>> -> memref<200x128xf32, #tpu.memory_space<hbm>>
    tpu.wait_dma2 semaphore(%arg19 : memref<!tpu.dma_semaphore, #tpu.memory_space<semaphore_mem>>) src(%arg15 : memref<200x128xf32, #tpu.memory_space<vmem>>) dst(%dma_wait3A_107 : memref<200x128xf32, #tpu.memory_space<hbm>>)
    return
  }
}

#map = affine_map<(d0, d1) -> (0, 0)>
#map1 = affine_map<(d0, d1) -> (0)>
#map2 = affine_map<(d0, d1) -> (0, 0, 0)>
module attributes {stable_mosaic.version = 14 : i64} {
  func.func @_scatter_body(%arg0: i32, %arg1: i32, %arg2: memref<160000x128xf32, #tpu.memory_space<hbm>>, %arg3: memref<327680xi32, #tpu.memory_space<hbm>>, %arg4: memref<2x10240x128xf32, #tpu.memory_space<hbm>>, %arg5: memref<200xi32, #tpu.memory_space<vmem>>, %arg6: memref<200x128xf32, #tpu.memory_space<vmem>>, %arg7: memref<128x128xf32, #tpu.memory_space<vmem>>, %arg8: memref<10240x128xf32, #tpu.memory_space<vmem_shared>>) attributes {dimension_semantics = [#tpu.dimension_semantics<core_parallel>, #tpu.dimension_semantics<subcore_parallel>], iteration_bounds = array<i64: 2, 16>, scalar_prefetch = 0 : i64, scratch_operands = 4 : i64, tpu.core_type = #tpu.core_type<sc_vector_subcore>, window_params = [{transform_indices = #map}, {transform_indices = #map1}, {transform_indices = #map2}]} {
    %mul3A = arith.constant 2 : i32
    %mul3A_0 = arith.muli %arg1, %mul3A : i32
    %add3A = arith.addi %mul3A_0, %arg0 : i32
    %scan3A = arith.constant 0 : i32
    %scan3A_1 = arith.constant 0 : i32
    %scan3A_2 = arith.constant 1024 : i32
    %scan3A_3 = arith.addi %scan3A_1, %scan3A_2 : i32
    %scan3A_4 = arith.constant 1 : i32
    scf.for %scan3A_23 = %scan3A_1 to %scan3A_3 step %scan3A_4  : i32 {
      %broadcast_in_dim3A = arith.constant 0.000000e+00 : f32
      %broadcast_in_dim3A_24 = vector.broadcast %broadcast_in_dim3A : f32 to vector<16xf32>
      %jit3A = arith.constant 8 : i32
      %div3A = arith.divsi %scan3A_23, %jit3A : i32
      %sign3A = arith.constant 0 : i32
      %sign3A_25 = arith.cmpi sgt, %scan3A_23, %sign3A : i32
      %sign3A_26 = arith.extui %sign3A_25 : i1 to i32
      %sign3A_27 = arith.constant 0 : i32
      %sign3A_28 = arith.cmpi slt, %scan3A_23, %sign3A_27 : i32
      %sign3A_29 = arith.extui %sign3A_28 : i1 to i32
      %sign3A_30 = arith.subi %sign3A_26, %sign3A_29 : i32
      %sign3A_31 = arith.constant 0 : i32
      %sign3A_32 = arith.cmpi sgt, %jit3A, %sign3A_31 : i32
      %sign3A_33 = arith.extui %sign3A_32 : i1 to i32
      %sign3A_34 = arith.constant 0 : i32
      %sign3A_35 = arith.cmpi slt, %jit3A, %sign3A_34 : i32
      %sign3A_36 = arith.extui %sign3A_35 : i1 to i32
      %sign3A_37 = arith.subi %sign3A_33, %sign3A_36 : i32
      %ne3A = arith.cmpi ne, %sign3A_30, %sign3A_37 : i32
      %rem3A = arith.remsi %scan3A_23, %jit3A : i32
      %ne3A_38 = arith.constant 0 : i32
      %ne3A_39 = arith.cmpi ne, %rem3A, %ne3A_38 : i32
      %and3A = arith.andi %ne3A, %ne3A_39 : i1
      %sub3A = arith.constant 1 : i32
      %sub3A_40 = arith.subi %div3A, %sub3A : i32
      %select_n3A = arith.select %and3A, %sub3A_40, %div3A : i32
      %jit3A_41 = arith.constant 8 : i32
      %eq3A = arith.constant 0 : i32
      %eq3A_42 = arith.cmpi eq, %jit3A_41, %eq3A : i32
      %jit3A_43 = arith.constant 1 : i32
      %select_n3A_44 = arith.select %eq3A_42, %jit3A_43, %jit3A_41 : i32
      %rem3A_45 = arith.remsi %scan3A_23, %select_n3A_44 : i32
      %ne3A_46 = arith.constant 0 : i32
      %ne3A_47 = arith.cmpi ne, %rem3A_45, %ne3A_46 : i32
      %lt3A = arith.constant 0 : i32
      %lt3A_48 = arith.cmpi slt, %rem3A_45, %lt3A : i32
      %lt3A_49 = arith.constant 0 : i32
      %lt3A_50 = arith.cmpi slt, %select_n3A_44, %lt3A_49 : i32
      %ne3A_51 = arith.xori %lt3A_48, %lt3A_50 : i1
      %and3A_52 = arith.andi %ne3A_51, %ne3A_47 : i1
      %add3A_53 = arith.addi %rem3A_45, %select_n3A_44 : i32
      %select_n3A_54 = arith.select %and3A_52, %add3A_53, %rem3A_45 : i32
      %mul3A_55 = arith.constant 16 : i32
      %mul3A_56 = arith.muli %select_n3A_54, %mul3A_55 : i32
      %swap3A = arith.index_cast %select_n3A : i32 to index
      %swap3A_57 = arith.index_cast %mul3A_56 : i32 to index
      %swap3A_58 = tpu.vector_load %arg7[%swap3A, %swap3A_57] {strides = array<i32>} : memref<128x128xf32, #tpu.memory_space<vmem>>, vector<1x16xf32>,
      %swap3A_59 = vector.shape_cast %swap3A_58 : vector<1x16xf32> to vector<16xf32>
      %swap3A_60 = vector.shape_cast %broadcast_in_dim3A_24 : vector<16xf32> to vector<1x16xf32>
      tpu.vector_store %arg7[%swap3A, %swap3A_57], %swap3A_60 {strides = array<i32>} : memref<128x128xf32, #tpu.memory_space<vmem>>, vector<1x16xf32>,
    }
    %scan3A_5 = arith.constant 1024 : i32
    %scan3A_6 = arith.constant 0 : i32
    %scan3A_7 = arith.constant 0 : i32
    %scan3A_8 = arith.constant 5 : i32
    %scan3A_9 = arith.addi %scan3A_7, %scan3A_8 : i32
    %scan3A_10 = arith.constant 1 : i32
    scf.for %scan3A_23 = %scan3A_7 to %scan3A_9 step %scan3A_10  : i32 {
      %mul3A_24 = arith.constant 640 : i32
      %mul3A_25 = arith.muli %arg1, %mul3A_24 : i32
      %mul3A_26 = arith.constant 128 : i32
      %mul3A_27 = arith.muli %scan3A_23, %mul3A_26 : i32
      %add3A_28 = arith.addi %mul3A_25, %mul3A_27 : i32
      "tpu.region"() ({
        %run_scoped3A = tpu.sem_alloc : memref<!tpu.dma_semaphore, #tpu.memory_space<semaphore_mem>>
        %dma_start3A = arith.constant 0 : i32
        %dma_start3A_29 = tpu.memref_slice %arg8[%add3A_28, %dma_start3A] : memref<10240x128xf32, #tpu.memory_space<vmem_shared>> -> memref<128x128xf32, #tpu.memory_space<vmem_shared>>
        %dma_start3A_30 = arith.constant 0 : i32
        %dma_start3A_31 = tpu.memref_slice %arg8[%add3A_28, %dma_start3A_30] : memref<10240x128xf32, #tpu.memory_space<vmem_shared>> -> memref<128x128xf32, #tpu.memory_space<vmem_shared>>
        tpu.enqueue_dma source(%arg7 : memref<128x128xf32, #tpu.memory_space<vmem>>) target(%dma_start3A_31 : memref<128x128xf32, #tpu.memory_space<vmem_shared>>) target_semaphore(%run_scoped3A : memref<!tpu.dma_semaphore, #tpu.memory_space<semaphore_mem>>)
        %dma_wait3A = arith.constant 0 : i32
        %dma_wait3A_32 = tpu.memref_slice %arg8[%add3A_28, %dma_wait3A] : memref<10240x128xf32, #tpu.memory_space<vmem_shared>> -> memref<128x128xf32, #tpu.memory_space<vmem_shared>>
        %dma_wait3A_33 = arith.constant 0 : i32
        %dma_wait3A_34 = tpu.memref_slice %arg8[%add3A_28, %dma_wait3A_33] : memref<10240x128xf32, #tpu.memory_space<vmem_shared>> -> memref<128x128xf32, #tpu.memory_space<vmem_shared>>
        tpu.wait_dma2 semaphore(%run_scoped3A : memref<!tpu.dma_semaphore, #tpu.memory_space<semaphore_mem>>) src(%arg7 : memref<128x128xf32, #tpu.memory_space<vmem>>) dst(%dma_wait3A_34 : memref<128x128xf32, #tpu.memory_space<vmem_shared>>)
        tpu.yield
      }) : () -> ()
    }
    %scan3A_11 = arith.constant 5 : i32
    %barrier3A = arith.constant 0 : index
    tpu.barrier barrier_id(%barrier3A)
    %mul3A_12 = arith.constant 5000 : i32
    %mul3A_13 = arith.muli %add3A, %mul3A_12 : i32
    %scan3A_14 = arith.constant 0 : i32
    %scan3A_15 = arith.constant 0 : i32
    %scan3A_16 = arith.constant 25 : i32
    %scan3A_17 = arith.addi %scan3A_15, %scan3A_16 : i32
    %scan3A_18 = arith.constant 1 : i32
    scf.for %scan3A_23 = %scan3A_15 to %scan3A_17 step %scan3A_18  : i32 {
      %mul3A_24 = arith.constant 200 : i32
      %mul3A_25 = arith.muli %scan3A_23, %mul3A_24 : i32
      %add3A_26 = arith.addi %mul3A_13, %mul3A_25 : i32
      %add3A_27 = arith.constant 0 : i32
      %add3A_28 = arith.addi %add3A_27, %add3A_26 : i32
      "tpu.region"() ({
        %run_scoped3A = tpu.sem_alloc : memref<!tpu.dma_semaphore, #tpu.memory_space<semaphore_mem>>
        %dma_start3A = tpu.memref_slice %arg3[%add3A_28] : memref<327680xi32, #tpu.memory_space<hbm>> -> memref<200xi32, #tpu.memory_space<hbm>>
        %dma_start3A_29 = tpu.memref_slice %arg3[%add3A_28] : memref<327680xi32, #tpu.memory_space<hbm>> -> memref<200xi32, #tpu.memory_space<hbm>>
        tpu.enqueue_dma source(%dma_start3A_29 : memref<200xi32, #tpu.memory_space<hbm>>) target(%arg5 : memref<200xi32, #tpu.memory_space<vmem>>) target_semaphore(%run_scoped3A : memref<!tpu.dma_semaphore, #tpu.memory_space<semaphore_mem>>)
        %dma_wait3A = tpu.memref_slice %arg3[%add3A_28] : memref<327680xi32, #tpu.memory_space<hbm>> -> memref<200xi32, #tpu.memory_space<hbm>>
        %dma_wait3A_30 = tpu.memref_slice %arg3[%add3A_28] : memref<327680xi32, #tpu.memory_space<hbm>> -> memref<200xi32, #tpu.memory_space<hbm>>
        tpu.wait_dma2 semaphore(%run_scoped3A : memref<!tpu.dma_semaphore, #tpu.memory_space<semaphore_mem>>) src(%dma_wait3A_30 : memref<200xi32, #tpu.memory_space<hbm>>) dst(%arg5 : memref<200xi32, #tpu.memory_space<vmem>>)
        tpu.yield
      }) : () -> ()
      "tpu.region"() ({
        %run_scoped3A = tpu.sem_alloc : memref<!tpu.dma_semaphore, #tpu.memory_space<semaphore_mem>>
        %dma_start3A = arith.constant 0 : i32
        %dma_start3A_29 = tpu.memref_slice %arg2[%add3A_26, %dma_start3A] : memref<160000x128xf32, #tpu.memory_space<hbm>> -> memref<200x128xf32, #tpu.memory_space<hbm>>
        %dma_start3A_30 = arith.constant 0 : i32
        %dma_start3A_31 = tpu.memref_slice %arg2[%add3A_26, %dma_start3A_30] : memref<160000x128xf32, #tpu.memory_space<hbm>> -> memref<200x128xf32, #tpu.memory_space<hbm>>
        tpu.enqueue_dma source(%dma_start3A_31 : memref<200x128xf32, #tpu.memory_space<hbm>>) target(%arg6 : memref<200x128xf32, #tpu.memory_space<vmem>>) target_semaphore(%run_scoped3A : memref<!tpu.dma_semaphore, #tpu.memory_space<semaphore_mem>>)
        %dma_wait3A = arith.constant 0 : i32
        %dma_wait3A_32 = tpu.memref_slice %arg2[%add3A_26, %dma_wait3A] : memref<160000x128xf32, #tpu.memory_space<hbm>> -> memref<200x128xf32, #tpu.memory_space<hbm>>
        %dma_wait3A_33 = arith.constant 0 : i32
        %dma_wait3A_34 = tpu.memref_slice %arg2[%add3A_26, %dma_wait3A_33] : memref<160000x128xf32, #tpu.memory_space<hbm>> -> memref<200x128xf32, #tpu.memory_space<hbm>>
        tpu.wait_dma2 semaphore(%run_scoped3A : memref<!tpu.dma_semaphore, #tpu.memory_space<semaphore_mem>>) src(%dma_wait3A_34 : memref<200x128xf32, #tpu.memory_space<hbm>>) dst(%arg6 : memref<200x128xf32, #tpu.memory_space<vmem>>)
        tpu.yield
      }) : () -> ()
      "tpu.region"() ({
        %run_scoped3A = tpu.sem_alloc : memref<!tpu.dma_semaphore, #tpu.memory_space<semaphore_mem>>
        %dma_start3A = arith.constant 0 : i32
        %dma_start3A_29 = arith.constant 0 : i32
        %dma_start3A_30 = tpu.memref_slice %arg8[%dma_start3A, %dma_start3A_29] : memref<10240x128xf32, #tpu.memory_space<vmem_shared>> -> memref<10240x128xf32, #tpu.memory_space<vmem_shared>>
        tpu.enqueue_indirect_dma source(%arg6 : memref<200x128xf32, #tpu.memory_space<vmem>>) target(%dma_start3A_30 : memref<10240x128xf32, #tpu.memory_space<vmem_shared>>) offsets(%arg5 : memref<200xi32, #tpu.memory_space<vmem>>) semaphore(%run_scoped3A : memref<!tpu.dma_semaphore, #tpu.memory_space<semaphore_mem>>) {add = true}
        %dma_wait3A = arith.constant 0 : i32
        %dma_wait3A_31 = arith.constant 0 : i32
        %dma_wait3A_32 = tpu.memref_slice %arg8[%dma_wait3A, %dma_wait3A_31] : memref<10240x128xf32, #tpu.memory_space<vmem_shared>> -> memref<10240x128xf32, #tpu.memory_space<vmem_shared>>
        tpu.wait_indirect_dma semaphore(%run_scoped3A : memref<!tpu.dma_semaphore, #tpu.memory_space<semaphore_mem>>) src(%arg6 : memref<200x128xf32, #tpu.memory_space<vmem>>) dst(%dma_wait3A_32 : memref<10240x128xf32, #tpu.memory_space<vmem_shared>>)
        tpu.yield
      }) : () -> ()
    }
    %scan3A_19 = arith.constant 25 : i32
    %barrier3A_20 = arith.constant 0 : index
    tpu.barrier barrier_id(%barrier3A_20)
    %mul3A_21 = arith.constant 640 : i32
    %mul3A_22 = arith.muli %arg1, %mul3A_21 : i32
    "tpu.region"() ({
      %run_scoped3A = tpu.sem_alloc : memref<!tpu.dma_semaphore, #tpu.memory_space<semaphore_mem>>
      %dma_start3A = arith.constant 0 : i32
      %dma_start3A_23 = tpu.memref_slice %arg4[%arg0, %mul3A_22, %dma_start3A] : memref<2x10240x128xf32, #tpu.memory_space<hbm>> -> memref<1x640x128xf32, #tpu.memory_space<hbm>>
      %dma_start3A_24 = tpu.memref_squeeze %dma_start3A_23 : memref<1x640x128xf32, #tpu.memory_space<hbm>> -> memref<640x128xf32, #tpu.memory_space<hbm>>
      %dma_start3A_25 = arith.constant 0 : i32
      %dma_start3A_26 = tpu.memref_slice %arg8[%mul3A_22, %dma_start3A_25] : memref<10240x128xf32, #tpu.memory_space<vmem_shared>> -> memref<640x128xf32, #tpu.memory_space<vmem_shared>>
      tpu.enqueue_dma source(%dma_start3A_26 : memref<640x128xf32, #tpu.memory_space<vmem_shared>>) target(%dma_start3A_24 : memref<640x128xf32, #tpu.memory_space<hbm>>) target_semaphore(%run_scoped3A : memref<!tpu.dma_semaphore, #tpu.memory_space<semaphore_mem>>)
      %dma_wait3A = arith.constant 0 : i32
      %dma_wait3A_27 = tpu.memref_slice %arg4[%arg0, %mul3A_22, %dma_wait3A] : memref<2x10240x128xf32, #tpu.memory_space<hbm>> -> memref<1x640x128xf32, #tpu.memory_space<hbm>>
      %dma_wait3A_28 = tpu.memref_squeeze %dma_wait3A_27 : memref<1x640x128xf32, #tpu.memory_space<hbm>> -> memref<640x128xf32, #tpu.memory_space<hbm>>
      %dma_wait3A_29 = arith.constant 0 : i32
      %dma_wait3A_30 = tpu.memref_slice %arg8[%mul3A_22, %dma_wait3A_29] : memref<10240x128xf32, #tpu.memory_space<vmem_shared>> -> memref<640x128xf32, #tpu.memory_space<vmem_shared>>
      tpu.wait_dma2 semaphore(%run_scoped3A : memref<!tpu.dma_semaphore, #tpu.memory_space<semaphore_mem>>) src(%dma_wait3A_30 : memref<640x128xf32, #tpu.memory_space<vmem_shared>>) dst(%dma_wait3A_28 : memref<640x128xf32, #tpu.memory_space<hbm>>)
      tpu.yield
    }) : () -> ()
    return
  }
}

#map = affine_map<(d0, d1) -> (0, 0)>
#map1 = affine_map<(d0, d1) -> (0)>
module attributes {stable_mosaic.version = 14 : i64} {
  func.func @_gather_body(%arg0: i32, %arg1: i32, %arg2: memref<10000x128xf32, #tpu.memory_space<hbm>>, %arg3: memref<10000x128xf32, #tpu.memory_space<hbm>>, %arg4: memref<327680xi32, #tpu.memory_space<hbm>>, %arg5: memref<327680xi32, #tpu.memory_space<hbm>>, %arg6: memref<160000x128xf32, #tpu.memory_space<hbm>>, %arg7: memref<160000x128xf32, #tpu.memory_space<hbm>>, %arg8: memref<200xi32, #tpu.memory_space<vmem>>, %arg9: memref<200xi32, #tpu.memory_space<vmem>>, %arg10: memref<200x128xf32, #tpu.memory_space<vmem>>, %arg11: memref<200x128xf32, #tpu.memory_space<vmem>>, %arg12: memref<200xi32, #tpu.memory_space<vmem>>, %arg13: memref<200xi32, #tpu.memory_space<vmem>>, %arg14: memref<200x128xf32, #tpu.memory_space<vmem>>, %arg15: memref<200x128xf32, #tpu.memory_space<vmem>>, %arg16: memref<!tpu.dma_semaphore, #tpu.memory_space<semaphore_mem>>, %arg17: memref<!tpu.dma_semaphore, #tpu.memory_space<semaphore_mem>>, %arg18: memref<!tpu.dma_semaphore, #tpu.memory_space<semaphore_mem>>, %arg19: memref<!tpu.dma_semaphore, #tpu.memory_space<semaphore_mem>>) attributes {dimension_semantics = [#tpu.dimension_semantics<core_parallel>, #tpu.dimension_semantics<subcore_parallel>], iteration_bounds = array<i64: 2, 16>, scalar_prefetch = 0 : i64, scratch_operands = 12 : i64, tpu.core_type = #tpu.core_type<sc_vector_subcore>, window_params = [{transform_indices = #map}, {transform_indices = #map}, {transform_indices = #map1}, {transform_indices = #map1}, {transform_indices = #map}, {transform_indices = #map}]} {
    %mul3A = arith.constant 2 : i32
    %mul3A_0 = arith.muli %arg1, %mul3A : i32
    %add3A = arith.addi %mul3A_0, %arg0 : i32
    %mul3A_1 = arith.constant 5000 : i32
    %mul3A_2 = arith.muli %add3A, %mul3A_1 : i32
    %add3A_3 = arith.constant 0 : i32
    %add3A_4 = arith.addi %mul3A_2, %add3A_3 : i32
    %add3A_5 = arith.constant 0 : i32
    %add3A_6 = arith.addi %add3A_5, %add3A_4 : i32
    "tpu.region"() ({
      %run_scoped3A = tpu.sem_alloc : memref<!tpu.dma_semaphore, #tpu.memory_space<semaphore_mem>>
      %dma_start3A_108 = tpu.memref_slice %arg4[%add3A_6] : memref<327680xi32, #tpu.memory_space<hbm>> -> memref<200xi32, #tpu.memory_space<hbm>>
      %dma_start3A_109 = tpu.memref_slice %arg4[%add3A_6] : memref<327680xi32, #tpu.memory_space<hbm>> -> memref<200xi32, #tpu.memory_space<hbm>>
      tpu.enqueue_dma source(%dma_start3A_109 : memref<200xi32, #tpu.memory_space<hbm>>) target(%arg8 : memref<200xi32, #tpu.memory_space<vmem>>) target_semaphore(%run_scoped3A : memref<!tpu.dma_semaphore, #tpu.memory_space<semaphore_mem>>)
      %dma_wait3A_110 = tpu.memref_slice %arg4[%add3A_6] : memref<327680xi32, #tpu.memory_space<hbm>> -> memref<200xi32, #tpu.memory_space<hbm>>
      %dma_wait3A_111 = tpu.memref_slice %arg4[%add3A_6] : memref<327680xi32, #tpu.memory_space<hbm>> -> memref<200xi32, #tpu.memory_space<hbm>>
      tpu.wait_dma2 semaphore(%run_scoped3A : memref<!tpu.dma_semaphore, #tpu.memory_space<semaphore_mem>>) src(%dma_wait3A_111 : memref<200xi32, #tpu.memory_space<hbm>>) dst(%arg8 : memref<200xi32, #tpu.memory_space<vmem>>)
      tpu.yield
    }) : () -> ()
    %add3A_7 = arith.constant 0 : i32
    %add3A_8 = arith.addi %add3A_7, %add3A_4 : i32
    "tpu.region"() ({
      %run_scoped3A = tpu.sem_alloc : memref<!tpu.dma_semaphore, #tpu.memory_space<semaphore_mem>>
      %dma_start3A_108 = tpu.memref_slice %arg5[%add3A_8] : memref<327680xi32, #tpu.memory_space<hbm>> -> memref<200xi32, #tpu.memory_space<hbm>>
      %dma_start3A_109 = tpu.memref_slice %arg5[%add3A_8] : memref<327680xi32, #tpu.memory_space<hbm>> -> memref<200xi32, #tpu.memory_space<hbm>>
      tpu.enqueue_dma source(%dma_start3A_109 : memref<200xi32, #tpu.memory_space<hbm>>) target(%arg9 : memref<200xi32, #tpu.memory_space<vmem>>) target_semaphore(%run_scoped3A : memref<!tpu.dma_semaphore, #tpu.memory_space<semaphore_mem>>)
      %dma_wait3A_110 = tpu.memref_slice %arg5[%add3A_8] : memref<327680xi32, #tpu.memory_space<hbm>> -> memref<200xi32, #tpu.memory_space<hbm>>
      %dma_wait3A_111 = tpu.memref_slice %arg5[%add3A_8] : memref<327680xi32, #tpu.memory_space<hbm>> -> memref<200xi32, #tpu.memory_space<hbm>>
      tpu.wait_dma2 semaphore(%run_scoped3A : memref<!tpu.dma_semaphore, #tpu.memory_space<semaphore_mem>>) src(%dma_wait3A_111 : memref<200xi32, #tpu.memory_space<hbm>>) dst(%arg9 : memref<200xi32, #tpu.memory_space<vmem>>)
      tpu.yield
    }) : () -> ()
    %dma_start3A = arith.constant 0 : i32
    %dma_start3A_9 = arith.constant 0 : i32
    %dma_start3A_10 = tpu.memref_slice %arg2[%dma_start3A, %dma_start3A_9] : memref<10000x128xf32, #tpu.memory_space<hbm>> -> memref<10000x128xf32, #tpu.memory_space<hbm>>
    tpu.enqueue_indirect_dma source(%dma_start3A_10 : memref<10000x128xf32, #tpu.memory_space<hbm>>) target(%arg10 : memref<200x128xf32, #tpu.memory_space<vmem>>) offsets(%arg8 : memref<200xi32, #tpu.memory_space<vmem>>) semaphore(%arg16 : memref<!tpu.dma_semaphore, #tpu.memory_space<semaphore_mem>>)
    %dma_start3A_11 = arith.constant 0 : i32
    %dma_start3A_12 = arith.constant 0 : i32
    %dma_start3A_13 = tpu.memref_slice %arg3[%dma_start3A_11, %dma_start3A_12] : memref<10000x128xf32, #tpu.memory_space<hbm>> -> memref<10000x128xf32, #tpu.memory_space<hbm>>
    tpu.enqueue_indirect_dma source(%dma_start3A_13 : memref<10000x128xf32, #tpu.memory_space<hbm>>) target(%arg11 : memref<200x128xf32, #tpu.memory_space<vmem>>) offsets(%arg9 : memref<200xi32, #tpu.memory_space<vmem>>) semaphore(%arg17 : memref<!tpu.dma_semaphore, #tpu.memory_space<semaphore_mem>>)
    %dma_wait3A = arith.constant 0 : i32
    %dma_wait3A_14 = arith.constant 0 : i32
    %dma_wait3A_15 = tpu.memref_slice %arg2[%dma_wait3A, %dma_wait3A_14] : memref<10000x128xf32, #tpu.memory_space<hbm>> -> memref<10000x128xf32, #tpu.memory_space<hbm>>
    tpu.wait_indirect_dma semaphore(%arg16 : memref<!tpu.dma_semaphore, #tpu.memory_space<semaphore_mem>>) src(%dma_wait3A_15 : memref<10000x128xf32, #tpu.memory_space<hbm>>) dst(%arg10 : memref<200x128xf32, #tpu.memory_space<vmem>>)
    %dma_wait3A_16 = arith.constant 0 : i32
    %dma_wait3A_17 = arith.constant 0 : i32
    %dma_wait3A_18 = tpu.memref_slice %arg3[%dma_wait3A_16, %dma_wait3A_17] : memref<10000x128xf32, #tpu.memory_space<hbm>> -> memref<10000x128xf32, #tpu.memory_space<hbm>>
    tpu.wait_indirect_dma semaphore(%arg17 : memref<!tpu.dma_semaphore, #tpu.memory_space<semaphore_mem>>) src(%dma_wait3A_18 : memref<10000x128xf32, #tpu.memory_space<hbm>>) dst(%arg11 : memref<200x128xf32, #tpu.memory_space<vmem>>)
    %dma_start3A_19 = arith.constant 0 : i32
    %dma_start3A_20 = tpu.memref_slice %arg6[%add3A_4, %dma_start3A_19] : memref<160000x128xf32, #tpu.memory_space<hbm>> -> memref<200x128xf32, #tpu.memory_space<hbm>>
    %dma_start3A_21 = arith.constant 0 : i32
    %dma_start3A_22 = tpu.memref_slice %arg6[%add3A_4, %dma_start3A_21] : memref<160000x128xf32, #tpu.memory_space<hbm>> -> memref<200x128xf32, #tpu.memory_space<hbm>>
    tpu.enqueue_dma source(%arg10 : memref<200x128xf32, #tpu.memory_space<vmem>>) target(%dma_start3A_22 : memref<200x128xf32, #tpu.memory_space<hbm>>) target_semaphore(%arg18 : memref<!tpu.dma_semaphore, #tpu.memory_space<semaphore_mem>>)
    %dma_start3A_23 = arith.constant 0 : i32
    %dma_start3A_24 = tpu.memref_slice %arg7[%add3A_4, %dma_start3A_23] : memref<160000x128xf32, #tpu.memory_space<hbm>> -> memref<200x128xf32, #tpu.memory_space<hbm>>
    %dma_start3A_25 = arith.constant 0 : i32
    %dma_start3A_26 = tpu.memref_slice %arg7[%add3A_4, %dma_start3A_25] : memref<160000x128xf32, #tpu.memory_space<hbm>> -> memref<200x128xf32, #tpu.memory_space<hbm>>
    tpu.enqueue_dma source(%arg11 : memref<200x128xf32, #tpu.memory_space<vmem>>) target(%dma_start3A_26 : memref<200x128xf32, #tpu.memory_space<hbm>>) target_semaphore(%arg18 : memref<!tpu.dma_semaphore, #tpu.memory_space<semaphore_mem>>)
    %add3A_27 = arith.constant 200 : i32
    %add3A_28 = arith.addi %mul3A_2, %add3A_27 : i32
    %add3A_29 = arith.constant 0 : i32
    %add3A_30 = arith.addi %add3A_29, %add3A_28 : i32
    "tpu.region"() ({
      %run_scoped3A = tpu.sem_alloc : memref<!tpu.dma_semaphore, #tpu.memory_space<semaphore_mem>>
      %dma_start3A_108 = tpu.memref_slice %arg4[%add3A_30] : memref<327680xi32, #tpu.memory_space<hbm>> -> memref<200xi32, #tpu.memory_space<hbm>>
      %dma_start3A_109 = tpu.memref_slice %arg4[%add3A_30] : memref<327680xi32, #tpu.memory_space<hbm>> -> memref<200xi32, #tpu.memory_space<hbm>>
      tpu.enqueue_dma source(%dma_start3A_109 : memref<200xi32, #tpu.memory_space<hbm>>) target(%arg12 : memref<200xi32, #tpu.memory_space<vmem>>) target_semaphore(%run_scoped3A : memref<!tpu.dma_semaphore, #tpu.memory_space<semaphore_mem>>)
      %dma_wait3A_110 = tpu.memref_slice %arg4[%add3A_30] : memref<327680xi32, #tpu.memory_space<hbm>> -> memref<200xi32, #tpu.memory_space<hbm>>
      %dma_wait3A_111 = tpu.memref_slice %arg4[%add3A_30] : memref<327680xi32, #tpu.memory_space<hbm>> -> memref<200xi32, #tpu.memory_space<hbm>>
      tpu.wait_dma2 semaphore(%run_scoped3A : memref<!tpu.dma_semaphore, #tpu.memory_space<semaphore_mem>>) src(%dma_wait3A_111 : memref<200xi32, #tpu.memory_space<hbm>>) dst(%arg12 : memref<200xi32, #tpu.memory_space<vmem>>)
      tpu.yield
    }) : () -> ()
    %add3A_31 = arith.constant 0 : i32
    %add3A_32 = arith.addi %add3A_31, %add3A_28 : i32
    "tpu.region"() ({
      %run_scoped3A = tpu.sem_alloc : memref<!tpu.dma_semaphore, #tpu.memory_space<semaphore_mem>>
      %dma_start3A_108 = tpu.memref_slice %arg5[%add3A_32] : memref<327680xi32, #tpu.memory_space<hbm>> -> memref<200xi32, #tpu.memory_space<hbm>>
      %dma_start3A_109 = tpu.memref_slice %arg5[%add3A_32] : memref<327680xi32, #tpu.memory_space<hbm>> -> memref<200xi32, #tpu.memory_space<hbm>>
      tpu.enqueue_dma source(%dma_start3A_109 : memref<200xi32, #tpu.memory_space<hbm>>) target(%arg13 : memref<200xi32, #tpu.memory_space<vmem>>) target_semaphore(%run_scoped3A : memref<!tpu.dma_semaphore, #tpu.memory_space<semaphore_mem>>)
      %dma_wait3A_110 = tpu.memref_slice %arg5[%add3A_32] : memref<327680xi32, #tpu.memory_space<hbm>> -> memref<200xi32, #tpu.memory_space<hbm>>
      %dma_wait3A_111 = tpu.memref_slice %arg5[%add3A_32] : memref<327680xi32, #tpu.memory_space<hbm>> -> memref<200xi32, #tpu.memory_space<hbm>>
      tpu.wait_dma2 semaphore(%run_scoped3A : memref<!tpu.dma_semaphore, #tpu.memory_space<semaphore_mem>>) src(%dma_wait3A_111 : memref<200xi32, #tpu.memory_space<hbm>>) dst(%arg13 : memref<200xi32, #tpu.memory_space<vmem>>)
      tpu.yield
    }) : () -> ()
    %dma_start3A_33 = arith.constant 0 : i32
    %dma_start3A_34 = arith.constant 0 : i32
    %dma_start3A_35 = tpu.memref_slice %arg2[%dma_start3A_33, %dma_start3A_34] : memref<10000x128xf32, #tpu.memory_space<hbm>> -> memref<10000x128xf32, #tpu.memory_space<hbm>>
    tpu.enqueue_indirect_dma source(%dma_start3A_35 : memref<10000x128xf32, #tpu.memory_space<hbm>>) target(%arg14 : memref<200x128xf32, #tpu.memory_space<vmem>>) offsets(%arg12 : memref<200xi32, #tpu.memory_space<vmem>>) semaphore(%arg16 : memref<!tpu.dma_semaphore, #tpu.memory_space<semaphore_mem>>)
    %dma_start3A_36 = arith.constant 0 : i32
    %dma_start3A_37 = arith.constant 0 : i32
    %dma_start3A_38 = tpu.memref_slice %arg3[%dma_start3A_36, %dma_start3A_37] : memref<10000x128xf32, #tpu.memory_space<hbm>> -> memref<10000x128xf32, #tpu.memory_space<hbm>>
    tpu.enqueue_indirect_dma source(%dma_start3A_38 : memref<10000x128xf32, #tpu.memory_space<hbm>>) target(%arg15 : memref<200x128xf32, #tpu.memory_space<vmem>>) offsets(%arg13 : memref<200xi32, #tpu.memory_space<vmem>>) semaphore(%arg17 : memref<!tpu.dma_semaphore, #tpu.memory_space<semaphore_mem>>)
    %dma_wait3A_39 = arith.constant 0 : i32
    %dma_wait3A_40 = arith.constant 0 : i32
    %dma_wait3A_41 = tpu.memref_slice %arg2[%dma_wait3A_39, %dma_wait3A_40] : memref<10000x128xf32, #tpu.memory_space<hbm>> -> memref<10000x128xf32, #tpu.memory_space<hbm>>
    tpu.wait_indirect_dma semaphore(%arg16 : memref<!tpu.dma_semaphore, #tpu.memory_space<semaphore_mem>>) src(%dma_wait3A_41 : memref<10000x128xf32, #tpu.memory_space<hbm>>) dst(%arg14 : memref<200x128xf32, #tpu.memory_space<vmem>>)
    %dma_wait3A_42 = arith.constant 0 : i32
    %dma_wait3A_43 = arith.constant 0 : i32
    %dma_wait3A_44 = tpu.memref_slice %arg3[%dma_wait3A_42, %dma_wait3A_43] : memref<10000x128xf32, #tpu.memory_space<hbm>> -> memref<10000x128xf32, #tpu.memory_space<hbm>>
    tpu.wait_indirect_dma semaphore(%arg17 : memref<!tpu.dma_semaphore, #tpu.memory_space<semaphore_mem>>) src(%dma_wait3A_44 : memref<10000x128xf32, #tpu.memory_space<hbm>>) dst(%arg15 : memref<200x128xf32, #tpu.memory_space<vmem>>)
    %dma_start3A_45 = arith.constant 0 : i32
    %dma_start3A_46 = tpu.memref_slice %arg6[%add3A_28, %dma_start3A_45] : memref<160000x128xf32, #tpu.memory_space<hbm>> -> memref<200x128xf32, #tpu.memory_space<hbm>>
    %dma_start3A_47 = arith.constant 0 : i32
    %dma_start3A_48 = tpu.memref_slice %arg6[%add3A_28, %dma_start3A_47] : memref<160000x128xf32, #tpu.memory_space<hbm>> -> memref<200x128xf32, #tpu.memory_space<hbm>>
    tpu.enqueue_dma source(%arg14 : memref<200x128xf32, #tpu.memory_space<vmem>>) target(%dma_start3A_48 : memref<200x128xf32, #tpu.memory_space<hbm>>) target_semaphore(%arg19 : memref<!tpu.dma_semaphore, #tpu.memory_space<semaphore_mem>>)
    %dma_start3A_49 = arith.constant 0 : i32
    %dma_start3A_50 = tpu.memref_slice %arg7[%add3A_28, %dma_start3A_49] : memref<160000x128xf32, #tpu.memory_space<hbm>> -> memref<200x128xf32, #tpu.memory_space<hbm>>
    %dma_start3A_51 = arith.constant 0 : i32
    %dma_start3A_52 = tpu.memref_slice %arg7[%add3A_28, %dma_start3A_51] : memref<160000x128xf32, #tpu.memory_space<hbm>> -> memref<200x128xf32, #tpu.memory_space<hbm>>
    tpu.enqueue_dma source(%arg15 : memref<200x128xf32, #tpu.memory_space<vmem>>) target(%dma_start3A_52 : memref<200x128xf32, #tpu.memory_space<hbm>>) target_semaphore(%arg19 : memref<!tpu.dma_semaphore, #tpu.memory_space<semaphore_mem>>)
    %scan3A = arith.constant 0 : i32
    %scan3A_53 = arith.constant 1 : i32
    %scan3A_54 = arith.constant 11 : i32
    %scan3A_55 = arith.addi %scan3A_53, %scan3A_54 : i32
    %scan3A_56 = arith.constant 1 : i32
    scf.for %scan3A_108 = %scan3A_53 to %scan3A_55 step %scan3A_56  : i32 {
      %mul3A_109 = arith.constant 2 : i32
      %mul3A_110 = arith.muli %mul3A_109, %scan3A_108 : i32
      %mul3A_111 = arith.constant 200 : i32
      %mul3A_112 = arith.muli %mul3A_110, %mul3A_111 : i32
      %add3A_113 = arith.addi %mul3A_2, %mul3A_112 : i32
      %dma_wait3A_114 = arith.constant 0 : i32
      %dma_wait3A_115 = tpu.memref_slice %arg6[%add3A_113, %dma_wait3A_114] : memref<160000x128xf32, #tpu.memory_space<hbm>> -> memref<200x128xf32, #tpu.memory_space<hbm>>
      %dma_wait3A_116 = arith.constant 0 : i32
      %dma_wait3A_117 = tpu.memref_slice %arg6[%add3A_113, %dma_wait3A_116] : memref<160000x128xf32, #tpu.memory_space<hbm>> -> memref<200x128xf32, #tpu.memory_space<hbm>>
      tpu.wait_dma2 semaphore(%arg18 : memref<!tpu.dma_semaphore, #tpu.memory_space<semaphore_mem>>) src(%arg10 : memref<200x128xf32, #tpu.memory_space<vmem>>) dst(%dma_wait3A_117 : memref<200x128xf32, #tpu.memory_space<hbm>>)
      %dma_wait3A_118 = arith.constant 0 : i32
      %dma_wait3A_119 = tpu.memref_slice %arg7[%add3A_113, %dma_wait3A_118] : memref<160000x128xf32, #tpu.memory_space<hbm>> -> memref<200x128xf32, #tpu.memory_space<hbm>>
      %dma_wait3A_120 = arith.constant 0 : i32
      %dma_wait3A_121 = tpu.memref_slice %arg7[%add3A_113, %dma_wait3A_120] : memref<160000x128xf32, #tpu.memory_space<hbm>> -> memref<200x128xf32, #tpu.memory_space<hbm>>
      tpu.wait_dma2 semaphore(%arg18 : memref<!tpu.dma_semaphore, #tpu.memory_space<semaphore_mem>>) src(%arg11 : memref<200x128xf32, #tpu.memory_space<vmem>>) dst(%dma_wait3A_121 : memref<200x128xf32, #tpu.memory_space<hbm>>)
      %add3A_122 = arith.constant 0 : i32
      %add3A_123 = arith.addi %add3A_122, %add3A_113 : i32
      "tpu.region"() ({
        %run_scoped3A = tpu.sem_alloc : memref<!tpu.dma_semaphore, #tpu.memory_space<semaphore_mem>>
        %dma_start3A_185 = tpu.memref_slice %arg4[%add3A_123] : memref<327680xi32, #tpu.memory_space<hbm>> -> memref<200xi32, #tpu.memory_space<hbm>>
        %dma_start3A_186 = tpu.memref_slice %arg4[%add3A_123] : memref<327680xi32, #tpu.memory_space<hbm>> -> memref<200xi32, #tpu.memory_space<hbm>>
        tpu.enqueue_dma source(%dma_start3A_186 : memref<200xi32, #tpu.memory_space<hbm>>) target(%arg8 : memref<200xi32, #tpu.memory_space<vmem>>) target_semaphore(%run_scoped3A : memref<!tpu.dma_semaphore, #tpu.memory_space<semaphore_mem>>)
        %dma_wait3A_187 = tpu.memref_slice %arg4[%add3A_123] : memref<327680xi32, #tpu.memory_space<hbm>> -> memref<200xi32, #tpu.memory_space<hbm>>
        %dma_wait3A_188 = tpu.memref_slice %arg4[%add3A_123] : memref<327680xi32, #tpu.memory_space<hbm>> -> memref<200xi32, #tpu.memory_space<hbm>>
        tpu.wait_dma2 semaphore(%run_scoped3A : memref<!tpu.dma_semaphore, #tpu.memory_space<semaphore_mem>>) src(%dma_wait3A_188 : memref<200xi32, #tpu.memory_space<hbm>>) dst(%arg8 : memref<200xi32, #tpu.memory_space<vmem>>)
        tpu.yield
      }) : () -> ()
      %add3A_124 = arith.constant 0 : i32
      %add3A_125 = arith.addi %add3A_124, %add3A_113 : i32
      "tpu.region"() ({
        %run_scoped3A = tpu.sem_alloc : memref<!tpu.dma_semaphore, #tpu.memory_space<semaphore_mem>>
        %dma_start3A_185 = tpu.memref_slice %arg5[%add3A_125] : memref<327680xi32, #tpu.memory_space<hbm>> -> memref<200xi32, #tpu.memory_space<hbm>>
        %dma_start3A_186 = tpu.memref_slice %arg5[%add3A_125] : memref<327680xi32, #tpu.memory_space<hbm>> -> memref<200xi32, #tpu.memory_space<hbm>>
        tpu.enqueue_dma source(%dma_start3A_186 : memref<200xi32, #tpu.memory_space<hbm>>) target(%arg9 : memref<200xi32, #tpu.memory_space<vmem>>) target_semaphore(%run_scoped3A : memref<!tpu.dma_semaphore, #tpu.memory_space<semaphore_mem>>)
        %dma_wait3A_187 = tpu.memref_slice %arg5[%add3A_125] : memref<327680xi32, #tpu.memory_space<hbm>> -> memref<200xi32, #tpu.memory_space<hbm>>
        %dma_wait3A_188 = tpu.memref_slice %arg5[%add3A_125] : memref<327680xi32, #tpu.memory_space<hbm>> -> memref<200xi32, #tpu.memory_space<hbm>>
        tpu.wait_dma2 semaphore(%run_scoped3A : memref<!tpu.dma_semaphore, #tpu.memory_space<semaphore_mem>>) src(%dma_wait3A_188 : memref<200xi32, #tpu.memory_space<hbm>>) dst(%arg9 : memref<200xi32, #tpu.memory_space<vmem>>)
        tpu.yield
      }) : () -> ()
      %dma_start3A_126 = arith.constant 0 : i32
      %dma_start3A_127 = arith.constant 0 : i32
      %dma_start3A_128 = tpu.memref_slice %arg2[%dma_start3A_126, %dma_start3A_127] : memref<10000x128xf32, #tpu.memory_space<hbm>> -> memref<10000x128xf32, #tpu.memory_space<hbm>>
      tpu.enqueue_indirect_dma source(%dma_start3A_128 : memref<10000x128xf32, #tpu.memory_space<hbm>>) target(%arg10 : memref<200x128xf32, #tpu.memory_space<vmem>>) offsets(%arg8 : memref<200xi32, #tpu.memory_space<vmem>>) semaphore(%arg16 : memref<!tpu.dma_semaphore, #tpu.memory_space<semaphore_mem>>)
      %dma_start3A_129 = arith.constant 0 : i32
      %dma_start3A_130 = arith.constant 0 : i32
      %dma_start3A_131 = tpu.memref_slice %arg3[%dma_start3A_129, %dma_start3A_130] : memref<10000x128xf32, #tpu.memory_space<hbm>> -> memref<10000x128xf32, #tpu.memory_space<hbm>>
      tpu.enqueue_indirect_dma source(%dma_start3A_131 : memref<10000x128xf32, #tpu.memory_space<hbm>>) target(%arg11 : memref<200x128xf32, #tpu.memory_space<vmem>>) offsets(%arg9 : memref<200xi32, #tpu.memory_space<vmem>>) semaphore(%arg17 : memref<!tpu.dma_semaphore, #tpu.memory_space<semaphore_mem>>)
      %dma_wait3A_132 = arith.constant 0 : i32
      %dma_wait3A_133 = arith.constant 0 : i32
      %dma_wait3A_134 = tpu.memref_slice %arg2[%dma_wait3A_132, %dma_wait3A_133] : memref<10000x128xf32, #tpu.memory_space<hbm>> -> memref<10000x128xf32, #tpu.memory_space<hbm>>
      tpu.wait_indirect_dma semaphore(%arg16 : memref<!tpu.dma_semaphore, #tpu.memory_space<semaphore_mem>>) src(%dma_wait3A_134 : memref<10000x128xf32, #tpu.memory_space<hbm>>) dst(%arg10 : memref<200x128xf32, #tpu.memory_space<vmem>>)
      %dma_wait3A_135 = arith.constant 0 : i32
      %dma_wait3A_136 = arith.constant 0 : i32
      %dma_wait3A_137 = tpu.memref_slice %arg3[%dma_wait3A_135, %dma_wait3A_136] : memref<10000x128xf32, #tpu.memory_space<hbm>> -> memref<10000x128xf32, #tpu.memory_space<hbm>>
      tpu.wait_indirect_dma semaphore(%arg17 : memref<!tpu.dma_semaphore, #tpu.memory_space<semaphore_mem>>) src(%dma_wait3A_137 : memref<10000x128xf32, #tpu.memory_space<hbm>>) dst(%arg11 : memref<200x128xf32, #tpu.memory_space<vmem>>)
      %dma_start3A_138 = arith.constant 0 : i32
      %dma_start3A_139 = tpu.memref_slice %arg6[%add3A_113, %dma_start3A_138] : memref<160000x128xf32, #tpu.memory_space<hbm>> -> memref<200x128xf32, #tpu.memory_space<hbm>>
      %dma_start3A_140 = arith.constant 0 : i32
      %dma_start3A_141 = tpu.memref_slice %arg6[%add3A_113, %dma_start3A_140] : memref<160000x128xf32, #tpu.memory_space<hbm>> -> memref<200x128xf32, #tpu.memory_space<hbm>>
      tpu.enqueue_dma source(%arg10 : memref<200x128xf32, #tpu.memory_space<vmem>>) target(%dma_start3A_141 : memref<200x128xf32, #tpu.memory_space<hbm>>) target_semaphore(%arg18 : memref<!tpu.dma_semaphore, #tpu.memory_space<semaphore_mem>>)
      %dma_start3A_142 = arith.constant 0 : i32
      %dma_start3A_143 = tpu.memref_slice %arg7[%add3A_113, %dma_start3A_142] : memref<160000x128xf32, #tpu.memory_space<hbm>> -> memref<200x128xf32, #tpu.memory_space<hbm>>
      %dma_start3A_144 = arith.constant 0 : i32
      %dma_start3A_145 = tpu.memref_slice %arg7[%add3A_113, %dma_start3A_144] : memref<160000x128xf32, #tpu.memory_space<hbm>> -> memref<200x128xf32, #tpu.memory_space<hbm>>
      tpu.enqueue_dma source(%arg11 : memref<200x128xf32, #tpu.memory_space<vmem>>) target(%dma_start3A_145 : memref<200x128xf32, #tpu.memory_space<hbm>>) target_semaphore(%arg18 : memref<!tpu.dma_semaphore, #tpu.memory_space<semaphore_mem>>)
      %mul3A_146 = arith.constant 2 : i32
      %mul3A_147 = arith.muli %mul3A_146, %scan3A_108 : i32
      %add3A_148 = arith.constant 1 : i32
      %add3A_149 = arith.addi %mul3A_147, %add3A_148 : i32
      %mul3A_150 = arith.constant 200 : i32
      %mul3A_151 = arith.muli %add3A_149, %mul3A_150 : i32
      %add3A_152 = arith.addi %mul3A_2, %mul3A_151 : i32
      %dma_wait3A_153 = arith.constant 0 : i32
      %dma_wait3A_154 = tpu.memref_slice %arg6[%add3A_152, %dma_wait3A_153] : memref<160000x128xf32, #tpu.memory_space<hbm>> -> memref<200x128xf32, #tpu.memory_space<hbm>>
      %dma_wait3A_155 = arith.constant 0 : i32
      %dma_wait3A_156 = tpu.memref_slice %arg6[%add3A_152, %dma_wait3A_155] : memref<160000x128xf32, #tpu.memory_space<hbm>> -> memref<200x128xf32, #tpu.memory_space<hbm>>
      tpu.wait_dma2 semaphore(%arg19 : memref<!tpu.dma_semaphore, #tpu.memory_space<semaphore_mem>>) src(%arg14 : memref<200x128xf32, #tpu.memory_space<vmem>>) dst(%dma_wait3A_156 : memref<200x128xf32, #tpu.memory_space<hbm>>)
      %dma_wait3A_157 = arith.constant 0 : i32
      %dma_wait3A_158 = tpu.memref_slice %arg7[%add3A_152, %dma_wait3A_157] : memref<160000x128xf32, #tpu.memory_space<hbm>> -> memref<200x128xf32, #tpu.memory_space<hbm>>
      %dma_wait3A_159 = arith.constant 0 : i32
      %dma_wait3A_160 = tpu.memref_slice %arg7[%add3A_152, %dma_wait3A_159] : memref<160000x128xf32, #tpu.memory_space<hbm>> -> memref<200x128xf32, #tpu.memory_space<hbm>>
      tpu.wait_dma2 semaphore(%arg19 : memref<!tpu.dma_semaphore, #tpu.memory_space<semaphore_mem>>) src(%arg15 : memref<200x128xf32, #tpu.memory_space<vmem>>) dst(%dma_wait3A_160 : memref<200x128xf32, #tpu.memory_space<hbm>>)
      %add3A_161 = arith.constant 0 : i32
      %add3A_162 = arith.addi %add3A_161, %add3A_152 : i32
      "tpu.region"() ({
        %run_scoped3A = tpu.sem_alloc : memref<!tpu.dma_semaphore, #tpu.memory_space<semaphore_mem>>
        %dma_start3A_185 = tpu.memref_slice %arg4[%add3A_162] : memref<327680xi32, #tpu.memory_space<hbm>> -> memref<200xi32, #tpu.memory_space<hbm>>
        %dma_start3A_186 = tpu.memref_slice %arg4[%add3A_162] : memref<327680xi32, #tpu.memory_space<hbm>> -> memref<200xi32, #tpu.memory_space<hbm>>
        tpu.enqueue_dma source(%dma_start3A_186 : memref<200xi32, #tpu.memory_space<hbm>>) target(%arg12 : memref<200xi32, #tpu.memory_space<vmem>>) target_semaphore(%run_scoped3A : memref<!tpu.dma_semaphore, #tpu.memory_space<semaphore_mem>>)
        %dma_wait3A_187 = tpu.memref_slice %arg4[%add3A_162] : memref<327680xi32, #tpu.memory_space<hbm>> -> memref<200xi32, #tpu.memory_space<hbm>>
        %dma_wait3A_188 = tpu.memref_slice %arg4[%add3A_162] : memref<327680xi32, #tpu.memory_space<hbm>> -> memref<200xi32, #tpu.memory_space<hbm>>
        tpu.wait_dma2 semaphore(%run_scoped3A : memref<!tpu.dma_semaphore, #tpu.memory_space<semaphore_mem>>) src(%dma_wait3A_188 : memref<200xi32, #tpu.memory_space<hbm>>) dst(%arg12 : memref<200xi32, #tpu.memory_space<vmem>>)
        tpu.yield
      }) : () -> ()
      %add3A_163 = arith.constant 0 : i32
      %add3A_164 = arith.addi %add3A_163, %add3A_152 : i32
      "tpu.region"() ({
        %run_scoped3A = tpu.sem_alloc : memref<!tpu.dma_semaphore, #tpu.memory_space<semaphore_mem>>
        %dma_start3A_185 = tpu.memref_slice %arg5[%add3A_164] : memref<327680xi32, #tpu.memory_space<hbm>> -> memref<200xi32, #tpu.memory_space<hbm>>
        %dma_start3A_186 = tpu.memref_slice %arg5[%add3A_164] : memref<327680xi32, #tpu.memory_space<hbm>> -> memref<200xi32, #tpu.memory_space<hbm>>
        tpu.enqueue_dma source(%dma_start3A_186 : memref<200xi32, #tpu.memory_space<hbm>>) target(%arg13 : memref<200xi32, #tpu.memory_space<vmem>>) target_semaphore(%run_scoped3A : memref<!tpu.dma_semaphore, #tpu.memory_space<semaphore_mem>>)
        %dma_wait3A_187 = tpu.memref_slice %arg5[%add3A_164] : memref<327680xi32, #tpu.memory_space<hbm>> -> memref<200xi32, #tpu.memory_space<hbm>>
        %dma_wait3A_188 = tpu.memref_slice %arg5[%add3A_164] : memref<327680xi32, #tpu.memory_space<hbm>> -> memref<200xi32, #tpu.memory_space<hbm>>
        tpu.wait_dma2 semaphore(%run_scoped3A : memref<!tpu.dma_semaphore, #tpu.memory_space<semaphore_mem>>) src(%dma_wait3A_188 : memref<200xi32, #tpu.memory_space<hbm>>) dst(%arg13 : memref<200xi32, #tpu.memory_space<vmem>>)
        tpu.yield
      }) : () -> ()
      %dma_start3A_165 = arith.constant 0 : i32
      %dma_start3A_166 = arith.constant 0 : i32
      %dma_start3A_167 = tpu.memref_slice %arg2[%dma_start3A_165, %dma_start3A_166] : memref<10000x128xf32, #tpu.memory_space<hbm>> -> memref<10000x128xf32, #tpu.memory_space<hbm>>
      tpu.enqueue_indirect_dma source(%dma_start3A_167 : memref<10000x128xf32, #tpu.memory_space<hbm>>) target(%arg14 : memref<200x128xf32, #tpu.memory_space<vmem>>) offsets(%arg12 : memref<200xi32, #tpu.memory_space<vmem>>) semaphore(%arg16 : memref<!tpu.dma_semaphore, #tpu.memory_space<semaphore_mem>>)
      %dma_start3A_168 = arith.constant 0 : i32
      %dma_start3A_169 = arith.constant 0 : i32
      %dma_start3A_170 = tpu.memref_slice %arg3[%dma_start3A_168, %dma_start3A_169] : memref<10000x128xf32, #tpu.memory_space<hbm>> -> memref<10000x128xf32, #tpu.memory_space<hbm>>
      tpu.enqueue_indirect_dma source(%dma_start3A_170 : memref<10000x128xf32, #tpu.memory_space<hbm>>) target(%arg15 : memref<200x128xf32, #tpu.memory_space<vmem>>) offsets(%arg13 : memref<200xi32, #tpu.memory_space<vmem>>) semaphore(%arg17 : memref<!tpu.dma_semaphore, #tpu.memory_space<semaphore_mem>>)
      %dma_wait3A_171 = arith.constant 0 : i32
      %dma_wait3A_172 = arith.constant 0 : i32
      %dma_wait3A_173 = tpu.memref_slice %arg2[%dma_wait3A_171, %dma_wait3A_172] : memref<10000x128xf32, #tpu.memory_space<hbm>> -> memref<10000x128xf32, #tpu.memory_space<hbm>>
      tpu.wait_indirect_dma semaphore(%arg16 : memref<!tpu.dma_semaphore, #tpu.memory_space<semaphore_mem>>) src(%dma_wait3A_173 : memref<10000x128xf32, #tpu.memory_space<hbm>>) dst(%arg14 : memref<200x128xf32, #tpu.memory_space<vmem>>)
      %dma_wait3A_174 = arith.constant 0 : i32
      %dma_wait3A_175 = arith.constant 0 : i32
      %dma_wait3A_176 = tpu.memref_slice %arg3[%dma_wait3A_174, %dma_wait3A_175] : memref<10000x128xf32, #tpu.memory_space<hbm>> -> memref<10000x128xf32, #tpu.memory_space<hbm>>
      tpu.wait_indirect_dma semaphore(%arg17 : memref<!tpu.dma_semaphore, #tpu.memory_space<semaphore_mem>>) src(%dma_wait3A_176 : memref<10000x128xf32, #tpu.memory_space<hbm>>) dst(%arg15 : memref<200x128xf32, #tpu.memory_space<vmem>>)
      %dma_start3A_177 = arith.constant 0 : i32
      %dma_start3A_178 = tpu.memref_slice %arg6[%add3A_152, %dma_start3A_177] : memref<160000x128xf32, #tpu.memory_space<hbm>> -> memref<200x128xf32, #tpu.memory_space<hbm>>
      %dma_start3A_179 = arith.constant 0 : i32
      %dma_start3A_180 = tpu.memref_slice %arg6[%add3A_152, %dma_start3A_179] : memref<160000x128xf32, #tpu.memory_space<hbm>> -> memref<200x128xf32, #tpu.memory_space<hbm>>
      tpu.enqueue_dma source(%arg14 : memref<200x128xf32, #tpu.memory_space<vmem>>) target(%dma_start3A_180 : memref<200x128xf32, #tpu.memory_space<hbm>>) target_semaphore(%arg19 : memref<!tpu.dma_semaphore, #tpu.memory_space<semaphore_mem>>)
      %dma_start3A_181 = arith.constant 0 : i32
      %dma_start3A_182 = tpu.memref_slice %arg7[%add3A_152, %dma_start3A_181] : memref<160000x128xf32, #tpu.memory_space<hbm>> -> memref<200x128xf32, #tpu.memory_space<hbm>>
      %dma_start3A_183 = arith.constant 0 : i32
      %dma_start3A_184 = tpu.memref_slice %arg7[%add3A_152, %dma_start3A_183] : memref<160000x128xf32, #tpu.memory_space<hbm>> -> memref<200x128xf32, #tpu.memory_space<hbm>>
      tpu.enqueue_dma source(%arg15 : memref<200x128xf32, #tpu.memory_space<vmem>>) target(%dma_start3A_184 : memref<200x128xf32, #tpu.memory_space<hbm>>) target_semaphore(%arg19 : memref<!tpu.dma_semaphore, #tpu.memory_space<semaphore_mem>>)
    }
    %scan3A_57 = arith.constant 11 : i32
    %add3A_58 = arith.constant 4800 : i32
    %add3A_59 = arith.addi %mul3A_2, %add3A_58 : i32
    %dma_wait3A_60 = arith.constant 0 : i32
    %dma_wait3A_61 = tpu.memref_slice %arg6[%add3A_59, %dma_wait3A_60] : memref<160000x128xf32, #tpu.memory_space<hbm>> -> memref<200x128xf32, #tpu.memory_space<hbm>>
    %dma_wait3A_62 = arith.constant 0 : i32
    %dma_wait3A_63 = tpu.memref_slice %arg6[%add3A_59, %dma_wait3A_62] : memref<160000x128xf32, #tpu.memory_space<hbm>> -> memref<200x128xf32, #tpu.memory_space<hbm>>
    tpu.wait_dma2 semaphore(%arg18 : memref<!tpu.dma_semaphore, #tpu.memory_space<semaphore_mem>>) src(%arg10 : memref<200x128xf32, #tpu.memory_space<vmem>>) dst(%dma_wait3A_63 : memref<200x128xf32, #tpu.memory_space<hbm>>)
    %dma_wait3A_64 = arith.constant 0 : i32
    %dma_wait3A_65 = tpu.memref_slice %arg7[%add3A_59, %dma_wait3A_64] : memref<160000x128xf32, #tpu.memory_space<hbm>> -> memref<200x128xf32, #tpu.memory_space<hbm>>
    %dma_wait3A_66 = arith.constant 0 : i32
    %dma_wait3A_67 = tpu.memref_slice %arg7[%add3A_59, %dma_wait3A_66] : memref<160000x128xf32, #tpu.memory_space<hbm>> -> memref<200x128xf32, #tpu.memory_space<hbm>>
    tpu.wait_dma2 semaphore(%arg18 : memref<!tpu.dma_semaphore, #tpu.memory_space<semaphore_mem>>) src(%arg11 : memref<200x128xf32, #tpu.memory_space<vmem>>) dst(%dma_wait3A_67 : memref<200x128xf32, #tpu.memory_space<hbm>>)
    %add3A_68 = arith.constant 0 : i32
    %add3A_69 = arith.addi %add3A_68, %add3A_59 : i32
    "tpu.region"() ({
      %run_scoped3A = tpu.sem_alloc : memref<!tpu.dma_semaphore, #tpu.memory_space<semaphore_mem>>
      %dma_start3A_108 = tpu.memref_slice %arg4[%add3A_69] : memref<327680xi32, #tpu.memory_space<hbm>> -> memref<200xi32, #tpu.memory_space<hbm>>
      %dma_start3A_109 = tpu.memref_slice %arg4[%add3A_69] : memref<327680xi32, #tpu.memory_space<hbm>> -> memref<200xi32, #tpu.memory_space<hbm>>
      tpu.enqueue_dma source(%dma_start3A_109 : memref<200xi32, #tpu.memory_space<hbm>>) target(%arg8 : memref<200xi32, #tpu.memory_space<vmem>>) target_semaphore(%run_scoped3A : memref<!tpu.dma_semaphore, #tpu.memory_space<semaphore_mem>>)
      %dma_wait3A_110 = tpu.memref_slice %arg4[%add3A_69] : memref<327680xi32, #tpu.memory_space<hbm>> -> memref<200xi32, #tpu.memory_space<hbm>>
      %dma_wait3A_111 = tpu.memref_slice %arg4[%add3A_69] : memref<327680xi32, #tpu.memory_space<hbm>> -> memref<200xi32, #tpu.memory_space<hbm>>
      tpu.wait_dma2 semaphore(%run_scoped3A : memref<!tpu.dma_semaphore, #tpu.memory_space<semaphore_mem>>) src(%dma_wait3A_111 : memref<200xi32, #tpu.memory_space<hbm>>) dst(%arg8 : memref<200xi32, #tpu.memory_space<vmem>>)
      tpu.yield
    }) : () -> ()
    %add3A_70 = arith.constant 0 : i32
    %add3A_71 = arith.addi %add3A_70, %add3A_59 : i32
    "tpu.region"() ({
      %run_scoped3A = tpu.sem_alloc : memref<!tpu.dma_semaphore, #tpu.memory_space<semaphore_mem>>
      %dma_start3A_108 = tpu.memref_slice %arg5[%add3A_71] : memref<327680xi32, #tpu.memory_space<hbm>> -> memref<200xi32, #tpu.memory_space<hbm>>
      %dma_start3A_109 = tpu.memref_slice %arg5[%add3A_71] : memref<327680xi32, #tpu.memory_space<hbm>> -> memref<200xi32, #tpu.memory_space<hbm>>
      tpu.enqueue_dma source(%dma_start3A_109 : memref<200xi32, #tpu.memory_space<hbm>>) target(%arg9 : memref<200xi32, #tpu.memory_space<vmem>>) target_semaphore(%run_scoped3A : memref<!tpu.dma_semaphore, #tpu.memory_space<semaphore_mem>>)
      %dma_wait3A_110 = tpu.memref_slice %arg5[%add3A_71] : memref<327680xi32, #tpu.memory_space<hbm>> -> memref<200xi32, #tpu.memory_space<hbm>>
      %dma_wait3A_111 = tpu.memref_slice %arg5[%add3A_71] : memref<327680xi32, #tpu.memory_space<hbm>> -> memref<200xi32, #tpu.memory_space<hbm>>
      tpu.wait_dma2 semaphore(%run_scoped3A : memref<!tpu.dma_semaphore, #tpu.memory_space<semaphore_mem>>) src(%dma_wait3A_111 : memref<200xi32, #tpu.memory_space<hbm>>) dst(%arg9 : memref<200xi32, #tpu.memory_space<vmem>>)
      tpu.yield
    }) : () -> ()
    %dma_start3A_72 = arith.constant 0 : i32
    %dma_start3A_73 = arith.constant 0 : i32
    %dma_start3A_74 = tpu.memref_slice %arg2[%dma_start3A_72, %dma_start3A_73] : memref<10000x128xf32, #tpu.memory_space<hbm>> -> memref<10000x128xf32, #tpu.memory_space<hbm>>
    tpu.enqueue_indirect_dma source(%dma_start3A_74 : memref<10000x128xf32, #tpu.memory_space<hbm>>) target(%arg10 : memref<200x128xf32, #tpu.memory_space<vmem>>) offsets(%arg8 : memref<200xi32, #tpu.memory_space<vmem>>) semaphore(%arg16 : memref<!tpu.dma_semaphore, #tpu.memory_space<semaphore_mem>>)
    %dma_start3A_75 = arith.constant 0 : i32
    %dma_start3A_76 = arith.constant 0 : i32
    %dma_start3A_77 = tpu.memref_slice %arg3[%dma_start3A_75, %dma_start3A_76] : memref<10000x128xf32, #tpu.memory_space<hbm>> -> memref<10000x128xf32, #tpu.memory_space<hbm>>
    tpu.enqueue_indirect_dma source(%dma_start3A_77 : memref<10000x128xf32, #tpu.memory_space<hbm>>) target(%arg11 : memref<200x128xf32, #tpu.memory_space<vmem>>) offsets(%arg9 : memref<200xi32, #tpu.memory_space<vmem>>) semaphore(%arg17 : memref<!tpu.dma_semaphore, #tpu.memory_space<semaphore_mem>>)
    %dma_wait3A_78 = arith.constant 0 : i32
    %dma_wait3A_79 = arith.constant 0 : i32
    %dma_wait3A_80 = tpu.memref_slice %arg2[%dma_wait3A_78, %dma_wait3A_79] : memref<10000x128xf32, #tpu.memory_space<hbm>> -> memref<10000x128xf32, #tpu.memory_space<hbm>>
    tpu.wait_indirect_dma semaphore(%arg16 : memref<!tpu.dma_semaphore, #tpu.memory_space<semaphore_mem>>) src(%dma_wait3A_80 : memref<10000x128xf32, #tpu.memory_space<hbm>>) dst(%arg10 : memref<200x128xf32, #tpu.memory_space<vmem>>)
    %dma_wait3A_81 = arith.constant 0 : i32
    %dma_wait3A_82 = arith.constant 0 : i32
    %dma_wait3A_83 = tpu.memref_slice %arg3[%dma_wait3A_81, %dma_wait3A_82] : memref<10000x128xf32, #tpu.memory_space<hbm>> -> memref<10000x128xf32, #tpu.memory_space<hbm>>
    tpu.wait_indirect_dma semaphore(%arg17 : memref<!tpu.dma_semaphore, #tpu.memory_space<semaphore_mem>>) src(%dma_wait3A_83 : memref<10000x128xf32, #tpu.memory_space<hbm>>) dst(%arg11 : memref<200x128xf32, #tpu.memory_space<vmem>>)
    %dma_start3A_84 = arith.constant 0 : i32
    %dma_start3A_85 = tpu.memref_slice %arg6[%add3A_59, %dma_start3A_84] : memref<160000x128xf32, #tpu.memory_space<hbm>> -> memref<200x128xf32, #tpu.memory_space<hbm>>
    %dma_start3A_86 = arith.constant 0 : i32
    %dma_start3A_87 = tpu.memref_slice %arg6[%add3A_59, %dma_start3A_86] : memref<160000x128xf32, #tpu.memory_space<hbm>> -> memref<200x128xf32, #tpu.memory_space<hbm>>
    tpu.enqueue_dma source(%arg10 : memref<200x128xf32, #tpu.memory_space<vmem>>) target(%dma_start3A_87 : memref<200x128xf32, #tpu.memory_space<hbm>>) target_semaphore(%arg18 : memref<!tpu.dma_semaphore, #tpu.memory_space<semaphore_mem>>)
    %dma_start3A_88 = arith.constant 0 : i32
    %dma_start3A_89 = tpu.memref_slice %arg7[%add3A_59, %dma_start3A_88] : memref<160000x128xf32, #tpu.memory_space<hbm>> -> memref<200x128xf32, #tpu.memory_space<hbm>>
    %dma_start3A_90 = arith.constant 0 : i32
    %dma_start3A_91 = tpu.memref_slice %arg7[%add3A_59, %dma_start3A_90] : memref<160000x128xf32, #tpu.memory_space<hbm>> -> memref<200x128xf32, #tpu.memory_space<hbm>>
    tpu.enqueue_dma source(%arg11 : memref<200x128xf32, #tpu.memory_space<vmem>>) target(%dma_start3A_91 : memref<200x128xf32, #tpu.memory_space<hbm>>) target_semaphore(%arg18 : memref<!tpu.dma_semaphore, #tpu.memory_space<semaphore_mem>>)
    %dma_wait3A_92 = arith.constant 0 : i32
    %dma_wait3A_93 = tpu.memref_slice %arg6[%mul3A_2, %dma_wait3A_92] : memref<160000x128xf32, #tpu.memory_space<hbm>> -> memref<200x128xf32, #tpu.memory_space<hbm>>
    %dma_wait3A_94 = arith.constant 0 : i32
    %dma_wait3A_95 = tpu.memref_slice %arg6[%mul3A_2, %dma_wait3A_94] : memref<160000x128xf32, #tpu.memory_space<hbm>> -> memref<200x128xf32, #tpu.memory_space<hbm>>
    tpu.wait_dma2 semaphore(%arg18 : memref<!tpu.dma_semaphore, #tpu.memory_space<semaphore_mem>>) src(%arg10 : memref<200x128xf32, #tpu.memory_space<vmem>>) dst(%dma_wait3A_95 : memref<200x128xf32, #tpu.memory_space<hbm>>)
    %dma_wait3A_96 = arith.constant 0 : i32
    %dma_wait3A_97 = tpu.memref_slice %arg7[%mul3A_2, %dma_wait3A_96] : memref<160000x128xf32, #tpu.memory_space<hbm>> -> memref<200x128xf32, #tpu.memory_space<hbm>>
    %dma_wait3A_98 = arith.constant 0 : i32
    %dma_wait3A_99 = tpu.memref_slice %arg7[%mul3A_2, %dma_wait3A_98] : memref<160000x128xf32, #tpu.memory_space<hbm>> -> memref<200x128xf32, #tpu.memory_space<hbm>>
    tpu.wait_dma2 semaphore(%arg18 : memref<!tpu.dma_semaphore, #tpu.memory_space<semaphore_mem>>) src(%arg11 : memref<200x128xf32, #tpu.memory_space<vmem>>) dst(%dma_wait3A_99 : memref<200x128xf32, #tpu.memory_space<hbm>>)
    %dma_wait3A_100 = arith.constant 0 : i32
    %dma_wait3A_101 = tpu.memref_slice %arg6[%mul3A_2, %dma_wait3A_100] : memref<160000x128xf32, #tpu.memory_space<hbm>> -> memref<200x128xf32, #tpu.memory_space<hbm>>
    %dma_wait3A_102 = arith.constant 0 : i32
    %dma_wait3A_103 = tpu.memref_slice %arg6[%mul3A_2, %dma_wait3A_102] : memref<160000x128xf32, #tpu.memory_space<hbm>> -> memref<200x128xf32, #tpu.memory_space<hbm>>
    tpu.wait_dma2 semaphore(%arg19 : memref<!tpu.dma_semaphore, #tpu.memory_space<semaphore_mem>>) src(%arg14 : memref<200x128xf32, #tpu.memory_space<vmem>>) dst(%dma_wait3A_103 : memref<200x128xf32, #tpu.memory_space<hbm>>)
    %dma_wait3A_104 = arith.constant 0 : i32
    %dma_wait3A_105 = tpu.memref_slice %arg7[%mul3A_2, %dma_wait3A_104] : memref<160000x128xf32, #tpu.memory_space<hbm>> -> memref<200x128xf32, #tpu.memory_space<hbm>>
    %dma_wait3A_106 = arith.constant 0 : i32
    %dma_wait3A_107 = tpu.memref_slice %arg7[%mul3A_2, %dma_wait3A_106] : memref<160000x128xf32, #tpu.memory_space<hbm>> -> memref<200x128xf32, #tpu.memory_space<hbm>>
    tpu.wait_dma2 semaphore(%arg19 : memref<!tpu.dma_semaphore, #tpu.memory_space<semaphore_mem>>) src(%arg15 : memref<200x128xf32, #tpu.memory_space<vmem>>) dst(%dma_wait3A_107 : memref<200x128xf32, #tpu.memory_space<hbm>>)
    return
  }
}

#map = affine_map<(d0, d1) -> (0, 0)>
#map1 = affine_map<(d0, d1) -> (0)>
#map2 = affine_map<(d0, d1) -> (0, 0, 0)>
module attributes {stable_mosaic.version = 14 : i64} {
  func.func @_scatter_body(%arg0: i32, %arg1: i32, %arg2: memref<160000x128xf32, #tpu.memory_space<hbm>>, %arg3: memref<327680xi32, #tpu.memory_space<hbm>>, %arg4: memref<2x10240x128xf32, #tpu.memory_space<hbm>>, %arg5: memref<200xi32, #tpu.memory_space<vmem>>, %arg6: memref<200x128xf32, #tpu.memory_space<vmem>>, %arg7: memref<128x128xf32, #tpu.memory_space<vmem>>, %arg8: memref<10240x128xf32, #tpu.memory_space<vmem_shared>>) attributes {dimension_semantics = [#tpu.dimension_semantics<core_parallel>, #tpu.dimension_semantics<subcore_parallel>], iteration_bounds = array<i64: 2, 16>, scalar_prefetch = 0 : i64, scratch_operands = 4 : i64, tpu.core_type = #tpu.core_type<sc_vector_subcore>, window_params = [{transform_indices = #map}, {transform_indices = #map1}, {transform_indices = #map2}]} {
    %mul3A = arith.constant 2 : i32
    %mul3A_0 = arith.muli %arg1, %mul3A : i32
    %add3A = arith.addi %mul3A_0, %arg0 : i32
    %scan3A = arith.constant 0 : i32
    %scan3A_1 = arith.constant 0 : i32
    %scan3A_2 = arith.constant 1024 : i32
    %scan3A_3 = arith.addi %scan3A_1, %scan3A_2 : i32
    %scan3A_4 = arith.constant 1 : i32
    scf.for %scan3A_23 = %scan3A_1 to %scan3A_3 step %scan3A_4  : i32 {
      %broadcast_in_dim3A = arith.constant 0.000000e+00 : f32
      %broadcast_in_dim3A_24 = vector.broadcast %broadcast_in_dim3A : f32 to vector<16xf32>
      %jit3A = arith.constant 8 : i32
      %div3A = arith.divsi %scan3A_23, %jit3A : i32
      %sign3A = arith.constant 0 : i32
      %sign3A_25 = arith.cmpi sgt, %scan3A_23, %sign3A : i32
      %sign3A_26 = arith.extui %sign3A_25 : i1 to i32
      %sign3A_27 = arith.constant 0 : i32
      %sign3A_28 = arith.cmpi slt, %scan3A_23, %sign3A_27 : i32
      %sign3A_29 = arith.extui %sign3A_28 : i1 to i32
      %sign3A_30 = arith.subi %sign3A_26, %sign3A_29 : i32
      %sign3A_31 = arith.constant 0 : i32
      %sign3A_32 = arith.cmpi sgt, %jit3A, %sign3A_31 : i32
      %sign3A_33 = arith.extui %sign3A_32 : i1 to i32
      %sign3A_34 = arith.constant 0 : i32
      %sign3A_35 = arith.cmpi slt, %jit3A, %sign3A_34 : i32
      %sign3A_36 = arith.extui %sign3A_35 : i1 to i32
      %sign3A_37 = arith.subi %sign3A_33, %sign3A_36 : i32
      %ne3A = arith.cmpi ne, %sign3A_30, %sign3A_37 : i32
      %rem3A = arith.remsi %scan3A_23, %jit3A : i32
      %ne3A_38 = arith.constant 0 : i32
      %ne3A_39 = arith.cmpi ne, %rem3A, %ne3A_38 : i32
      %and3A = arith.andi %ne3A, %ne3A_39 : i1
      %sub3A = arith.constant 1 : i32
      %sub3A_40 = arith.subi %div3A, %sub3A : i32
      %select_n3A = arith.select %and3A, %sub3A_40, %div3A : i32
      %jit3A_41 = arith.constant 8 : i32
      %eq3A = arith.constant 0 : i32
      %eq3A_42 = arith.cmpi eq, %jit3A_41, %eq3A : i32
      %jit3A_43 = arith.constant 1 : i32
      %select_n3A_44 = arith.select %eq3A_42, %jit3A_43, %jit3A_41 : i32
      %rem3A_45 = arith.remsi %scan3A_23, %select_n3A_44 : i32
      %ne3A_46 = arith.constant 0 : i32
      %ne3A_47 = arith.cmpi ne, %rem3A_45, %ne3A_46 : i32
      %lt3A = arith.constant 0 : i32
      %lt3A_48 = arith.cmpi slt, %rem3A_45, %lt3A : i32
      %lt3A_49 = arith.constant 0 : i32
      %lt3A_50 = arith.cmpi slt, %select_n3A_44, %lt3A_49 : i32
      %ne3A_51 = arith.xori %lt3A_48, %lt3A_50 : i1
      %and3A_52 = arith.andi %ne3A_51, %ne3A_47 : i1
      %add3A_53 = arith.addi %rem3A_45, %select_n3A_44 : i32
      %select_n3A_54 = arith.select %and3A_52, %add3A_53, %rem3A_45 : i32
      %mul3A_55 = arith.constant 16 : i32
      %mul3A_56 = arith.muli %select_n3A_54, %mul3A_55 : i32
      %swap3A = arith.index_cast %select_n3A : i32 to index
      %swap3A_57 = arith.index_cast %mul3A_56 : i32 to index
      %swap3A_58 = tpu.vector_load %arg7[%swap3A, %swap3A_57] {strides = array<i32>} : memref<128x128xf32, #tpu.memory_space<vmem>>, vector<1x16xf32>,
      %swap3A_59 = vector.shape_cast %swap3A_58 : vector<1x16xf32> to vector<16xf32>
      %swap3A_60 = vector.shape_cast %broadcast_in_dim3A_24 : vector<16xf32> to vector<1x16xf32>
      tpu.vector_store %arg7[%swap3A, %swap3A_57], %swap3A_60 {strides = array<i32>} : memref<128x128xf32, #tpu.memory_space<vmem>>, vector<1x16xf32>,
    }
    %scan3A_5 = arith.constant 1024 : i32
    %scan3A_6 = arith.constant 0 : i32
    %scan3A_7 = arith.constant 0 : i32
    %scan3A_8 = arith.constant 5 : i32
    %scan3A_9 = arith.addi %scan3A_7, %scan3A_8 : i32
    %scan3A_10 = arith.constant 1 : i32
    scf.for %scan3A_23 = %scan3A_7 to %scan3A_9 step %scan3A_10  : i32 {
      %mul3A_24 = arith.constant 640 : i32
      %mul3A_25 = arith.muli %arg1, %mul3A_24 : i32
      %mul3A_26 = arith.constant 128 : i32
      %mul3A_27 = arith.muli %scan3A_23, %mul3A_26 : i32
      %add3A_28 = arith.addi %mul3A_25, %mul3A_27 : i32
      "tpu.region"() ({
        %run_scoped3A = tpu.sem_alloc : memref<!tpu.dma_semaphore, #tpu.memory_space<semaphore_mem>>
        %dma_start3A = arith.constant 0 : i32
        %dma_start3A_29 = tpu.memref_slice %arg8[%add3A_28, %dma_start3A] : memref<10240x128xf32, #tpu.memory_space<vmem_shared>> -> memref<128x128xf32, #tpu.memory_space<vmem_shared>>
        %dma_start3A_30 = arith.constant 0 : i32
        %dma_start3A_31 = tpu.memref_slice %arg8[%add3A_28, %dma_start3A_30] : memref<10240x128xf32, #tpu.memory_space<vmem_shared>> -> memref<128x128xf32, #tpu.memory_space<vmem_shared>>
        tpu.enqueue_dma source(%arg7 : memref<128x128xf32, #tpu.memory_space<vmem>>) target(%dma_start3A_31 : memref<128x128xf32, #tpu.memory_space<vmem_shared>>) target_semaphore(%run_scoped3A : memref<!tpu.dma_semaphore, #tpu.memory_space<semaphore_mem>>)
        %dma_wait3A = arith.constant 0 : i32
        %dma_wait3A_32 = tpu.memref_slice %arg8[%add3A_28, %dma_wait3A] : memref<10240x128xf32, #tpu.memory_space<vmem_shared>> -> memref<128x128xf32, #tpu.memory_space<vmem_shared>>
        %dma_wait3A_33 = arith.constant 0 : i32
        %dma_wait3A_34 = tpu.memref_slice %arg8[%add3A_28, %dma_wait3A_33] : memref<10240x128xf32, #tpu.memory_space<vmem_shared>> -> memref<128x128xf32, #tpu.memory_space<vmem_shared>>
        tpu.wait_dma2 semaphore(%run_scoped3A : memref<!tpu.dma_semaphore, #tpu.memory_space<semaphore_mem>>) src(%arg7 : memref<128x128xf32, #tpu.memory_space<vmem>>) dst(%dma_wait3A_34 : memref<128x128xf32, #tpu.memory_space<vmem_shared>>)
        tpu.yield
      }) : () -> ()
    }
    %scan3A_11 = arith.constant 5 : i32
    %barrier3A = arith.constant 0 : index
    tpu.barrier barrier_id(%barrier3A)
    %mul3A_12 = arith.constant 5000 : i32
    %mul3A_13 = arith.muli %add3A, %mul3A_12 : i32
    %scan3A_14 = arith.constant 0 : i32
    %scan3A_15 = arith.constant 0 : i32
    %scan3A_16 = arith.constant 25 : i32
    %scan3A_17 = arith.addi %scan3A_15, %scan3A_16 : i32
    %scan3A_18 = arith.constant 1 : i32
    scf.for %scan3A_23 = %scan3A_15 to %scan3A_17 step %scan3A_18  : i32 {
      %mul3A_24 = arith.constant 200 : i32
      %mul3A_25 = arith.muli %scan3A_23, %mul3A_24 : i32
      %add3A_26 = arith.addi %mul3A_13, %mul3A_25 : i32
      %add3A_27 = arith.constant 160000 : i32
      %add3A_28 = arith.addi %add3A_27, %add3A_26 : i32
      "tpu.region"() ({
        %run_scoped3A = tpu.sem_alloc : memref<!tpu.dma_semaphore, #tpu.memory_space<semaphore_mem>>
        %dma_start3A = tpu.memref_slice %arg3[%add3A_28] : memref<327680xi32, #tpu.memory_space<hbm>> -> memref<200xi32, #tpu.memory_space<hbm>>
        %dma_start3A_29 = tpu.memref_slice %arg3[%add3A_28] : memref<327680xi32, #tpu.memory_space<hbm>> -> memref<200xi32, #tpu.memory_space<hbm>>
        tpu.enqueue_dma source(%dma_start3A_29 : memref<200xi32, #tpu.memory_space<hbm>>) target(%arg5 : memref<200xi32, #tpu.memory_space<vmem>>) target_semaphore(%run_scoped3A : memref<!tpu.dma_semaphore, #tpu.memory_space<semaphore_mem>>)
        %dma_wait3A = tpu.memref_slice %arg3[%add3A_28] : memref<327680xi32, #tpu.memory_space<hbm>> -> memref<200xi32, #tpu.memory_space<hbm>>
        %dma_wait3A_30 = tpu.memref_slice %arg3[%add3A_28] : memref<327680xi32, #tpu.memory_space<hbm>> -> memref<200xi32, #tpu.memory_space<hbm>>
        tpu.wait_dma2 semaphore(%run_scoped3A : memref<!tpu.dma_semaphore, #tpu.memory_space<semaphore_mem>>) src(%dma_wait3A_30 : memref<200xi32, #tpu.memory_space<hbm>>) dst(%arg5 : memref<200xi32, #tpu.memory_space<vmem>>)
        tpu.yield
      }) : () -> ()
      "tpu.region"() ({
        %run_scoped3A = tpu.sem_alloc : memref<!tpu.dma_semaphore, #tpu.memory_space<semaphore_mem>>
        %dma_start3A = arith.constant 0 : i32
        %dma_start3A_29 = tpu.memref_slice %arg2[%add3A_26, %dma_start3A] : memref<160000x128xf32, #tpu.memory_space<hbm>> -> memref<200x128xf32, #tpu.memory_space<hbm>>
        %dma_start3A_30 = arith.constant 0 : i32
        %dma_start3A_31 = tpu.memref_slice %arg2[%add3A_26, %dma_start3A_30] : memref<160000x128xf32, #tpu.memory_space<hbm>> -> memref<200x128xf32, #tpu.memory_space<hbm>>
        tpu.enqueue_dma source(%dma_start3A_31 : memref<200x128xf32, #tpu.memory_space<hbm>>) target(%arg6 : memref<200x128xf32, #tpu.memory_space<vmem>>) target_semaphore(%run_scoped3A : memref<!tpu.dma_semaphore, #tpu.memory_space<semaphore_mem>>)
        %dma_wait3A = arith.constant 0 : i32
        %dma_wait3A_32 = tpu.memref_slice %arg2[%add3A_26, %dma_wait3A] : memref<160000x128xf32, #tpu.memory_space<hbm>> -> memref<200x128xf32, #tpu.memory_space<hbm>>
        %dma_wait3A_33 = arith.constant 0 : i32
        %dma_wait3A_34 = tpu.memref_slice %arg2[%add3A_26, %dma_wait3A_33] : memref<160000x128xf32, #tpu.memory_space<hbm>> -> memref<200x128xf32, #tpu.memory_space<hbm>>
        tpu.wait_dma2 semaphore(%run_scoped3A : memref<!tpu.dma_semaphore, #tpu.memory_space<semaphore_mem>>) src(%dma_wait3A_34 : memref<200x128xf32, #tpu.memory_space<hbm>>) dst(%arg6 : memref<200x128xf32, #tpu.memory_space<vmem>>)
        tpu.yield
      }) : () -> ()
      "tpu.region"() ({
        %run_scoped3A = tpu.sem_alloc : memref<!tpu.dma_semaphore, #tpu.memory_space<semaphore_mem>>
        %dma_start3A = arith.constant 0 : i32
        %dma_start3A_29 = arith.constant 0 : i32
        %dma_start3A_30 = tpu.memref_slice %arg8[%dma_start3A, %dma_start3A_29] : memref<10240x128xf32, #tpu.memory_space<vmem_shared>> -> memref<10240x128xf32, #tpu.memory_space<vmem_shared>>
        tpu.enqueue_indirect_dma source(%arg6 : memref<200x128xf32, #tpu.memory_space<vmem>>) target(%dma_start3A_30 : memref<10240x128xf32, #tpu.memory_space<vmem_shared>>) offsets(%arg5 : memref<200xi32, #tpu.memory_space<vmem>>) semaphore(%run_scoped3A : memref<!tpu.dma_semaphore, #tpu.memory_space<semaphore_mem>>) {add = true}
        %dma_wait3A = arith.constant 0 : i32
        %dma_wait3A_31 = arith.constant 0 : i32
        %dma_wait3A_32 = tpu.memref_slice %arg8[%dma_wait3A, %dma_wait3A_31] : memref<10240x128xf32, #tpu.memory_space<vmem_shared>> -> memref<10240x128xf32, #tpu.memory_space<vmem_shared>>
        tpu.wait_indirect_dma semaphore(%run_scoped3A : memref<!tpu.dma_semaphore, #tpu.memory_space<semaphore_mem>>) src(%arg6 : memref<200x128xf32, #tpu.memory_space<vmem>>) dst(%dma_wait3A_32 : memref<10240x128xf32, #tpu.memory_space<vmem_shared>>)
        tpu.yield
      }) : () -> ()
    }
    %scan3A_19 = arith.constant 25 : i32
    %barrier3A_20 = arith.constant 0 : index
    tpu.barrier barrier_id(%barrier3A_20)
    %mul3A_21 = arith.constant 640 : i32
    %mul3A_22 = arith.muli %arg1, %mul3A_21 : i32
    "tpu.region"() ({
      %run_scoped3A = tpu.sem_alloc : memref<!tpu.dma_semaphore, #tpu.memory_space<semaphore_mem>>
      %dma_start3A = arith.constant 0 : i32
      %dma_start3A_23 = tpu.memref_slice %arg4[%arg0, %mul3A_22, %dma_start3A] : memref<2x10240x128xf32, #tpu.memory_space<hbm>> -> memref<1x640x128xf32, #tpu.memory_space<hbm>>
      %dma_start3A_24 = tpu.memref_squeeze %dma_start3A_23 : memref<1x640x128xf32, #tpu.memory_space<hbm>> -> memref<640x128xf32, #tpu.memory_space<hbm>>
      %dma_start3A_25 = arith.constant 0 : i32
      %dma_start3A_26 = tpu.memref_slice %arg8[%mul3A_22, %dma_start3A_25] : memref<10240x128xf32, #tpu.memory_space<vmem_shared>> -> memref<640x128xf32, #tpu.memory_space<vmem_shared>>
      tpu.enqueue_dma source(%dma_start3A_26 : memref<640x128xf32, #tpu.memory_space<vmem_shared>>) target(%dma_start3A_24 : memref<640x128xf32, #tpu.memory_space<hbm>>) target_semaphore(%run_scoped3A : memref<!tpu.dma_semaphore, #tpu.memory_space<semaphore_mem>>)
      %dma_wait3A = arith.constant 0 : i32
      %dma_wait3A_27 = tpu.memref_slice %arg4[%arg0, %mul3A_22, %dma_wait3A] : memref<2x10240x128xf32, #tpu.memory_space<hbm>> -> memref<1x640x128xf32, #tpu.memory_space<hbm>>
      %dma_wait3A_28 = tpu.memref_squeeze %dma_wait3A_27 : memref<1x640x128xf32, #tpu.memory_space<hbm>> -> memref<640x128xf32, #tpu.memory_space<hbm>>
      %dma_wait3A_29 = arith.constant 0 : i32
      %dma_wait3A_30 = tpu.memref_slice %arg8[%mul3A_22, %dma_wait3A_29] : memref<10240x128xf32, #tpu.memory_space<vmem_shared>> -> memref<640x128xf32, #tpu.memory_space<vmem_shared>>
      tpu.wait_dma2 semaphore(%run_scoped3A : memref<!tpu.dma_semaphore, #tpu.memory_space<semaphore_mem>>) src(%dma_wait3A_30 : memref<640x128xf32, #tpu.memory_space<vmem_shared>>) dst(%dma_wait3A_28 : memref<640x128xf32, #tpu.memory_space<hbm>>)
      tpu.yield
    }) : () -> ()
    return
  }
}

module attributes {stable_mosaic.version = 14 : i64} {
  func.func @_node_body(%arg0: i32, %arg1: memref<1000x128xf32, #tpu.memory_space<vmem>>, %arg2: memref<2x1000x128xf32, #tpu.memory_space<vmem>>, %arg3: memref<2x1000x128xf32, #tpu.memory_space<vmem>>, %arg4: memref<128x128xf32, #tpu.memory_space<vmem>>, %arg5: memref<128x128xf32, #tpu.memory_space<vmem>>, %arg6: memref<1x128xf32, #tpu.memory_space<vmem>>, %arg7: memref<128x128xf32, #tpu.memory_space<vmem>>, %arg8: memref<1x128xf32, #tpu.memory_space<vmem>>, %arg9: memref<1000x128xf32, #tpu.memory_space<vmem>>) attributes {dimension_semantics = [#tpu.dimension_semantics<arbitrary>], iteration_bounds = array<i64: 10>, scalar_prefetch = 0 : i64, scratch_operands = 0 : i64, tpu.core_type = #tpu.core_type<tc>, window_params = [{transform_indices = @transform_0, window_bounds = array<i64: 1000, 128>}, {transform_indices = @transform_1, window_bounds = array<i64: 2, 1000, 128>}, {transform_indices = @transform_2, window_bounds = array<i64: 2, 1000, 128>}, {pipeline_mode = #tpu.pipeline_mode<synchronous>, transform_indices = @transform_3, window_bounds = array<i64: 128, 128>}, {pipeline_mode = #tpu.pipeline_mode<synchronous>, transform_indices = @transform_4, window_bounds = array<i64: 128, 128>}, {pipeline_mode = #tpu.pipeline_mode<synchronous>, transform_indices = @transform_5, window_bounds = array<i64: 1, 128>}, {pipeline_mode = #tpu.pipeline_mode<synchronous>, transform_indices = @transform_6, window_bounds = array<i64: 128, 128>}, {pipeline_mode = #tpu.pipeline_mode<synchronous>, transform_indices = @transform_7, window_bounds = array<i64: 1, 128>}, {transform_indices = @transform_8, window_bounds = array<i64: 1000, 128>}]} {
    %get3A = arith.constant 0 : index
    %get3A_0 = arith.constant 0 : index
    %get3A_1 = vector.load %arg1[%get3A, %get3A_0] : memref<1000x128xf32, #tpu.memory_space<vmem>>, vector<1000x128xf32>
    %get3A_2 = arith.constant 0 : index
    %get3A_3 = arith.constant 0 : index
    %get3A_4 = arith.constant 0 : index
    %get3A_5 = vector.load %arg2[%get3A_2, %get3A_3, %get3A_4] : memref<2x1000x128xf32, #tpu.memory_space<vmem>>, vector<1x1000x128xf32>
    %get3A_6 = vector.shape_cast %get3A_5 : vector<1x1000x128xf32> to vector<1000x128xf32>
    %get3A_7 = arith.constant 1 : index
    %get3A_8 = arith.constant 0 : index
    %get3A_9 = arith.constant 0 : index
    %get3A_10 = vector.load %arg2[%get3A_7, %get3A_8, %get3A_9] : memref<2x1000x128xf32, #tpu.memory_space<vmem>>, vector<1x1000x128xf32>
    %get3A_11 = vector.shape_cast %get3A_10 : vector<1x1000x128xf32> to vector<1000x128xf32>
    %add3A = arith.addf %get3A_6, %get3A_11 : vector<1000x128xf32>
    %get3A_12 = arith.constant 0 : index
    %get3A_13 = arith.constant 0 : index
    %get3A_14 = arith.constant 0 : index
    %get3A_15 = vector.load %arg3[%get3A_12, %get3A_13, %get3A_14] : memref<2x1000x128xf32, #tpu.memory_space<vmem>>, vector<1x1000x128xf32>
    %get3A_16 = vector.shape_cast %get3A_15 : vector<1x1000x128xf32> to vector<1000x128xf32>
    %add3A_17 = arith.addf %add3A, %get3A_16 : vector<1000x128xf32>
    %get3A_18 = arith.constant 1 : index
    %get3A_19 = arith.constant 0 : index
    %get3A_20 = arith.constant 0 : index
    %get3A_21 = vector.load %arg3[%get3A_18, %get3A_19, %get3A_20] : memref<2x1000x128xf32, #tpu.memory_space<vmem>>, vector<1x1000x128xf32>
    %get3A_22 = vector.shape_cast %get3A_21 : vector<1x1000x128xf32> to vector<1000x128xf32>
    %add3A_23 = arith.addf %add3A_17, %get3A_22 : vector<1000x128xf32>
    %mul3A = arith.constant 0.00999999977 : f32
    %mul3A_24 = vector.broadcast %mul3A : f32 to vector<1000x128xf32>
    %mul3A_25 = arith.mulf %add3A_23, %mul3A_24 : vector<1000x128xf32>
    %get3A_26 = arith.constant 0 : index
    %get3A_27 = arith.constant 0 : index
    %get3A_28 = vector.load %arg4[%get3A_26, %get3A_27] : memref<128x128xf32, #tpu.memory_space<vmem>>, vector<128x128xf32>
    %dot_general3A = arith.constant dense<0.000000e+00> : vector<1000x128xf32>
    %dot_general3A_29 = tpu.matmul %get3A_1, %get3A_28, %dot_general3A {dimension_numbers = #tpu.dot_dimension_numbers<[1], [0], [0], [1], [0, 0, 1, 1], [], []>, transpose_lhs_hint = false} : vector<1000x128xf32>, vector<128x128xf32>, vector<1000x128xf32> -> vector<1000x128xf32>
    %get3A_30 = arith.constant 0 : index
    %get3A_31 = arith.constant 0 : index
    %get3A_32 = vector.load %arg5[%get3A_30, %get3A_31] : memref<128x128xf32, #tpu.memory_space<vmem>>, vector<128x128xf32>
    %dot_general3A_33 = arith.constant dense<0.000000e+00> : vector<1000x128xf32>
    %dot_general3A_34 = tpu.matmul %mul3A_25, %get3A_32, %dot_general3A_33 {dimension_numbers = #tpu.dot_dimension_numbers<[1], [0], [0], [1], [0, 0, 1, 1], [], []>, transpose_lhs_hint = false} : vector<1000x128xf32>, vector<128x128xf32>, vector<1000x128xf32> -> vector<1000x128xf32>
    %add3A_35 = arith.addf %dot_general3A_29, %dot_general3A_34 : vector<1000x128xf32>
    %get3A_36 = arith.constant 0 : index
    %get3A_37 = arith.constant 0 : index
    %get3A_38 = vector.load %arg6[%get3A_36, %get3A_37] : memref<1x128xf32, #tpu.memory_space<vmem>>, vector<1x128xf32>
    %add3A_39 = vector.broadcast %get3A_38 : vector<1x128xf32> to vector<1000x128xf32>
    %add3A_40 = arith.addf %add3A_35, %add3A_39 : vector<1000x128xf32>
    %mul3A_41 = arith.constant 5.000000e-01 : f32
    %mul3A_42 = vector.broadcast %mul3A_41 : f32 to vector<1000x128xf32>
    %mul3A_43 = arith.mulf %mul3A_42, %add3A_40 : vector<1000x128xf32>
    %tanh3A = math.tanh %mul3A_43 : vector<1000x128xf32>
    %mul3A_44 = arith.constant 5.000000e-01 : f32
    %mul3A_45 = vector.broadcast %mul3A_44 : f32 to vector<1000x128xf32>
    %mul3A_46 = arith.mulf %mul3A_45, %tanh3A : vector<1000x128xf32>
    %add3A_47 = arith.constant 5.000000e-01 : f32
    %add3A_48 = vector.broadcast %add3A_47 : f32 to vector<1000x128xf32>
    %add3A_49 = arith.addf %add3A_48, %mul3A_46 : vector<1000x128xf32>
    %mul3A_50 = arith.mulf %add3A_40, %add3A_49 : vector<1000x128xf32>
    %get3A_51 = arith.constant 0 : index
    %get3A_52 = arith.constant 0 : index
    %get3A_53 = vector.load %arg7[%get3A_51, %get3A_52] : memref<128x128xf32, #tpu.memory_space<vmem>>, vector<128x128xf32>
    %dot_general3A_54 = arith.constant dense<0.000000e+00> : vector<1000x128xf32>
    %dot_general3A_55 = tpu.matmul %mul3A_50, %get3A_53, %dot_general3A_54 {dimension_numbers = #tpu.dot_dimension_numbers<[1], [0], [0], [1], [0, 0, 1, 1], [], []>, transpose_lhs_hint = false} : vector<1000x128xf32>, vector<128x128xf32>, vector<1000x128xf32> -> vector<1000x128xf32>
    %get3A_56 = arith.constant 0 : index
    %get3A_57 = arith.constant 0 : index
    %get3A_58 = vector.load %arg8[%get3A_56, %get3A_57] : memref<1x128xf32, #tpu.memory_space<vmem>>, vector<1x128xf32>
    %add3A_59 = vector.broadcast %get3A_58 : vector<1x128xf32> to vector<1000x128xf32>
    %add3A_60 = arith.addf %dot_general3A_55, %add3A_59 : vector<1000x128xf32>
    %add3A_61 = arith.addf %get3A_1, %add3A_60 : vector<1000x128xf32>
    %swap3A = arith.constant 0 : index
    %swap3A_62 = arith.constant 0 : index
    %swap3A_63 = vector.load %arg9[%swap3A, %swap3A_62] : memref<1000x128xf32, #tpu.memory_space<vmem>>, vector<1000x128xf32>
    tpu.vector_store %arg9[%swap3A, %swap3A_62], %add3A_61 {strides = array<i32>} : memref<1000x128xf32, #tpu.memory_space<vmem>>, vector<1000x128xf32>,
    return
  }
  func.func @transform_0(%arg0: i32) -> (i32, i32) {
    %c0_i32 = arith.constant 0 : i32
    %c0_i32_0 = arith.constant 0 : i32
    return %arg0, %c0_i32 : i32, i32
  }
  func.func @transform_1(%arg0: i32) -> (i32, i32, i32) {
    %c0_i32 = arith.constant 0 : i32
    %c0_i32_0 = arith.constant 0 : i32
    %c0_i32_1 = arith.constant 0 : i32
    return %c0_i32, %arg0, %c0_i32_0 : i32, i32, i32
  }
  func.func @transform_2(%arg0: i32) -> (i32, i32, i32) {
    %c0_i32 = arith.constant 0 : i32
    %c0_i32_0 = arith.constant 0 : i32
    %c0_i32_1 = arith.constant 0 : i32
    return %c0_i32, %arg0, %c0_i32_0 : i32, i32, i32
  }
  func.func @transform_3(%arg0: i32) -> (i32, i32) {
    %c0_i32 = arith.constant 0 : i32
    %c0_i32_0 = arith.constant 0 : i32
    %c0_i32_1 = arith.constant 0 : i32
    return %c0_i32, %c0_i32_0 : i32, i32
  }
  func.func @transform_4(%arg0: i32) -> (i32, i32) {
    %c0_i32 = arith.constant 0 : i32
    %c0_i32_0 = arith.constant 0 : i32
    %c0_i32_1 = arith.constant 0 : i32
    return %c0_i32, %c0_i32_0 : i32, i32
  }
  func.func @transform_5(%arg0: i32) -> (i32, i32) {
    %c0_i32 = arith.constant 0 : i32
    %c0_i32_0 = arith.constant 0 : i32
    %c0_i32_1 = arith.constant 0 : i32
    return %c0_i32, %c0_i32_0 : i32, i32
  }
  func.func @transform_6(%arg0: i32) -> (i32, i32) {
    %c0_i32 = arith.constant 0 : i32
    %c0_i32_0 = arith.constant 0 : i32
    %c0_i32_1 = arith.constant 0 : i32
    return %c0_i32, %c0_i32_0 : i32, i32
  }
  func.func @transform_7(%arg0: i32) -> (i32, i32) {
    %c0_i32 = arith.constant 0 : i32
    %c0_i32_0 = arith.constant 0 : i32
    %c0_i32_1 = arith.constant 0 : i32
    return %c0_i32, %c0_i32_0 : i32, i32
  }
  func.func @transform_8(%arg0: i32) -> (i32, i32) {
    %c0_i32 = arith.constant 0 : i32
    %c0_i32_0 = arith.constant 0 : i32
    return %arg0, %c0_i32 : i32, i32
  }
}

module attributes {stable_mosaic.version = 14 : i64} {
  func.func @_edge_body(%arg0: i32, %arg1: memref<2000x128xf32, #tpu.memory_space<vmem>>, %arg2: memref<2000x128xf32, #tpu.memory_space<vmem>>, %arg3: memref<128x128xf32, #tpu.memory_space<vmem>>, %arg4: memref<1x128xf32, #tpu.memory_space<vmem>>, %arg5: memref<2000x128xf32, #tpu.memory_space<vmem>>) attributes {dimension_semantics = [#tpu.dimension_semantics<arbitrary>], iteration_bounds = array<i64: 80>, scalar_prefetch = 0 : i64, scratch_operands = 0 : i64, tpu.core_type = #tpu.core_type<tc>, window_params = [{transform_indices = @transform_0, window_bounds = array<i64: 2000, 128>}, {transform_indices = @transform_1, window_bounds = array<i64: 2000, 128>}, {pipeline_mode = #tpu.pipeline_mode<synchronous>, transform_indices = @transform_2, window_bounds = array<i64: 128, 128>}, {pipeline_mode = #tpu.pipeline_mode<synchronous>, transform_indices = @transform_3, window_bounds = array<i64: 1, 128>}, {transform_indices = @transform_4, window_bounds = array<i64: 2000, 128>}]} {
    %get3A = arith.constant 0 : index
    %get3A_0 = arith.constant 0 : index
    %get3A_1 = vector.load %arg1[%get3A, %get3A_0] : memref<2000x128xf32, #tpu.memory_space<vmem>>, vector<2000x128xf32>
    %get3A_2 = arith.constant 0 : index
    %get3A_3 = arith.constant 0 : index
    %get3A_4 = vector.load %arg2[%get3A_2, %get3A_3] : memref<2000x128xf32, #tpu.memory_space<vmem>>, vector<2000x128xf32>
    %add3A = arith.addf %get3A_1, %get3A_4 : vector<2000x128xf32>
    %mul3A = arith.constant 5.000000e-01 : f32
    %mul3A_5 = vector.broadcast %mul3A : f32 to vector<2000x128xf32>
    %mul3A_6 = arith.mulf %mul3A_5, %add3A : vector<2000x128xf32>
    %tanh3A = math.tanh %mul3A_6 : vector<2000x128xf32>
    %mul3A_7 = arith.constant 5.000000e-01 : f32
    %mul3A_8 = vector.broadcast %mul3A_7 : f32 to vector<2000x128xf32>
    %mul3A_9 = arith.mulf %mul3A_8, %tanh3A : vector<2000x128xf32>
    %add3A_10 = arith.constant 5.000000e-01 : f32
    %add3A_11 = vector.broadcast %add3A_10 : f32 to vector<2000x128xf32>
    %add3A_12 = arith.addf %add3A_11, %mul3A_9 : vector<2000x128xf32>
    %mul3A_13 = arith.mulf %add3A, %add3A_12 : vector<2000x128xf32>
    %convert_element_type3A = arith.truncf %mul3A_13 : vector<2000x128xf32> to vector<2000x128xbf16>
    %get3A_14 = arith.constant 0 : index
    %get3A_15 = arith.constant 0 : index
    %get3A_16 = vector.load %arg3[%get3A_14, %get3A_15] : memref<128x128xf32, #tpu.memory_space<vmem>>, vector<128x128xf32>
    %convert_element_type3A_17 = arith.truncf %get3A_16 : vector<128x128xf32> to vector<128x128xbf16>
    %dot_general3A = arith.constant dense<0.000000e+00> : vector<2000x128xf32>
    %dot_general3A_18 = tpu.matmul %convert_element_type3A, %convert_element_type3A_17, %dot_general3A {dimension_numbers = #tpu.dot_dimension_numbers<[1], [0], [0], [1], [0, 0, 1, 1], [], []>, transpose_lhs_hint = false} : vector<2000x128xbf16>, vector<128x128xbf16>, vector<2000x128xf32> -> vector<2000x128xf32>
    %get3A_19 = arith.constant 0 : index
    %get3A_20 = arith.constant 0 : index
    %get3A_21 = vector.load %arg4[%get3A_19, %get3A_20] : memref<1x128xf32, #tpu.memory_space<vmem>>, vector<1x128xf32>
    %add3A_22 = vector.broadcast %get3A_21 : vector<1x128xf32> to vector<2000x128xf32>
    %add3A_23 = arith.addf %dot_general3A_18, %add3A_22 : vector<2000x128xf32>
    %mul3A_24 = arith.constant 5.000000e-01 : f32
    %mul3A_25 = vector.broadcast %mul3A_24 : f32 to vector<2000x128xf32>
    %mul3A_26 = arith.mulf %mul3A_25, %add3A_23 : vector<2000x128xf32>
    %tanh3A_27 = math.tanh %mul3A_26 : vector<2000x128xf32>
    %mul3A_28 = arith.constant 5.000000e-01 : f32
    %mul3A_29 = vector.broadcast %mul3A_28 : f32 to vector<2000x128xf32>
    %mul3A_30 = arith.mulf %mul3A_29, %tanh3A_27 : vector<2000x128xf32>
    %add3A_31 = arith.constant 5.000000e-01 : f32
    %add3A_32 = vector.broadcast %add3A_31 : f32 to vector<2000x128xf32>
    %add3A_33 = arith.addf %add3A_32, %mul3A_30 : vector<2000x128xf32>
    %mul3A_34 = arith.mulf %add3A_23, %add3A_33 : vector<2000x128xf32>
    %swap3A = arith.constant 0 : index
    %swap3A_35 = arith.constant 0 : index
    %swap3A_36 = vector.load %arg5[%swap3A, %swap3A_35] : memref<2000x128xf32, #tpu.memory_space<vmem>>, vector<2000x128xf32>
    tpu.vector_store %arg5[%swap3A, %swap3A_35], %mul3A_34 {strides = array<i32>} : memref<2000x128xf32, #tpu.memory_space<vmem>>, vector<2000x128xf32>,
    return
  }
  func.func @transform_0(%arg0: i32) -> (i32, i32) {
    %c0_i32 = arith.constant 0 : i32
    %c0_i32_0 = arith.constant 0 : i32
    return %arg0, %c0_i32 : i32, i32
  }
  func.func @transform_1(%arg0: i32) -> (i32, i32) {
    %c0_i32 = arith.constant 0 : i32
    %c0_i32_0 = arith.constant 0 : i32
    return %arg0, %c0_i32 : i32, i32
  }
  func.func @transform_2(%arg0: i32) -> (i32, i32) {
    %c0_i32 = arith.constant 0 : i32
    %c0_i32_0 = arith.constant 0 : i32
    %c0_i32_1 = arith.constant 0 : i32
    return %c0_i32, %c0_i32_0 : i32, i32
  }
  func.func @transform_3(%arg0: i32) -> (i32, i32) {
    %c0_i32 = arith.constant 0 : i32
    %c0_i32_0 = arith.constant 0 : i32
    %c0_i32_1 = arith.constant 0 : i32
    return %c0_i32, %c0_i32_0 : i32, i32
  }
  func.func @transform_4(%arg0: i32) -> (i32, i32) {
    %c0_i32 = arith.constant 0 : i32
    %c0_i32_0 = arith.constant 0 : i32
    return %arg0, %c0_i32 : i32, i32
  }
}

module attributes {stable_mosaic.version = 14 : i64} {
  func.func @_pre_body(%arg0: i32, %arg1: memref<1000x128xf32, #tpu.memory_space<vmem>>, %arg2: memref<128x128xf32, #tpu.memory_space<vmem>>, %arg3: memref<128x128xf32, #tpu.memory_space<vmem>>, %arg4: memref<1x128xf32, #tpu.memory_space<vmem>>, %arg5: memref<2x32768xi32, #tpu.memory_space<vmem>>, %arg6: memref<1000x128xf32, #tpu.memory_space<vmem>>, %arg7: memref<1000x128xf32, #tpu.memory_space<vmem>>, %arg8: memref<32768xi32, #tpu.memory_space<vmem>>, %arg9: memref<32768xi32, #tpu.memory_space<vmem>>) attributes {dimension_semantics = [#tpu.dimension_semantics<arbitrary>], iteration_bounds = array<i64: 10>, scalar_prefetch = 0 : i64, scratch_operands = 0 : i64, tpu.core_type = #tpu.core_type<tc>, window_params = [{transform_indices = @transform_0, window_bounds = array<i64: 1000, 128>}, {pipeline_mode = #tpu.pipeline_mode<synchronous>, transform_indices = @transform_1, window_bounds = array<i64: 128, 128>}, {pipeline_mode = #tpu.pipeline_mode<synchronous>, transform_indices = @transform_2, window_bounds = array<i64: 128, 128>}, {pipeline_mode = #tpu.pipeline_mode<synchronous>, transform_indices = @transform_3, window_bounds = array<i64: 1, 128>}, {transform_indices = @transform_4, window_bounds = array<i64: 2, 32768>}, {transform_indices = @transform_5, window_bounds = array<i64: 1000, 128>}, {transform_indices = @transform_6, window_bounds = array<i64: 1000, 128>}, {transform_indices = @transform_7, window_bounds = array<i64: 32768>}, {transform_indices = @transform_8, window_bounds = array<i64: 32768>}]} {
    %get3A = arith.constant 0 : index
    %get3A_0 = arith.constant 0 : index
    %get3A_1 = vector.load %arg1[%get3A, %get3A_0] : memref<1000x128xf32, #tpu.memory_space<vmem>>, vector<1000x128xf32>
    %get3A_2 = arith.constant 0 : index
    %get3A_3 = arith.constant 0 : index
    %get3A_4 = vector.load %arg2[%get3A_2, %get3A_3] : memref<128x128xf32, #tpu.memory_space<vmem>>, vector<128x128xf32>
    %dot_general3A = arith.constant dense<0.000000e+00> : vector<1000x128xf32>
    %dot_general3A_5 = tpu.matmul %get3A_1, %get3A_4, %dot_general3A {dimension_numbers = #tpu.dot_dimension_numbers<[1], [0], [0], [1], [0, 0, 1, 1], [], []>, transpose_lhs_hint = false} : vector<1000x128xf32>, vector<128x128xf32>, vector<1000x128xf32> -> vector<1000x128xf32>
    %get3A_6 = arith.constant 0 : index
    %get3A_7 = arith.constant 0 : index
    %get3A_8 = vector.load %arg4[%get3A_6, %get3A_7] : memref<1x128xf32, #tpu.memory_space<vmem>>, vector<1x128xf32>
    %add3A = vector.broadcast %get3A_8 : vector<1x128xf32> to vector<1000x128xf32>
    %add3A_9 = arith.addf %dot_general3A_5, %add3A : vector<1000x128xf32>
    %swap3A = arith.constant 0 : index
    %swap3A_10 = arith.constant 0 : index
    %swap3A_11 = vector.load %arg6[%swap3A, %swap3A_10] : memref<1000x128xf32, #tpu.memory_space<vmem>>, vector<1000x128xf32>
    tpu.vector_store %arg6[%swap3A, %swap3A_10], %add3A_9 {strides = array<i32>} : memref<1000x128xf32, #tpu.memory_space<vmem>>, vector<1000x128xf32>,
    %get3A_12 = arith.constant 0 : index
    %get3A_13 = arith.constant 0 : index
    %get3A_14 = vector.load %arg3[%get3A_12, %get3A_13] : memref<128x128xf32, #tpu.memory_space<vmem>>, vector<128x128xf32>
    %dot_general3A_15 = arith.constant dense<0.000000e+00> : vector<1000x128xf32>
    %dot_general3A_16 = tpu.matmul %get3A_1, %get3A_14, %dot_general3A_15 {dimension_numbers = #tpu.dot_dimension_numbers<[1], [0], [0], [1], [0, 0, 1, 1], [], []>, transpose_lhs_hint = false} : vector<1000x128xf32>, vector<128x128xf32>, vector<1000x128xf32> -> vector<1000x128xf32>
    %swap3A_17 = arith.constant 0 : index
    %swap3A_18 = arith.constant 0 : index
    %swap3A_19 = vector.load %arg7[%swap3A_17, %swap3A_18] : memref<1000x128xf32, #tpu.memory_space<vmem>>, vector<1000x128xf32>
    tpu.vector_store %arg7[%swap3A_17, %swap3A_18], %dot_general3A_16 {strides = array<i32>} : memref<1000x128xf32, #tpu.memory_space<vmem>>, vector<1000x128xf32>,
    %get3A_20 = arith.constant 0 : index
    %get3A_21 = arith.constant 0 : index
    %get3A_22 = vector.load %arg5[%get3A_20, %get3A_21] : memref<2x32768xi32, #tpu.memory_space<vmem>>, vector<1x32768xi32>
    %get3A_23 = vector.shape_cast %get3A_22 : vector<1x32768xi32> to vector<32768xi32>
    %swap3A_24 = arith.constant 0 : index
    %swap3A_25 = vector.load %arg8[%swap3A_24] : memref<32768xi32, #tpu.memory_space<vmem>>, vector<32768xi32>
    tpu.vector_store %arg8[%swap3A_24], %get3A_23 {strides = array<i32>} : memref<32768xi32, #tpu.memory_space<vmem>>, vector<32768xi32>,
    %get3A_26 = arith.constant 1 : index
    %get3A_27 = arith.constant 0 : index
    %get3A_28 = vector.load %arg5[%get3A_26, %get3A_27] : memref<2x32768xi32, #tpu.memory_space<vmem>>, vector<1x32768xi32>
    %get3A_29 = vector.shape_cast %get3A_28 : vector<1x32768xi32> to vector<32768xi32>
    %swap3A_30 = arith.constant 0 : index
    %swap3A_31 = vector.load %arg9[%swap3A_30] : memref<32768xi32, #tpu.memory_space<vmem>>, vector<32768xi32>
    tpu.vector_store %arg9[%swap3A_30], %get3A_29 {strides = array<i32>} : memref<32768xi32, #tpu.memory_space<vmem>>, vector<32768xi32>,
    return
  }
  func.func @transform_0(%arg0: i32) -> (i32, i32) {
    %c0_i32 = arith.constant 0 : i32
    %c0_i32_0 = arith.constant 0 : i32
    return %arg0, %c0_i32 : i32, i32
  }
  func.func @transform_1(%arg0: i32) -> (i32, i32) {
    %c0_i32 = arith.constant 0 : i32
    %c0_i32_0 = arith.constant 0 : i32
    %c0_i32_1 = arith.constant 0 : i32
    return %c0_i32, %c0_i32_0 : i32, i32
  }
  func.func @transform_2(%arg0: i32) -> (i32, i32) {
    %c0_i32 = arith.constant 0 : i32
    %c0_i32_0 = arith.constant 0 : i32
    %c0_i32_1 = arith.constant 0 : i32
    return %c0_i32, %c0_i32_0 : i32, i32
  }
  func.func @transform_3(%arg0: i32) -> (i32, i32) {
    %c0_i32 = arith.constant 0 : i32
    %c0_i32_0 = arith.constant 0 : i32
    %c0_i32_1 = arith.constant 0 : i32
    return %c0_i32, %c0_i32_0 : i32, i32
  }
  func.func @transform_4(%arg0: i32) -> (i32, i32) {
    %c0_i32 = arith.constant 0 : i32
    %c0_i32_0 = arith.constant 0 : i32
    return %c0_i32, %arg0 : i32, i32
  }
  func.func @transform_5(%arg0: i32) -> (i32, i32) {
    %c0_i32 = arith.constant 0 : i32
    %c0_i32_0 = arith.constant 0 : i32
    return %arg0, %c0_i32 : i32, i32
  }
  func.func @transform_6(%arg0: i32) -> (i32, i32) {
    %c0_i32 = arith.constant 0 : i32
    %c0_i32_0 = arith.constant 0 : i32
    return %arg0, %c0_i32 : i32, i32
  }
  func.func @transform_7(%arg0: i32) -> i32 {
    %c0_i32 = arith.constant 0 : i32
    return %arg0 : i32
  }
  func.func @transform_8(%arg0: i32) -> i32 {
    %c0_i32 = arith.constant 0 : i32
    return %arg0 : i32
  }
}

</mosaic_0001>

<sc_bundles>
// kernel: kernel.10.cloned.1.call-start
scs
__scs_entry_jumppad:
0x0: {  	(pc) =	sbr.rel $0x88, $3  }
0x1: {  	(tag) =	ssettag $0x0;
	lr =	simm.s32 $0x1  }
0x2: {  	[smem:$0x3F97] =	sst lr;
	_ =	strace $0xD0000000  }
0x3: {  	_ = 	snop  }
0x4: {  	_ = 	snop  }
0x5: {  	_ = 	snop  }
0x6: {  	_ = 	snop  }
0x7: {  	_ = 	snop  }
__scs_overlays_trampoline_lowered:
0x8: {  	[smem:$0x3FA6] =	sst s0  }
0x9: {  	[smem:$0x3FA7] =	sst s1  }
0xa: {  	[smem:$0x3FA8] =	sst s2  }
0xb: {  	[smem:$0x3FA9] =	sst s3  }
0xc: {  	[smem:$0x3FAA] =	sst s4  }
0xd: {  	[smem:$0x3FAB] =	sst s5  }
0xe: {  	[smem:$0x3FAC] =	sst s6  }
0xf: {  	[smem:$0x3FAD] =	sst s7  }
0x10: {  	[smem:$0x3FAE] =	sst s8  }
0x11: {  	[smem:$0x3FAF] =	sst s9;
	s0 =	simm.s32 @!p0 $0x0  }
0x12: {  	s1 =	sld [smem:$0x3F95];
	s0 =	simm.s32 @p0 $0x1  }
0x13: {  	[smem:$0x3FB0] =	sst s0;
	s0 =	simm.s32 @!p1 $0x0  }
0x14: {  	s2 =	sld [smem:$0x3F94];
	s0 =	simm.s32 @p1 $0x1  }
0x15: {  	[smem:$0x3FB1] =	sst s0;
	s0 =	simm.s32 @!p2 $0x0  }
0x16: {  	s3 =	sld [smem:$0x3FDB];
	s0 =	simm.s32 @p2 $0x1  }
0x17: {  	s4 =	simm.s32 $0x1BF5;
	[smem:$0x3FB3] =	sst s0  }
0x18: {  	s0 =	sld [smem:$0x3F96];
	_ =	swait.ge [sflag:s4], $0x0  }
0x19: {  	s7 =	sld [smem:$0x3F97]  }
0x1a: {  	s8 =	sadd.s32 $0xFFFFE003, lr  }
0x1b: {  	s9 =	sadd.s32 $0xFFFFFEF7, lr;
	s5 =	simm.s32 $0xFFFFFFFF;
	p2 =	slt.u32 s8, $0xFFFFF086  }
0x1c: {  	p1 =	slt.u32 s9, $0xF7A;
	s5 =	simm.s32 @!p2 $0x0  }
0x1d: {  	s5 =	simm.s32 @p1 $0x1;
	p0 =	seq.s32 s7, s2  }
0x1e: {  	s7 =	smul.u32 @!p0 $0xF7A, s2;
	p2 =	seq.s32 @!p0 s5, $0x0  }
0x1f: {  	s9 =	smul.u32 $0xF7A, s1;
	s8 =	simm.s32 @!p0 $0x1BF5;
	p2 =	por !p2, p0  }
0x20: {  	[sflag:s8] =	ssyncset.s32 @!p0 $0xFFFFF086;
	s6 =	sadd.s32 @!p0 s3, s7;
	s7 =	simm.s32 @!p0 $0x108  }
0x21: {  	s3 =	sadd.s32 s3, s9;
	s6 =	sadd.s32 @!p0 $0x88, s6;
	s7 =	simm.s32 @p2 $0x1082  }
0x22: {  	[simem:s7], [sflag:s8] =	dma.local @!p0 [hbm:s6], $0xF7A  }
0x23: {  	s9 =	sor.u32 $0xD0000000, s2;
	s6 =	simm.s32 $0x108;
	_ =	swait.ge @!p0 [sflag:s8], $0x0  }
0x24: {  	s3 =	sadd.s32 $0x88, s3;
	s6 =	simm.s32 @!p1 $0x1082;
	[sflag:s4] =	ssyncset.s32 $0xFFFFF086  }
0x25: {  	[simem:s6], [sflag:s4] =	dma.local [hbm:s3], $0xF7A  }
0x26: {  	[smem:$0x3F97] =	sst s1;
	(tag) =	ssettag s2;
	_ =	strace s9  }
0x27: {  	s1 =	sld [smem:$0x3FA7]  }
0x28: {  	s2 =	sld [smem:$0x3FA8]  }
0x29: {  	s4 =	sld [smem:$0x3FAA]  }
0x2a: {  	p0 =	seq.s32 s5, $0x0;
	s5 =	sld [smem:$0x3FAB]  }
0x2b: {  	s6 =	sld [smem:$0x3FAC]  }
0x2c: {  	s7 =	sld [smem:$0x3FAD]  }
0x2d: {  	s3 =	simm.s32 $0x108;
	s8 =	sld [smem:$0x3FAE]  }
0x2e: {  	s3 =	simm.s32 @!p0 $0x1082;
	s9 =	sld [smem:$0x3FAF]  }
0x2f: {  	lr =	sadd.s32 s0, s3;
	s0 =	sld [smem:$0x3FA6]  }
0x30: {  	s3 =	sld [smem:$0x3FA9]  }
0x31: {  	[smem:$0x3FB2] =	sst s10  }
0x32: {  	s10 =	sld [smem:$0x3FB0];
	_ =	sdelay $0x3  }
0x33: {  	p0 =	seq.s32 s10, $0x1;
	s10 =	sld [smem:$0x3FB2];
	_ =	sdelay $0x3  }
0x34: {  	[smem:$0x3FB2] =	sst s10  }
0x35: {  	s10 =	sld [smem:$0x3FB1];
	_ =	sdelay $0x3  }
0x36: {  	p1 =	seq.s32 s10, $0x1;
	s10 =	sld [smem:$0x3FB2];
	_ =	sdelay $0x3  }
0x37: {  	[smem:$0x3FB2] =	sst s10  }
0x38: {  	s10 =	sld [smem:$0x3FB3]  }
0x39: {  	_ = 	snop;
	(pc) =	sbr.ind lr, $3  }
0x3a: {  	_ = 	snop  }
0x3b: {  	_ = 	snop  }
0x3c: {  	p2 =	seq.s32 s10, $0x1;
	s10 =	sld [smem:$0x3FB2]  }
0x3d: {  	_ =	shalt  }
0x3e: {  	_ =	shalt  }
0x3f: {  	_ =	shalt  }
0x40: {  	_ =	shalt  }
0x41: {  	_ =	shalt  }
0x42: {  	_ =	shalt  }
0x43: {  	_ =	shalt  }
0x44: {  	_ =	shalt  }
0x45: {  	_ =	shalt  }
0x46: {  	_ =	shalt  }
0x47: {  	_ =	shalt  }
0x48: {  	_ =	shalt  }
0x49: {  	_ =	shalt  }
0x4a: {  	_ =	shalt  }
0x4b: {  	_ =	shalt  }
0x4c: {  	_ =	shalt  }
0x4d: {  	_ =	shalt  }
0x4e: {  	_ =	shalt  }
0x4f: {  	_ =	shalt  }
0x50: {  	_ =	shalt  }
0x51: {  	_ =	shalt  }
0x52: {  	_ =	shalt  }
0x53: {  	_ =	shalt  }
0x54: {  	_ =	shalt  }
0x55: {  	_ =	shalt  }
0x56: {  	_ =	shalt  }
0x57: {  	_ =	shalt  }
0x58: {  	_ =	shalt  }
0x59: {  	_ =	shalt  }
0x5a: {  	_ =	shalt  }
0x5b: {  	_ =	shalt  }
0x5c: {  	_ =	shalt  }
0x5d: {  	_ =	shalt  }
0x5e: {  	_ =	shalt  }
0x5f: {  	_ =	shalt  }
0x60: {  	_ =	shalt  }
0x61: {  	_ =	shalt  }
0x62: {  	_ =	shalt  }
0x63: {  	_ =	shalt  }
0x64: {  	_ =	shalt  }
0x65: {  	_ =	shalt  }
0x66: {  	_ =	shalt  }
0x67: {  	_ =	shalt  }
0x68: {  	_ =	shalt  }
0x69: {  	_ =	shalt  }
0x6a: {  	_ =	shalt  }
0x6b: {  	_ =	shalt  }
0x6c: {  	_ =	shalt  }
0x6d: {  	_ =	shalt  }
0x6e: {  	_ =	shalt  }
0x6f: {  	_ =	shalt  }
0x70: {  	_ =	shalt  }
0x71: {  	_ =	shalt  }
0x72: {  	_ =	shalt  }
0x73: {  	_ =	shalt  }
0x74: {  	_ =	shalt  }
0x75: {  	_ =	shalt  }
0x76: {  	_ =	shalt  }
0x77: {  	_ =	shalt  }
0x78: {  	_ =	shalt  }
0x79: {  	_ =	shalt  }
0x7a: {  	_ =	shalt  }
0x7b: {  	_ =	shalt  }
0x7c: {  	_ =	shalt  }
0x7d: {  	_ =	shalt  }
0x7e: {  	_ =	shalt  }
0x7f: {  	_ =	shalt  }
0x80: {  	_ =	shalt  }
0x81: {  	_ =	shalt  }
0x82: {  	_ =	shalt  }
0x83: {  	_ =	shalt  }
0x84: {  	_ =	shalt  }
0x85: {  	_ =	shalt  }
0x86: {  	_ =	shalt  }
0x87: {  	_ =	shalt  }
.Lfunc_end0:
.L_simem_size_0:
called_computation_lowered:
.L_overlay_start_0:
0x88: {  	s2 =	sld [smem:$0x3FD9]  }
0x89: {  	s3 =	sld [smem:$0x3FFE];
	_ =	sdelay $0x1  }
0x8a: {  	s1 =	srdreg.scid  }
0x8b: {  	s0 =	sand.u32 $0x1, s1  }
0x8c: {  	s17 =	sshll.u32 s0, $0xA;
	s2 =	sadd.s32 s3, s2  }
0x8d: {  	s2 =	sadd.s32 s2, s17  }
0x8e: {  	[smem:$0x3FBE] =	sst s2  }
0x8f: {  	_ = 	snop  }
0x90: {  	s18 =	sld [smem:$0x3FD0];
	(tm) =	ssettm $0x1  }
0x91: {  	s19 =	sld [smem:$0x3FFB];
	_ =	sdelay $0x3  }
0x92: {  	_ =	strace s19  }
0x93: {  	s2 =	sld [smem:$0x3FFC];
	_ =	sdelay $0x3  }
0x94: {  	_ =	strace s2  }
0x95: {  	s2 =	sld [smem:$0x3FFD];
	_ =	sdelay $0x3  }
0x96: {  	_ =	strace s2  }
0x97: {  	_ =	strace $0x8FFFFFFF  }
0x98: {  	s20 =	sld [smem:$0x3FDB];
	_ =	sdelay $0x1  }
0x99: {  	s4 =	simm.s32 $_scs_section_size  }
0x9a: {  	s5 =	simm.s32 $_size__tile_overlayer_lowered;
	s6 =	simm.s32 $_tile_overlayer_lowered  }
0x9b: {  	s7 =	simm.s32 $0x1BFF;
	s21 =	sshll.u32 s6, $0x1;
	s4 =	sadd.s32 s4, s20  }
0x9c: {  	s22 =	simm.s32 $0x0;
	s5 =	sshll.u32 s5, $0x1;
	s6 =	sadd.s32 s21, s4  }
0x9d: {  	[timem:s22], [sflag:s7] =	dma.local [hbm:s6], s5  }
0x9e: {  	_ =	swait.ge [sflag:s7], s5  }
0x9f: {  	s5 =	ssub.s32 $0x0, s5;
	[sflag:s7] =	ssyncset.done $0x0  }
0xa0: {  	[sflag:s7] =	ssyncadd.s32 s5;
	_ =	sdelay $0x1  }
0xa1: {  	s23 =	simm.s32 $0x1B8B  }
0xa2: {  	_ =	swait.ge [sflag:s23], $0x1  }
0xa3: {  	[sflag:s23] =	ssyncset.done $0x0  }
0xa4: {  	[sflag:s23] =	ssyncadd.s32 $0xFFFFFFFF  }
0xa5: {  	s5 =	sld [smem:$0x0]  }
0xa6: {  	s6 =	sand.u32 $0xFFFFFFFE, s1  }
0xa7: {  	p0 =	sne.s32 s1, s6  }
0xa8: {  	s6 =	sshll.u32 @p0 s6, $0xE  }
0xa9: {  	s6 =	sadd.s32 @p0 $0x11B8D, s6;
	s7 =	sshll.u32 @p0 s5, $0x11  }
0xaa: {  	s6 =	sor.u32 @p0 s7, s6  }
0xab: {  	[sflag:s6] =	ssyncadd.remote.s32 @p0 $0x1;
	_ =	sdelay $0x1  }
0xac: {  	s6 =	simm.s32 @p0 $0x1B8D  }
0xad: {  	_ =	swait.eq @p0 [sflag:s6], $0x1  }
0xae: {  	[sflag:s6] =	ssyncadd.s32 @p0 $0xFFFFFFFF  }
0xaf: {  	s7 =	sshll.u32 @!p0 s1, $0xE  }
0xb0: {  	s7 =	sor.u32 @!p0 $0x4000, s7;
	s6 =	simm.s32 @!p0 $0x1B8D  }
0xb1: {  	s5 =	sshll.u32 @!p0 s5, $0x11;
	s7 =	sadd.s32 @!p0 $0x11B8D, s7;
	_ =	swait.eq @!p0 [sflag:s6], $0x1  }
0xb2: {  	s5 =	sor.u32 @!p0 s5, s7;
	[sflag:s6] =	ssyncadd.s32 @!p0 $0xFFFFFFFF  }
0xb3: {  	s25 =	simm.s32 $0x1B8E;
	s24 =	sld [smem:$0x3FFE];
	[sflag:s5] =	ssyncadd.remote.s32 @!p0 $0x1  }
0xb4: {  	s26 =	simm.s32 $execute0_lowered;
	[smem:$0x3FD2] =	sst s25  }
0xb5: {  	s6 =	sshll.u32 s26, $0x1;
	_ =	strace $0x80000049;
	[dreg:$0x1] =	wrdreg $0xFFFFFFFF  }
0xb6: {  	s28 =	simm.s32 $_size_execute0_lowered;
	s4 =	sadd.s32 s4, s6;
	[dreg:$0x0] =	wrdreg $0x0  }
0xb7: {  	s6 =	sshll.u32 s28, $0x1;
	[dreg:$0x2] =	wrdreg s4  }
0xb8: {  	[dreg:$0x3] =	wrdreg s6  }
0xb9: {  	[dreg:$0x4] =	wrdreg $0xC0  }
0xba: {  	_ =	task [dreg:s22], $0x5FFFF  }
0xbb: {  	[dreg:$0x1] =	wrdreg $0xFFFFFFFF  }
0xbc: {  	[dreg:$0x0] =	wrdreg $0x60  }
0xbd: {  	[dreg:$0x2] =	wrdreg s18  }
0xbe: {  	[dreg:$0x3] =	wrdreg s24  }
0xbf: {  	[dreg:$0x4] =	wrdreg $0x9  }
0xc0: {  	_ =	task.clear_ibuf [dreg:s22], $0x5FFFF;
	_ =	strace $0x90000049  }
0xc1: {  	s29 =	simm.s32 $0x9;
	_ =	strace $0x8000004B  }
0xc2: {  	_ =	swait.ge [sflag:s29], $0x1  }
0xc3: {  	[sflag:s29] =	ssyncadd.s32 $0xFFFFFFFF  }
0xc4: {  	_ =	strace $0x9000004B  }
0xc5: {  	_ =	sfence  }
0xc6: {  	s30 =	sld [smem:$0x0];
	_ =	sdelay $0x2  }
0xc7: {  	s31 =	sshll.u32 s1, $0xD;
	s1 =	sshrl.u32 s1, $0x2  }
0xc8: {  	s4 =	sand.u32 $0x4000, s31;
	s1 =	sadd.s32 s1, s30  }
0xc9: {  	s0 =	sor.u32 s4, s0;
	s1 =	sshll.u32 s1, $0x11  }
0xca: {  	s0 =	sor.u32 s1, s0  }
0xcb: {  	s0 =	sadd.s32 $0x8F2B, s0  }
0xcc: {  	[sflag:s0] =	ssyncadd.remote.s32 $0x1  }
0xcd: {  	_ =	sfence.sel $0xFFFF  }
0xce: {  	[dreg:$0x0] =	wrdreg $0xFFFFFFFF;
	(pc) =	sbr.abs _section_cstart, $3  }
0xcf: {  	[dreg:$0x1] =	wrdreg $0xFFFFFFFF  }
0xd0: {  	_ =	task.clear_ibuf [dreg:s22], $0x2FFFF;
	_ =	strace $0x9FFFFFFF  }
0xd1: {  	(tm) =	ssettm $0x7FFFFFFF  }
tec
execute0_lowered:
.L_overlay_start_1:
0x0: {  	(tag) =	ssettag $0x1  }
0x1: {  	s1 =	rddreg [dreg:$0x0]  }
0x2: {  	s0 =	rddreg [dreg:$0x1];
	s3 =	simm.s32 $0x0;
	s2 =	srdreg.scid  }
0x3: {  	s13 =	stileid.u32;
	s28 =	simm.s32 $0x6600;
	s29 =	simm.s32 $0x1  }
0x4: {  	s30 =	simm.s32 $0x2;
	s31 =	simm.s32 $0xCA00;
	[smem:$0x7FF] =	sst s3  }
0x5: {  	s4 =	sadd.s32 $0xDC00, s0;
	s2 =	sand.u32 $0x1, s2;
	s18 =	smul.u32 $0x27100, s13  }
0x6: {  	s6 =	sshll.u32 s13, $0x1;
	s5 =	sadd.s32 $0x3C00, s0;
	s21 =	smul.u32 $0x2710, s13  }
0x7: {  	s11 =	sadd.s32 $0x520E00, s0;
	s8 =	sor.u32 s2, s6;
	s22 =	smul.u32 $0x1388, s2  }
0x8: {  	_ =	strace $0x8000004A;
	s7 =	ssub.s32 $0x2, s2;
	s10 =	smul.u32 $0x1388, s8  }
0x9: {  	s6 =	sadd.s32 $0x34E00, s0;
	s9 =	sshrl.u32 s7, $0x1;
	s8 =	smul.u32 $0x13880, s8  }
0xa: {  	s0 =	sadd.s32 $0x791E00, s0;
	s2 =	smul.u32 $0x13880, s2;
	s7 =	ssub.s32 s7, s9  }
0xb: {  	s23 =	sshrl.u32 s10, $0x3;
	s12 =	sadd.s32 $0xC8, s10;
	s25 =	sadd.s32 s11, s8  }
0xc: {  	s8 =	sadd.s32 s0, s8;
	s15 =	sadd.s32 $0x12C0, s10;
	[dreg:$0x7] =	wrdreg s25  }
0xd: {  	s19 =	smax.u32 s7, $0x1;
	s14 =	sadd.s32 s5, s23;
	[dreg:$0x8] =	wrdreg s8  }
0xe: {  	s9 =	sadd.s32 s6, s23;
	s24 =	sshrl.u32 s12, $0x3;
	[dreg:$0x5] =	wrdreg s14  }
0xf: {  	s17 =	sshrl.u32 s15, $0x3;
	[dreg:$0x6] =	wrdreg s9;
	s26 =	sadd.s32 s5, s24  }
0x10: {  	s9 =	sadd.s32 s6, s24;
	s14 =	sshll.u32 s12, $0x4;
	[dreg:$0x9] =	wrdreg s26  }
0x11: {  	s20 =	sadd.s32 s5, s17;
	s10 =	sadd.s32 s6, s17;
	[dreg:$0xa] =	wrdreg s9  }
0x12: {  	s24 =	sadd.s32 s18, s11;
	s16 =	sadd.s32 s11, s14;
	[dreg:$0xd] =	wrdreg s20  }
0x13: {  	s8 =	sadd.s32 s0, s14;
	[dreg:$0xe] =	wrdreg s10;
	s9 =	sshll.u32 s15, $0x4  }
0x14: {  	s7 =	sadd.s32 s2, s24;
	s24 =	simm.s32 $0x100;
	[dreg:$0xb] =	wrdreg s16  }
0x15: {  	s10 =	simm.s32 $0x0;
	[dreg:$0xc] =	wrdreg s8;
	s23 =	sadd.s32 s11, s9  }
0x16: {  	s9 =	sadd.s32 s0, s9;
	s8 =	sadd.s32 s22, s21;
	[dreg:$0x3] =	wrdreg s7  }
0x17: {  	s0 =	sadd.s32 s18, s0;
	s7 =	simm.s32 $0x13000;
	[dreg:$0xf] =	wrdreg s23  }
0x18: {  	[dreg:$0x10] =	wrdreg s9;
	s25 =	sadd.s32 $0x258, s8;
	s0 =	sadd.s32 s2, s0  }
0x19: {  	s14 =	sadd.s32 $0x190, s8;
	s23 =	simm.s32 $0x5;
	s2 =	simm.s32 $0xCC00  }
0x1a: {  	s8 =	simm.s32 $0x3;
	s9 =	simm.s32 $0x4;
	s26 =	sshrl.u32 s25, $0x3  }
0x1b: {  	[dreg:$0x4] =	wrdreg s0;
	s25 =	simm.s32 $0xC8;
	s0 =	simm.s32 $0xCB00  }
0x1c: {  	s12 =	sadd.s32 s26, s6;
	s13 =	sadd.s32 s26, s5;
	s26 =	simm.s32 $0x200  }
.LBB2_1:
0x1d: {  	s11 =	rddreg [dreg:$0x5]  }
0x1e: {  	[tilespmem:s3], [sflag:$0x5] =	stream.linear.gather [hbm4b:s11+s3], $0xC8, $0x38;
	[tilespmem:$0x19400] =	vst v63  }
0x1f: {  	_ =	swait.ge [sflag:s23], $0xC8  }
0x20: {  	[sflag:s23] =	ssyncset.done $0x0  }
0x21: {  	s18 =	rddreg [dreg:$0x6];
	[sflag:s23] =	ssyncadd.s32 $0xFFFFFF38  }
0x22: {  	[tilespmem:s24], [sflag:$0x5] =	stream.linear.gather [hbm4b:s18+s3], $0xC8, $0x38;
	[tilespmem:$0x19400] =	vst v63  }
0x23: {  	_ =	swait.ge [sflag:s23], $0xC8  }
0x24: {  	[sflag:s23] =	ssyncset.done $0x0  }
0x25: {  	[sflag:s23] =	ssyncadd.s32 $0xFFFFFF38  }
0x26: {  	[tilespmem:s26], [sflag:$0x1] =	stream.indirect.gather [hbm4b:s1+s25], $0x80, s3, s25, $0xb8;
	[tilespmem:$0x19400] =	vst v63  }
0x27: {  	_ = 	snop  }
0x28: {  	[tilespmem:s28], [sflag:$0x2] =	stream.indirect.gather [hbm4b:s4+s25], $0x80, s24, s25, $0xb8;
	[tilespmem:$0x19400] =	vst v63  }
0x29: {  	_ =	swait.ge [sflag:s29], $0x6400  }
0x2a: {  	[sflag:s29] =	ssyncset.done $0x0  }
0x2b: {  	[sflag:s29] =	ssyncadd.s32 $0xFFFF9C00  }
0x2c: {  	_ =	swait.ge [sflag:s30], $0x6400  }
0x2d: {  	[sflag:s30] =	ssyncset.done $0x0  }
0x2e: {  	s20 =	rddreg [dreg:$0x7];
	[sflag:s30] =	ssyncadd.s32 $0xFFFF9C00  }
0x2f: {  	[hbm4b:s20+s3] =	stream.linear.scatter [tilespmem:s26], [sflag:$0x3], $0x6400, $0x38;
	[tilespmem:$0x19400] =	vst v63  }
0x30: {  	s21 =	rddreg [dreg:$0x8]  }
0x31: {  	[hbm4b:s21+s3] =	stream.linear.scatter [tilespmem:s28], [sflag:$0x3], $0x6400, $0x38;
	[tilespmem:$0x19400] =	vst v63  }
0x32: {  	s22 =	rddreg [dreg:$0x9]  }
0x33: {  	[tilespmem:s31], [sflag:$0x5] =	stream.linear.gather [hbm4b:s22+s3], $0xC8, $0x38;
	[tilespmem:$0x19400] =	vst v63  }
0x34: {  	_ =	swait.ge [sflag:s23], $0xC8  }
0x35: {  	[sflag:s23] =	ssyncset.done $0x0  }
0x36: {  	s15 =	rddreg [dreg:$0xa];
	[sflag:s23] =	ssyncadd.s32 $0xFFFFFF38  }
0x37: {  	[tilespmem:s0], [sflag:$0x5] =	stream.linear.gather [hbm4b:s15+s3], $0xC8, $0x38;
	[tilespmem:$0x19400] =	vst v63  }
0x38: {  	_ =	swait.ge [sflag:s23], $0xC8  }
0x39: {  	[sflag:s23] =	ssyncset.done $0x0  }
0x3a: {  	[sflag:s23] =	ssyncadd.s32 $0xFFFFFF38  }
0x3b: {  	[tilespmem:s2], [sflag:$0x1] =	stream.indirect.gather [hbm4b:s1+s25], $0x80, s31, s25, $0xb8;
	[tilespmem:$0x19400] =	vst v63  }
0x3c: {  	_ = 	snop  }
0x3d: {  	[tilespmem:s7], [sflag:$0x2] =	stream.indirect.gather [hbm4b:s4+s25], $0x80, s0, s25, $0xb8;
	[tilespmem:$0x19400] =	vst v63  }
0x3e: {  	_ =	swait.ge [sflag:s29], $0x6400  }
0x3f: {  	[sflag:s29] =	ssyncset.done $0x0  }
0x40: {  	[sflag:s29] =	ssyncadd.s32 $0xFFFF9C00  }
0x41: {  	_ =	swait.ge [sflag:s30], $0x6400  }
0x42: {  	[sflag:s30] =	ssyncset.done $0x0  }
0x43: {  	s16 =	rddreg [dreg:$0xb];
	[sflag:s30] =	ssyncadd.s32 $0xFFFF9C00  }
0x44: {  	[hbm4b:s16+s3] =	stream.linear.scatter [tilespmem:s2], [sflag:$0x4], $0x6400, $0x38;
	[tilespmem:$0x19400] =	vst v63  }
0x45: {  	s17 =	rddreg [dreg:$0xc]  }
0x46: {  	[hbm4b:s17+s3] =	stream.linear.scatter [tilespmem:s7], [sflag:$0x4], $0x6400, $0x38;
	[tilespmem:$0x19400] =	vst v63  }
0x47: {  	_ =	swait.ge [sflag:s8], $0x6400  }
0x48: {  	[sflag:s8] =	ssyncset.done $0x0  }
0x49: {  	[sflag:s8] =	ssyncadd.s32 $0xFFFF9C00  }
0x4a: {  	_ =	swait.ge [sflag:s8], $0x6400  }
0x4b: {  	s18 =	sshrl.u32 s14, $0x3;
	[sflag:s8] =	ssyncset.done $0x0  }
0x4c: {  	s15 =	sadd.s32 s5, s18;
	[sflag:s8] =	ssyncadd.s32 $0xFFFF9C00  }
0x4d: {  	[tilespmem:s3], [sflag:$0x5] =	stream.linear.gather [hbm4b:s15+s3], $0xC8, $0x38;
	[tilespmem:$0x19400] =	vst v63  }
0x4e: {  	_ =	swait.ge [sflag:s23], $0xC8  }
0x4f: {  	[sflag:s23] =	ssyncset.done $0x0  }
0x50: {  	s11 =	sadd.s32 s6, s18;
	[sflag:s23] =	ssyncadd.s32 $0xFFFFFF38  }
0x51: {  	[tilespmem:s24], [sflag:$0x5] =	stream.linear.gather [hbm4b:s11+s3], $0xC8, $0x38;
	[tilespmem:$0x19400] =	vst v63  }
0x52: {  	_ =	swait.ge [sflag:s23], $0xC8  }
0x53: {  	[sflag:s23] =	ssyncset.done $0x0  }
0x54: {  	[sflag:s23] =	ssyncadd.s32 $0xFFFFFF38  }
0x55: {  	[tilespmem:s26], [sflag:$0x1] =	stream.indirect.gather [hbm4b:s1+s25], $0x80, s3, s25, $0xb8;
	[tilespmem:$0x19400] =	vst v63  }
0x56: {  	_ = 	snop  }
0x57: {  	[tilespmem:s28], [sflag:$0x2] =	stream.indirect.gather [hbm4b:s4+s25], $0x80, s24, s25, $0xb8;
	[tilespmem:$0x19400] =	vst v63  }
0x58: {  	_ =	swait.ge [sflag:s29], $0x6400  }
0x59: {  	[sflag:s29] =	ssyncset.done $0x0  }
0x5a: {  	[sflag:s29] =	ssyncadd.s32 $0xFFFF9C00  }
0x5b: {  	_ =	swait.ge [sflag:s30], $0x6400  }
0x5c: {  	s20 =	rddreg [dreg:$0x3]  }
0x5d: {  	s21 =	rddreg [dreg:$0x4];
	[sflag:s30] =	ssyncset.done $0x0;
	s11 =	sadd.s32 $0x0, s20  }
0x5e: {  	[sflag:s30] =	ssyncadd.s32 $0xFFFF9C00;
	s15 =	sadd.s32 $0x0, s21;
	s20 =	sadd.s32 $0x1900, s11  }
0x5f: {  	[hbm4b:s20+s3] =	stream.linear.scatter [tilespmem:s26], [sflag:$0x3], $0x6400, $0x38;
	[tilespmem:$0x19400] =	vst v63  }
0x60: {  	s22 =	sadd.s32 $0x1900, s15  }
0x61: {  	[hbm4b:s22+s3] =	stream.linear.scatter [tilespmem:s28], [sflag:$0x3], $0x6400, $0x38;
	[tilespmem:$0x19400] =	vst v63  }
0x62: {  	_ =	swait.ge [sflag:s9], $0x6400  }
0x63: {  	[sflag:s9] =	ssyncset.done $0x0  }
0x64: {  	[sflag:s9] =	ssyncadd.s32 $0xFFFF9C00  }
0x65: {  	_ =	swait.ge [sflag:s9], $0x6400  }
0x66: {  	[sflag:s9] =	ssyncset.done $0x0  }
0x67: {  	[sflag:s9] =	ssyncadd.s32 $0xFFFF9C00  }
0x68: {  	[tilespmem:s31], [sflag:$0x5] =	stream.linear.gather [hbm4b:s13+s3], $0xC8, $0x38;
	[tilespmem:$0x19400] =	vst v63  }
0x69: {  	_ =	swait.ge [sflag:s23], $0xC8  }
0x6a: {  	[sflag:s23] =	ssyncset.done $0x0  }
0x6b: {  	[sflag:s23] =	ssyncadd.s32 $0xFFFFFF38  }
0x6c: {  	[tilespmem:s0], [sflag:$0x5] =	stream.linear.gather [hbm4b:s12+s3], $0xC8, $0x38;
	[tilespmem:$0x19400] =	vst v63  }
0x6d: {  	_ =	swait.ge [sflag:s23], $0xC8  }
0x6e: {  	[sflag:s23] =	ssyncset.done $0x0  }
0x6f: {  	[sflag:s23] =	ssyncadd.s32 $0xFFFFFF38  }
0x70: {  	[tilespmem:s2], [sflag:$0x1] =	stream.indirect.gather [hbm4b:s1+s25], $0x80, s31, s25, $0xb8;
	[tilespmem:$0x19400] =	vst v63  }
0x71: {  	_ = 	snop  }
0x72: {  	[tilespmem:s7], [sflag:$0x2] =	stream.indirect.gather [hbm4b:s4+s25], $0x80, s0, s25, $0xb8;
	[tilespmem:$0x19400] =	vst v63  }
0x73: {  	_ =	swait.ge [sflag:s29], $0x6400  }
0x74: {  	[sflag:s29] =	ssyncset.done $0x0  }
0x75: {  	[sflag:s29] =	ssyncadd.s32 $0xFFFF9C00  }
0x76: {  	_ =	swait.ge [sflag:s30], $0x6400  }
0x77: {  	s21 =	smov.u32 s13;
	[sflag:s30] =	ssyncset.done $0x0  }
0x78: {  	s11 =	sadd.s32 $0x2580, s11;
	s15 =	sadd.s32 $0x2580, s15;
	[sflag:s30] =	ssyncadd.s32 $0xFFFF9C00  }
0x79: {  	[hbm4b:s11+s3] =	stream.linear.scatter [tilespmem:s2], [sflag:$0x4], $0x6400, $0x38;
	[tilespmem:$0x19400] =	vst v63  }
0x7a: {  	s20 =	smov.u32 s12;
	s22 =	smov.u32 s14;
	s11 =	simm.s32 $0x1900  }
.LBB2_2:
0x7b: {  	[hbm4b:s15+s3] =	stream.linear.scatter [tilespmem:s7], [sflag:$0x4], $0x6400, $0x38;
	[tilespmem:$0x19400] =	vst v63  }
0x7c: {  	_ =	swait.ge [sflag:s8], $0x6400  }
0x7d: {  	[sflag:s8] =	ssyncset.done $0x0  }
0x7e: {  	[sflag:s8] =	ssyncadd.s32 $0xFFFF9C00  }
0x7f: {  	s22 =	sadd.s32 $0x190, s22;
	_ =	swait.ge [sflag:s8], $0x6400  }
0x80: {  	s18 =	sshrl.u32 s22, $0x3;
	[sflag:s8] =	ssyncset.done $0x0  }
0x81: {  	s17 =	sadd.s32 s5, s18;
	[sflag:s8] =	ssyncadd.s32 $0xFFFF9C00  }
0x82: {  	[tilespmem:s3], [sflag:$0x5] =	stream.linear.gather [hbm4b:s17+s3], $0xC8, $0x38;
	[tilespmem:$0x19400] =	vst v63  }
0x83: {  	_ =	swait.ge [sflag:s23], $0xC8  }
0x84: {  	[sflag:s23] =	ssyncset.done $0x0  }
0x85: {  	s15 =	sadd.s32 s6, s18;
	[sflag:s23] =	ssyncadd.s32 $0xFFFFFF38  }
0x86: {  	[tilespmem:s24], [sflag:$0x5] =	stream.linear.gather [hbm4b:s15+s3], $0xC8, $0x38;
	[tilespmem:$0x19400] =	vst v63  }
0x87: {  	_ =	swait.ge [sflag:s23], $0xC8  }
0x88: {  	[sflag:s23] =	ssyncset.done $0x0  }
0x89: {  	[sflag:s23] =	ssyncadd.s32 $0xFFFFFF38  }
0x8a: {  	[tilespmem:s26], [sflag:$0x1] =	stream.indirect.gather [hbm4b:s1+s25], $0x80, s3, s25, $0xb8;
	[tilespmem:$0x19400] =	vst v63  }
0x8b: {  	_ = 	snop  }
0x8c: {  	[tilespmem:s28], [sflag:$0x2] =	stream.indirect.gather [hbm4b:s4+s25], $0x80, s24, s25, $0xb8;
	[tilespmem:$0x19400] =	vst v63  }
0x8d: {  	_ =	swait.ge [sflag:s29], $0x6400  }
0x8e: {  	[sflag:s29] =	ssyncset.done $0x0  }
0x8f: {  	[sflag:s29] =	ssyncadd.s32 $0xFFFF9C00  }
0x90: {  	_ =	swait.ge [sflag:s30], $0x6400  }
0x91: {  	s16 =	smov.u32 s11;
	s18 =	rddreg [dreg:$0x3]  }
0x92: {  	s17 =	rddreg [dreg:$0x4];
	[sflag:s30] =	ssyncset.done $0x0;
	s15 =	sadd.s32 s16, s18  }
0x93: {  	[sflag:s30] =	ssyncadd.s32 $0xFFFF9C00;
	s16 =	sadd.s32 s16, s17;
	s18 =	sadd.s32 $0x1900, s15  }
0x94: {  	[hbm4b:s18+s3] =	stream.linear.scatter [tilespmem:s26], [sflag:$0x3], $0x6400, $0x38;
	[tilespmem:$0x19400] =	vst v63  }
0x95: {  	s17 =	sadd.s32 $0x1900, s16  }
0x96: {  	[hbm4b:s17+s3] =	stream.linear.scatter [tilespmem:s28], [sflag:$0x3], $0x6400, $0x38;
	[tilespmem:$0x19400] =	vst v63  }
0x97: {  	_ =	swait.ge [sflag:s9], $0x6400  }
0x98: {  	[sflag:s9] =	ssyncset.done $0x0  }
0x99: {  	[sflag:s9] =	ssyncadd.s32 $0xFFFF9C00  }
0x9a: {  	_ =	swait.ge [sflag:s9], $0x6400  }
0x9b: {  	[sflag:s9] =	ssyncset.done $0x0  }
0x9c: {  	s21 =	sadd.s32 $0x32, s21;
	[sflag:s9] =	ssyncadd.s32 $0xFFFF9C00  }
0x9d: {  	[tilespmem:s31], [sflag:$0x5] =	stream.linear.gather [hbm4b:s21+s3], $0xC8, $0x38;
	[tilespmem:$0x19400] =	vst v63  }
0x9e: {  	_ =	swait.ge [sflag:s23], $0xC8  }
0x9f: {  	[sflag:s23] =	ssyncset.done $0x0  }
0xa0: {  	s20 =	sadd.s32 $0x32, s20;
	[sflag:s23] =	ssyncadd.s32 $0xFFFFFF38  }
0xa1: {  	[tilespmem:s0], [sflag:$0x5] =	stream.linear.gather [hbm4b:s20+s3], $0xC8, $0x38;
	[tilespmem:$0x19400] =	vst v63  }
0xa2: {  	_ =	swait.ge [sflag:s23], $0xC8  }
0xa3: {  	[sflag:s23] =	ssyncset.done $0x0  }
0xa4: {  	[sflag:s23] =	ssyncadd.s32 $0xFFFFFF38  }
0xa5: {  	[tilespmem:s2], [sflag:$0x1] =	stream.indirect.gather [hbm4b:s1+s25], $0x80, s31, s25, $0xb8;
	[tilespmem:$0x19400] =	vst v63  }
0xa6: {  	_ = 	snop  }
0xa7: {  	[tilespmem:s7], [sflag:$0x2] =	stream.indirect.gather [hbm4b:s4+s25], $0x80, s0, s25, $0xb8;
	[tilespmem:$0x19400] =	vst v63  }
0xa8: {  	_ =	swait.ge [sflag:s29], $0x6400  }
0xa9: {  	p0 =	sne.s32 s11, $0xFA00;
	[sflag:s29] =	ssyncset.done $0x0  }
.Ltmp0:
0xaa: {  	[sflag:s29] =	ssyncadd.s32 $0xFFFF9C00;
	(pc) =	sbr.rel @p0 .LBB2_2-.Ltmp0, $4  }
0xab: {  	_ =	swait.ge [sflag:s30], $0x6400  }
0xac: {  	s11 =	sadd.s32 $0x1900, s11;
	[sflag:s30] =	ssyncset.done $0x0  }
0xad: {  	s18 =	sadd.s32 $0x2580, s15;
	s15 =	sadd.s32 $0x2580, s16;
	[sflag:s30] =	ssyncadd.s32 $0xFFFF9C00  }
0xae: {  	[hbm4b:s18+s3] =	stream.linear.scatter [tilespmem:s2], [sflag:$0x4], $0x6400, $0x38;
	[tilespmem:$0x19400] =	vst v63  }
0xaf: {  	[hbm4b:s15+s3] =	stream.linear.scatter [tilespmem:s7], [sflag:$0x4], $0x6400, $0x38;
	[tilespmem:$0x19400] =	vst v63  }
0xb0: {  	_ =	swait.ge [sflag:s8], $0x6400  }
0xb1: {  	[sflag:s8] =	ssyncset.done $0x0  }
0xb2: {  	[sflag:s8] =	ssyncadd.s32 $0xFFFF9C00  }
0xb3: {  	_ =	swait.ge [sflag:s8], $0x6400  }
0xb4: {  	[sflag:s8] =	ssyncset.done $0x0  }
0xb5: {  	s11 =	rddreg [dreg:$0xd];
	[sflag:s8] =	ssyncadd.s32 $0xFFFF9C00  }
0xb6: {  	[tilespmem:s3], [sflag:$0x5] =	stream.linear.gather [hbm4b:s11+s3], $0xC8, $0x38;
	[tilespmem:$0x19400] =	vst v63  }
0xb7: {  	_ =	swait.ge [sflag:s23], $0xC8  }
0xb8: {  	[sflag:s23] =	ssyncset.done $0x0  }
0xb9: {  	s20 =	rddreg [dreg:$0xe];
	[sflag:s23] =	ssyncadd.s32 $0xFFFFFF38  }
0xba: {  	[tilespmem:s24], [sflag:$0x5] =	stream.linear.gather [hbm4b:s20+s3], $0xC8, $0x38;
	[tilespmem:$0x19400] =	vst v63  }
0xbb: {  	_ =	swait.ge [sflag:s23], $0xC8  }
0xbc: {  	[sflag:s23] =	ssyncset.done $0x0  }
0xbd: {  	[sflag:s23] =	ssyncadd.s32 $0xFFFFFF38  }
0xbe: {  	[tilespmem:s26], [sflag:$0x1] =	stream.indirect.gather [hbm4b:s1+s25], $0x80, s3, s25, $0xb8;
	[tilespmem:$0x19400] =	vst v63  }
0xbf: {  	_ = 	snop  }
0xc0: {  	[tilespmem:s28], [sflag:$0x2] =	stream.indirect.gather [hbm4b:s4+s25], $0x80, s24, s25, $0xb8;
	[tilespmem:$0x19400] =	vst v63  }
0xc1: {  	_ =	swait.ge [sflag:s29], $0x6400  }
0xc2: {  	[sflag:s29] =	ssyncset.done $0x0  }
0xc3: {  	[sflag:s29] =	ssyncadd.s32 $0xFFFF9C00  }
0xc4: {  	_ =	swait.ge [sflag:s30], $0x6400  }
0xc5: {  	[sflag:s30] =	ssyncset.done $0x0  }
0xc6: {  	s21 =	rddreg [dreg:$0xf];
	[sflag:s30] =	ssyncadd.s32 $0xFFFF9C00  }
0xc7: {  	[hbm4b:s21+s3] =	stream.linear.scatter [tilespmem:s26], [sflag:$0x3], $0x6400, $0x38;
	[tilespmem:$0x19400] =	vst v63  }
0xc8: {  	s22 =	rddreg [dreg:$0x10]  }
0xc9: {  	[hbm4b:s22+s3] =	stream.linear.scatter [tilespmem:s28], [sflag:$0x3], $0x6400, $0x38;
	[tilespmem:$0x19400] =	vst v63  }
0xca: {  	_ =	swait.ge [sflag:s8], $0x6400  }
0xcb: {  	[sflag:s8] =	ssyncset.done $0x0  }
0xcc: {  	[sflag:s8] =	ssyncadd.s32 $0xFFFF9C00  }
0xcd: {  	_ =	swait.ge [sflag:s8], $0x6400  }
0xce: {  	[sflag:s8] =	ssyncset.done $0x0  }
0xcf: {  	s10 =	sadd.s32 $0x1, s10;
	[sflag:s8] =	ssyncadd.s32 $0xFFFF9C00  }
0xd0: {  	p0 =	sne.s32 s10, s19;
	_ =	swait.ge [sflag:s9], $0x6400  }
.Ltmp1:
0xd1: {  	[sflag:s9] =	ssyncset.done $0x0;
	(pc) =	sbr.rel @p0 .LBB2_1-.Ltmp1, $4  }
0xd2: {  	[sflag:s9] =	ssyncadd.s32 $0xFFFF9C00  }
0xd3: {  	_ =	swait.ge [sflag:s9], $0x6400  }
0xd4: {  	[sflag:s9] =	ssyncset.done $0x0  }
0xd5: {  	[sflag:s9] =	ssyncadd.s32 $0xFFFF9C00  }
0xd6: {  	_ =	sfence.sel $0x180000  }
0xd7: {  	[bflag:$0x0] =	sbarrier.arrive $0xFFFF  }
0xd8: {  	_ =	strace $0x9000004A  }
0xd9: {  	s0 =	stileid.u32;
	[bflag:$0x2] =	sbarrier.arrive $0xFFFF  }
0xda: {  	p0 =	sne.s32 s0, $0x0;
	s0 =	rddreg [dreg:$0x2]  }
0xdb: {  	s0 =	sadd.s32 @!p0 $0x100000, s0  }
0xdc: {  	[sflag:s0] =	ssyncadd.tile.s32 @!p0 $0x1;
	_ =	shalt  }
.Lfunc_end2:
_tile_overlayer_lowered:
.L_overlay_start_2:
0xdd: {  	(tag) =	ssettag $0x2  }
0xde: {  	s0 =	rddreg [dreg:$0x0];
	s2 =	stileid.u32  }
0xdf: {  	s1 =	rddreg [dreg:$0x1];
	p0 =	sne.s32 s2, $0x0  }
0xe0: {  	s3 =	rddreg [dreg:$0x2];
	[bflag:$0x3] =	sbarrier.arrive $0xFFFF;
	s2 =	simm.s32 @!p0 $0x1C05  }
0xe1: {  	[timem:s3], [sflag:s2] =	dma.local @!p0 [hbm:s0], s1  }
0xe2: {  	s0 =	simm.s32 @!p0 $0x5  }
0xe3: {  	_ =	swait.ge @!p0 [sflag:s0], s1  }
0xe4: {  	s1 =	ssub.s32 @!p0 $0x0, s1;
	[sflag:s0] =	ssyncset.done @!p0 $0x0  }
0xe5: {  	[sflag:s0] =	ssyncadd.s32 @!p0 s1  }
0xe6: {  	[bflag:$0x3] =	sbarrier.arrive $0xFFFF  }
0xe7: {  	_ =	shalt  }

// kernel: kernel.13.cloned.1.call-start
scs
__scs_entry_jumppad:
0x0: {  	(pc) =	sbr.rel $0x88, $3  }
0x1: {  	(tag) =	ssettag $0x0;
	lr =	simm.s32 $0x1  }
0x2: {  	[smem:$0x3F97] =	sst lr;
	_ =	strace $0xD0000000  }
0x3: {  	_ = 	snop  }
0x4: {  	_ = 	snop  }
0x5: {  	_ = 	snop  }
0x6: {  	_ = 	snop  }
0x7: {  	_ = 	snop  }
__scs_overlays_trampoline_lowered:
0x8: {  	[smem:$0x3FA6] =	sst s0  }
0x9: {  	[smem:$0x3FA7] =	sst s1  }
0xa: {  	[smem:$0x3FA8] =	sst s2  }
0xb: {  	[smem:$0x3FA9] =	sst s3  }
0xc: {  	[smem:$0x3FAA] =	sst s4  }
0xd: {  	[smem:$0x3FAB] =	sst s5  }
0xe: {  	[smem:$0x3FAC] =	sst s6  }
0xf: {  	[smem:$0x3FAD] =	sst s7  }
0x10: {  	[smem:$0x3FAE] =	sst s8  }
0x11: {  	[smem:$0x3FAF] =	sst s9;
	s0 =	simm.s32 @!p0 $0x0  }
0x12: {  	s1 =	sld [smem:$0x3F95];
	s0 =	simm.s32 @p0 $0x1  }
0x13: {  	[smem:$0x3FB0] =	sst s0;
	s0 =	simm.s32 @!p1 $0x0  }
0x14: {  	s2 =	sld [smem:$0x3F94];
	s0 =	simm.s32 @p1 $0x1  }
0x15: {  	[smem:$0x3FB1] =	sst s0;
	s0 =	simm.s32 @!p2 $0x0  }
0x16: {  	s3 =	sld [smem:$0x3FDB];
	s0 =	simm.s32 @p2 $0x1  }
0x17: {  	s4 =	simm.s32 $0x1BF5;
	[smem:$0x3FB3] =	sst s0  }
0x18: {  	s0 =	sld [smem:$0x3F96];
	_ =	swait.ge [sflag:s4], $0x0  }
0x19: {  	s7 =	sld [smem:$0x3F97]  }
0x1a: {  	s8 =	sadd.s32 $0xFFFFE003, lr  }
0x1b: {  	s9 =	sadd.s32 $0xFFFFFEF7, lr;
	s5 =	simm.s32 $0xFFFFFFFF;
	p2 =	slt.u32 s8, $0xFFFFF086  }
0x1c: {  	p1 =	slt.u32 s9, $0xF7A;
	s5 =	simm.s32 @!p2 $0x0  }
0x1d: {  	s5 =	simm.s32 @p1 $0x1;
	p0 =	seq.s32 s7, s2  }
0x1e: {  	s7 =	smul.u32 @!p0 $0xF7A, s2;
	p2 =	seq.s32 @!p0 s5, $0x0  }
0x1f: {  	s9 =	smul.u32 $0xF7A, s1;
	s8 =	simm.s32 @!p0 $0x1BF5;
	p2 =	por !p2, p0  }
0x20: {  	[sflag:s8] =	ssyncset.s32 @!p0 $0xFFFFF086;
	s6 =	sadd.s32 @!p0 s3, s7;
	s7 =	simm.s32 @!p0 $0x108  }
0x21: {  	s3 =	sadd.s32 s3, s9;
	s6 =	sadd.s32 @!p0 $0x88, s6;
	s7 =	simm.s32 @p2 $0x1082  }
0x22: {  	[simem:s7], [sflag:s8] =	dma.local @!p0 [hbm:s6], $0xF7A  }
0x23: {  	s9 =	sor.u32 $0xD0000000, s2;
	s6 =	simm.s32 $0x108;
	_ =	swait.ge @!p0 [sflag:s8], $0x0  }
0x24: {  	s3 =	sadd.s32 $0x88, s3;
	s6 =	simm.s32 @!p1 $0x1082;
	[sflag:s4] =	ssyncset.s32 $0xFFFFF086  }
0x25: {  	[simem:s6], [sflag:s4] =	dma.local [hbm:s3], $0xF7A  }
0x26: {  	[smem:$0x3F97] =	sst s1;
	(tag) =	ssettag s2;
	_ =	strace s9  }
0x27: {  	s1 =	sld [smem:$0x3FA7]  }
0x28: {  	s2 =	sld [smem:$0x3FA8]  }
0x29: {  	s4 =	sld [smem:$0x3FAA]  }
0x2a: {  	p0 =	seq.s32 s5, $0x0;
	s5 =	sld [smem:$0x3FAB]  }
0x2b: {  	s6 =	sld [smem:$0x3FAC]  }
0x2c: {  	s7 =	sld [smem:$0x3FAD]  }
0x2d: {  	s3 =	simm.s32 $0x108;
	s8 =	sld [smem:$0x3FAE]  }
0x2e: {  	s3 =	simm.s32 @!p0 $0x1082;
	s9 =	sld [smem:$0x3FAF]  }
0x2f: {  	lr =	sadd.s32 s0, s3;
	s0 =	sld [smem:$0x3FA6]  }
0x30: {  	s3 =	sld [smem:$0x3FA9]  }
0x31: {  	[smem:$0x3FB2] =	sst s10  }
0x32: {  	s10 =	sld [smem:$0x3FB0];
	_ =	sdelay $0x3  }
0x33: {  	p0 =	seq.s32 s10, $0x1;
	s10 =	sld [smem:$0x3FB2];
	_ =	sdelay $0x3  }
0x34: {  	[smem:$0x3FB2] =	sst s10  }
0x35: {  	s10 =	sld [smem:$0x3FB1];
	_ =	sdelay $0x3  }
0x36: {  	p1 =	seq.s32 s10, $0x1;
	s10 =	sld [smem:$0x3FB2];
	_ =	sdelay $0x3  }
0x37: {  	[smem:$0x3FB2] =	sst s10  }
0x38: {  	s10 =	sld [smem:$0x3FB3]  }
0x39: {  	_ = 	snop;
	(pc) =	sbr.ind lr, $3  }
0x3a: {  	_ = 	snop  }
0x3b: {  	_ = 	snop  }
0x3c: {  	p2 =	seq.s32 s10, $0x1;
	s10 =	sld [smem:$0x3FB2]  }
0x3d: {  	_ =	shalt  }
0x3e: {  	_ =	shalt  }
0x3f: {  	_ =	shalt  }
0x40: {  	_ =	shalt  }
0x41: {  	_ =	shalt  }
0x42: {  	_ =	shalt  }
0x43: {  	_ =	shalt  }
0x44: {  	_ =	shalt  }
0x45: {  	_ =	shalt  }
0x46: {  	_ =	shalt  }
0x47: {  	_ =	shalt  }
0x48: {  	_ =	shalt  }
0x49: {  	_ =	shalt  }
0x4a: {  	_ =	shalt  }
0x4b: {  	_ =	shalt  }
0x4c: {  	_ =	shalt  }
0x4d: {  	_ =	shalt  }
0x4e: {  	_ =	shalt  }
0x4f: {  	_ =	shalt  }
0x50: {  	_ =	shalt  }
0x51: {  	_ =	shalt  }
0x52: {  	_ =	shalt  }
0x53: {  	_ =	shalt  }
0x54: {  	_ =	shalt  }
0x55: {  	_ =	shalt  }
0x56: {  	_ =	shalt  }
0x57: {  	_ =	shalt  }
0x58: {  	_ =	shalt  }
0x59: {  	_ =	shalt  }
0x5a: {  	_ =	shalt  }
0x5b: {  	_ =	shalt  }
0x5c: {  	_ =	shalt  }
0x5d: {  	_ =	shalt  }
0x5e: {  	_ =	shalt  }
0x5f: {  	_ =	shalt  }
0x60: {  	_ =	shalt  }
0x61: {  	_ =	shalt  }
0x62: {  	_ =	shalt  }
0x63: {  	_ =	shalt  }
0x64: {  	_ =	shalt  }
0x65: {  	_ =	shalt  }
0x66: {  	_ =	shalt  }
0x67: {  	_ =	shalt  }
0x68: {  	_ =	shalt  }
0x69: {  	_ =	shalt  }
0x6a: {  	_ =	shalt  }
0x6b: {  	_ =	shalt  }
0x6c: {  	_ =	shalt  }
0x6d: {  	_ =	shalt  }
0x6e: {  	_ =	shalt  }
0x6f: {  	_ =	shalt  }
0x70: {  	_ =	shalt  }
0x71: {  	_ =	shalt  }
0x72: {  	_ =	shalt  }
0x73: {  	_ =	shalt  }
0x74: {  	_ =	shalt  }
0x75: {  	_ =	shalt  }
0x76: {  	_ =	shalt  }
0x77: {  	_ =	shalt  }
0x78: {  	_ =	shalt  }
0x79: {  	_ =	shalt  }
0x7a: {  	_ =	shalt  }
0x7b: {  	_ =	shalt  }
0x7c: {  	_ =	shalt  }
0x7d: {  	_ =	shalt  }
0x7e: {  	_ =	shalt  }
0x7f: {  	_ =	shalt  }
0x80: {  	_ =	shalt  }
0x81: {  	_ =	shalt  }
0x82: {  	_ =	shalt  }
0x83: {  	_ =	shalt  }
0x84: {  	_ =	shalt  }
0x85: {  	_ =	shalt  }
0x86: {  	_ =	shalt  }
0x87: {  	_ =	shalt  }
.Lfunc_end0:
.L_simem_size_0:
called_computation.1_lowered:
.L_overlay_start_0:
0x88: {  	s2 =	sld [smem:$0x3FD9]  }
0x89: {  	s3 =	sld [smem:$0x3FFE];
	_ =	sdelay $0x1  }
0x8a: {  	s1 =	srdreg.scid  }
0x8b: {  	s0 =	sand.u32 $0x1, s1  }
0x8c: {  	s17 =	sshll.u32 s0, $0xA;
	s2 =	sadd.s32 s3, s2  }
0x8d: {  	s2 =	sadd.s32 s2, s17  }
0x8e: {  	[smem:$0x3FBE] =	sst s2  }
0x8f: {  	_ = 	snop  }
0x90: {  	(tm) =	ssettm $0x1  }
0x91: {  	s18 =	sld [smem:$0x3FFB];
	_ =	sdelay $0x3  }
0x92: {  	_ =	strace s18  }
0x93: {  	s2 =	sld [smem:$0x3FFC];
	_ =	sdelay $0x3  }
0x94: {  	_ =	strace s2  }
0x95: {  	s2 =	sld [smem:$0x3FFD];
	_ =	sdelay $0x3  }
0x96: {  	_ =	strace s2  }
0x97: {  	_ =	strace $0x8FFFFFFF  }
0x98: {  	s19 =	sld [smem:$0x3FDB];
	_ =	sdelay $0x1  }
0x99: {  	s20 =	simm.s32 $_scs_section_size  }
0x9a: {  	s4 =	simm.s32 $_size__tile_overlayer_lowered;
	s5 =	simm.s32 $_tile_overlayer_lowered  }
0x9b: {  	s6 =	simm.s32 $0x1BFF;
	s21 =	sshll.u32 s5, $0x1;
	s3 =	sadd.s32 s20, s19  }
0x9c: {  	s22 =	simm.s32 $0x0;
	s4 =	sshll.u32 s4, $0x1;
	s5 =	sadd.s32 s21, s3  }
0x9d: {  	[timem:s22], [sflag:s6] =	dma.local [hbm:s5], s4  }
0x9e: {  	_ =	swait.ge [sflag:s6], s4  }
0x9f: {  	s4 =	ssub.s32 $0x0, s4;
	[sflag:s6] =	ssyncset.done $0x0  }
0xa0: {  	[sflag:s6] =	ssyncadd.s32 s4;
	_ =	sdelay $0x1  }
0xa1: {  	s23 =	simm.s32 $0x1B8B  }
0xa2: {  	_ =	swait.ge [sflag:s23], $0x1  }
0xa3: {  	[sflag:s23] =	ssyncset.done $0x0  }
0xa4: {  	[sflag:s23] =	ssyncadd.s32 $0xFFFFFFFF  }
0xa5: {  	s4 =	sld [smem:$0x0]  }
0xa6: {  	s5 =	sand.u32 $0xFFFFFFFE, s1  }
0xa7: {  	p0 =	sne.s32 s1, s5  }
0xa8: {  	s5 =	sshll.u32 @p0 s5, $0xE  }
0xa9: {  	s5 =	sadd.s32 @p0 $0x11B8D, s5;
	s6 =	sshll.u32 @p0 s4, $0x11  }
0xaa: {  	s5 =	sor.u32 @p0 s6, s5  }
0xab: {  	[sflag:s5] =	ssyncadd.remote.s32 @p0 $0x1;
	_ =	sdelay $0x1  }
0xac: {  	s5 =	simm.s32 @p0 $0x1B8D  }
0xad: {  	_ =	swait.eq @p0 [sflag:s5], $0x1  }
0xae: {  	[sflag:s5] =	ssyncadd.s32 @p0 $0xFFFFFFFF  }
0xaf: {  	s6 =	sshll.u32 @!p0 s1, $0xE  }
0xb0: {  	s6 =	sor.u32 @!p0 $0x4000, s6;
	s5 =	simm.s32 @!p0 $0x1B8D  }
0xb1: {  	s4 =	sshll.u32 @!p0 s4, $0x11;
	s6 =	sadd.s32 @!p0 $0x11B8D, s6;
	_ =	swait.eq @!p0 [sflag:s5], $0x1  }
0xb2: {  	s4 =	sor.u32 @!p0 s4, s6;
	[sflag:s5] =	ssyncadd.s32 @!p0 $0xFFFFFFFF  }
0xb3: {  	s25 =	simm.s32 $0x1B8E;
	s24 =	sld [smem:$0x3FFE];
	[sflag:s4] =	ssyncadd.remote.s32 @!p0 $0x1  }
0xb4: {  	s26 =	simm.s32 $execute0_lowered;
	[smem:$0x3FD2] =	sst s25  }
0xb5: {  	s5 =	sshll.u32 s26, $0x1;
	_ =	strace $0x8000004F;
	[dreg:$0x1] =	wrdreg $0xFFFFFFFF  }
0xb6: {  	s28 =	simm.s32 $_size_execute0_lowered;
	s3 =	sadd.s32 s3, s5;
	[dreg:$0x0] =	wrdreg $0x0  }
0xb7: {  	s5 =	sshll.u32 s28, $0x1;
	[dreg:$0x2] =	wrdreg s3  }
0xb8: {  	[dreg:$0x3] =	wrdreg s5  }
0xb9: {  	[dreg:$0x4] =	wrdreg $0xC0  }
0xba: {  	_ =	task [dreg:s22], $0x5FFFF  }
0xbb: {  	[dreg:$0x1] =	wrdreg $0xFFFFFFFF  }
0xbc: {  	[dreg:$0x0] =	wrdreg $0x60  }
0xbd: {  	[dreg:$0x2] =	wrdreg s24  }
0xbe: {  	[dreg:$0x3] =	wrdreg $0xA5000  }
0xbf: {  	[dreg:$0x4] =	wrdreg $0x9  }
0xc0: {  	_ =	task.clear_ibuf [dreg:s22], $0x5FFFF;
	_ =	strace $0x9000004F  }
0xc1: {  	s29 =	simm.s32 $0x9;
	_ =	strace $0x80000051  }
0xc2: {  	_ =	swait.ge [sflag:s29], $0x1  }
0xc3: {  	[sflag:s29] =	ssyncadd.s32 $0xFFFFFFFF  }
0xc4: {  	_ =	strace $0x90000051  }
0xc5: {  	_ =	sfence  }
0xc6: {  	s30 =	sld [smem:$0x0];
	_ =	sdelay $0x2  }
0xc7: {  	s31 =	sshll.u32 s1, $0xD;
	s1 =	sshrl.u32 s1, $0x2  }
0xc8: {  	s4 =	sand.u32 $0x4000, s31;
	s1 =	sadd.s32 s1, s30  }
0xc9: {  	s0 =	sor.u32 s4, s0;
	s1 =	sshll.u32 s1, $0x11  }
0xca: {  	s0 =	sor.u32 s1, s0  }
0xcb: {  	s0 =	sadd.s32 $0x8F2B, s0  }
0xcc: {  	[sflag:s0] =	ssyncadd.remote.s32 $0x1  }
0xcd: {  	_ =	sfence.sel $0xFFFF  }
0xce: {  	[dreg:$0x0] =	wrdreg $0xFFFFFFFF;
	(pc) =	sbr.abs _section_cstart, $3  }
0xcf: {  	[dreg:$0x1] =	wrdreg $0xFFFFFFFF  }
0xd0: {  	_ =	task.clear_ibuf [dreg:s22], $0x2FFFF;
	_ =	strace $0x9FFFFFFF  }
0xd1: {  	(tm) =	ssettm $0x7FFFFFFF  }
tec
execute0_lowered:
.L_overlay_start_1:
0x0: {  	(tag) =	ssettag $0x1  }
0x1: {  	s0 =	stileid.u32  }
0x2: {  	s1 =	srdreg.scid;
	s5 =	rddreg [dreg:$0x0]  }
0x3: {  	s2 =	rddreg [dreg:$0x1];
	s3 =	simm.s32 $0x0;
	s4 =	smul.u32 $0x27100, s0  }
0x4: {  	s13 =	simm.s32 $0x6500;
	s14 =	simm.s32 $0x1;
	s7 =	smul.u32 $0x2710, s0  }
0x5: {  	s15 =	simm.s32 $0x100;
	s16 =	simm.s32 $0xC8;
	s10 =	smul.u32 $0x14000, s0  }
0x6: {  	s6 =	sand.u32 $0x1, s1;
	s1 =	rddreg [dreg:$0x2];
	s26 =	smul.u32 $0x50000, s0  }
0x7: {  	s19 =	simm.s32 $0x0;
	[smem:$0x7FF] =	sst s3;
	s8 =	smul.u32 $0x1388, s6  }
0x8: {  	s17 =	sshll.u32 s0, $0x6;
	s9 =	smul.u32 $0x140000, s6;
	_ =	strace $0x80000050  }
0x9: {  	s25 =	ssub.s32 $0x2, s6;
	s31 =	smul.u32 $0x13880, s6;
	s17 =	sor.u32 $0x1C01, s17  }
0xa: {  	s11 =	sadd.s32 s4, s5;
	s28 =	sshrl.u32 s25, $0x1;
	s30 =	sshrl.u32 s26, $0x2  }
0xb: {  	s7 =	sadd.s32 s8, s7;
	s24 =	sadd.s32 s10, s9;
	s29 =	ssub.s32 s25, s28  }
0xc: {  	s4 =	sadd.s32 s30, s2;
	s11 =	sadd.s32 s31, s11;
	s23 =	sshrl.u32 s7, $0x3  }
0xd: {  	s7 =	sshrl.u32 s24, $0x3;
	s6 =	smax.u32 s29, $0x1;
	s8 =	sadd.s32 $0x8000, s4  }
0xe: {  	s9 =	sadd.s32 $0xC000, s4;
	s10 =	sadd.s32 $0x10000, s4;
	s11 =	sadd.s32 $0x8EE00, s11  }
0xf: {  	s18 =	sshrl.u32 s4, $0x3;
	s12 =	sadd.s32 s23, s5;
	s5 =	sadd.s32 s7, s5  }
0x10: {  	v0 =	vimm.f32 $0.0e+00;
	s7 =	sadd.s32 $0x4000, s4;
	s5 =	sadd.s32 $0x2FFE00, s5;
	s12 =	sadd.s32 $0x3C00, s12  }
.LBB2_1:
0x11: {  	s20 =	sand.u32 $0xFE00, s3  }
0x12: {  	s21 =	sand.u32 $0x70, s3;
	s22 =	sshrl.u32 s20, $0x2  }
0x13: {  	s20 =	simm.s32 $0x40;
	s22 =	sor.u32 s21, s22;
	s21 =	simm.s32 $0x0  }
.LBB2_2:
0x14: {  	p0 =	sne.s32 s20, $0xFFC0  }
0x15: {  	[tilespmem:s22+$0x6500] =	vst v0;
	s21 =	sadd.s32 $0x10, s21;
	s22 =	smov.u32 s20;
	s20 =	sadd.s32 $0x40, s20  }
.Ltmp0:
0x16: {  	(pc) =	sbr.rel @p0 .LBB2_2-.Ltmp0, $4  }
0x17: {  	_ = 	snop  }
0x18: {  	s22 =	sand.u32 $0xFE00, s22  }
0x19: {  	s23 =	sand.u32 $0x70, s21;
	s22 =	sshrl.u32 s22, $0x2  }
0x1a: {  	s22 =	sor.u32 s23, s22  }
0x1b: {  	[tilespmem:s22+$0x6500] =	vst v0  }
0x1c: {  	[spmem:s4] =	stream.linear.scatter [tilespmem:s13], [sflag:$0x1], $0x4000, $0x38;
	[tilespmem:$0x1E500] =	vst v63  }
0x1d: {  	_ =	swait.ge [sflag:s14], $0x4000  }
0x1e: {  	[sflag:s14] =	ssyncset.done $0x0  }
0x1f: {  	[sflag:s14] =	ssyncadd.s32 $0xFFFFC000  }
0x20: {  	[spmem:s7] =	stream.linear.scatter [tilespmem:s13], [sflag:$0x1], $0x4000, $0x38;
	[tilespmem:$0x1E500] =	vst v63  }
0x21: {  	_ =	swait.ge [sflag:s14], $0x4000  }
0x22: {  	[sflag:s14] =	ssyncset.done $0x0  }
0x23: {  	[sflag:s14] =	ssyncadd.s32 $0xFFFFC000  }
0x24: {  	[spmem:s8] =	stream.linear.scatter [tilespmem:s13], [sflag:$0x1], $0x4000, $0x38;
	[tilespmem:$0x1E500] =	vst v63  }
0x25: {  	_ =	swait.ge [sflag:s14], $0x4000  }
0x26: {  	[sflag:s14] =	ssyncset.done $0x0  }
0x27: {  	[sflag:s14] =	ssyncadd.s32 $0xFFFFC000  }
0x28: {  	[spmem:s9] =	stream.linear.scatter [tilespmem:s13], [sflag:$0x1], $0x4000, $0x38;
	[tilespmem:$0x1E500] =	vst v63  }
0x29: {  	_ =	swait.ge [sflag:s14], $0x4000  }
0x2a: {  	[sflag:s14] =	ssyncset.done $0x0  }
0x2b: {  	[sflag:s14] =	ssyncadd.s32 $0xFFFFC000  }
0x2c: {  	[spmem:s10] =	stream.linear.scatter [tilespmem:s13], [sflag:$0x1], $0x4000, $0x38;
	[tilespmem:$0x1E500] =	vst v63  }
0x2d: {  	_ =	swait.ge [sflag:s14], $0x4000  }
0x2e: {  	[sflag:s14] =	ssyncset.done $0x0  }
0x2f: {  	[sflag:s14] =	ssyncadd.s32 $0xFFFFC000  }
0x30: {  	s20 =	sadd.s32 $0x0, s12;
	[bflag:$0x0] =	sbarrier.arrive $0xFFFF  }
0x31: {  	[tilespmem:s3], [sflag:$0x1] =	stream.linear.gather [hbm4b:s20+s3], $0xC8, $0x38;
	[tilespmem:$0x1E500] =	vst v63  }
0x32: {  	_ =	swait.ge [sflag:s14], $0xC8  }
0x33: {  	[sflag:s14] =	ssyncset.done $0x0  }
0x34: {  	[sflag:s14] =	ssyncadd.s32 $0xFFFFFF38  }
0x35: {  	[tilespmem:s15], [sflag:$0x1] =	stream.linear.gather [hbm4b:s11+s3], $0x6400, $0x38;
	[tilespmem:$0x1E500] =	vst v63  }
0x36: {  	_ =	swait.ge [sflag:s14], $0x6400  }
0x37: {  	[sflag:s14] =	ssyncset.done $0x0  }
0x38: {  	[sflag:s14] =	ssyncadd.s32 $0xFFFF9C00  }
0x39: {  	[spmem:s2] =	stream.indirect.scatter.add.f32 [tilespmem:s15], [sflag:$0x1], $0x80, s3, s16, $0xb8;
	[tilespmem:$0x1E500] =	vst v63  }
0x3a: {  	s21 =	simm.s32 $0x19;
	_ =	swait.ge [sflag:s14], $0x6400  }
0x3b: {  	s22 =	simm.s32 $0x32;
	s20 =	sadd.s32 $0xC80, s11;
	[sflag:s14] =	ssyncset.done $0x0  }
.LBB2_4:
0x3c: {  	s23 =	sadd.s32 s21, s12  }
0x3d: {  	[sflag:s14] =	ssyncadd.s32 $0xFFFF9C00;
	s21 =	smov.u32 s22;
	s24 =	sadd.s32 $0x19, s22  }
0x3e: {  	[tilespmem:s3], [sflag:$0x1] =	stream.linear.gather [hbm4b:s23+s3], $0xC8, $0x38;
	[tilespmem:$0x1E500] =	vst v63  }
0x3f: {  	p0 =	sne.s32 s22, $0x258;
	_ =	swait.ge [sflag:s14], $0xC8  }
0x40: {  	[sflag:s14] =	ssyncset.done $0x0  }
0x41: {  	[sflag:s14] =	ssyncadd.s32 $0xFFFFFF38  }
0x42: {  	[tilespmem:s15], [sflag:$0x1] =	stream.linear.gather [hbm4b:s20+s3], $0x6400, $0x38;
	[tilespmem:$0x1E500] =	vst v63  }
0x43: {  	_ =	swait.ge [sflag:s14], $0x6400  }
.Ltmp1:
0x44: {  	[sflag:s14] =	ssyncset.done $0x0;
	(pc) =	sbr.rel @p0 .LBB2_4-.Ltmp1, $4  }
0x45: {  	[sflag:s14] =	ssyncadd.s32 $0xFFFF9C00  }
0x46: {  	[spmem:s2] =	stream.indirect.scatter.add.f32 [tilespmem:s15], [sflag:$0x1], $0x80, s3, s16, $0xb8;
	[tilespmem:$0x1E500] =	vst v63  }
0x47: {  	_ =	swait.ge [sflag:s14], $0x6400  }
0x48: {  	s22 =	smov.u32 s24;
	s20 =	sadd.s32 $0xC80, s20;
	[sflag:s14] =	ssyncset.done $0x0  }
0x49: {  	s21 =	sadd.s32 s21, s12;
	[sflag:s14] =	ssyncadd.s32 $0xFFFF9C00  }
0x4a: {  	[tilespmem:s3], [sflag:$0x1] =	stream.linear.gather [hbm4b:s21+s3], $0xC8, $0x38;
	[tilespmem:$0x1E500] =	vst v63  }
0x4b: {  	_ =	swait.ge [sflag:s14], $0xC8  }
0x4c: {  	[sflag:s14] =	ssyncset.done $0x0  }
0x4d: {  	[sflag:s14] =	ssyncadd.s32 $0xFFFFFF38  }
0x4e: {  	[tilespmem:s15], [sflag:$0x1] =	stream.linear.gather [hbm4b:s20+s3], $0x6400, $0x38;
	[tilespmem:$0x1E500] =	vst v63  }
0x4f: {  	_ =	swait.ge [sflag:s14], $0x6400  }
0x50: {  	[sflag:s14] =	ssyncset.done $0x0  }
0x51: {  	[sflag:s14] =	ssyncadd.s32 $0xFFFF9C00  }
0x52: {  	[spmem:s2] =	stream.indirect.scatter.add.f32 [tilespmem:s15], [sflag:$0x1], $0x80, s3, s16, $0xb8;
	[tilespmem:$0x1E500] =	vst v63  }
0x53: {  	_ =	swait.ge [sflag:s14], $0x6400  }
0x54: {  	s19 =	sadd.s32 $0x1, s19;
	[sflag:s14] =	ssyncset.done $0x0  }
0x55: {  	p0 =	sne.s32 s19, s6;
	[sflag:s14] =	ssyncadd.s32 $0xFFFF9C00  }
.Ltmp2:
0x56: {  	[bflag:$0x0] =	sbarrier.arrive $0xFFFF;
	(pc) =	sbr.rel @p0 .LBB2_1-.Ltmp2, $4  }
0x57: {  	[hbm:s5], [sflag:s17] =	dma.local [spmem:s18], $0x2800  }
0x58: {  	_ =	swait.ge [sflag:s14], $0x2800  }
0x59: {  	[sflag:s14] =	ssyncset.done $0x0  }
0x5a: {  	[sflag:s14] =	ssyncadd.s32 $0xFFFFD800  }
0x5b: {  	_ =	sfence.sel $0x180000  }
0x5c: {  	[bflag:$0x0] =	sbarrier.arrive $0xFFFF  }
0x5d: {  	p0 =	sne.s32 s0, $0x0;
	_ =	strace $0x90000050  }
0x5e: {  	s0 =	sadd.s32 @!p0 $0x100000, s1;
	[bflag:$0x2] =	sbarrier.arrive $0xFFFF  }
0x5f: {  	[sflag:s0] =	ssyncadd.tile.s32 @!p0 $0x1;
	_ =	shalt  }
.Lfunc_end2:
_tile_overlayer_lowered:
.L_overlay_start_2:
0x60: {  	(tag) =	ssettag $0x2  }
0x61: {  	s0 =	rddreg [dreg:$0x0];
	s2 =	stileid.u32  }
0x62: {  	s1 =	rddreg [dreg:$0x1];
	p0 =	sne.s32 s2, $0x0  }
0x63: {  	s3 =	rddreg [dreg:$0x2];
	[bflag:$0x3] =	sbarrier.arrive $0xFFFF;
	s2 =	simm.s32 @!p0 $0x1C01  }
0x64: {  	[timem:s3], [sflag:s2] =	dma.local @!p0 [hbm:s0], s1  }
0x65: {  	s0 =	simm.s32 @!p0 $0x1  }
0x66: {  	_ =	swait.ge @!p0 [sflag:s0], s1  }
0x67: {  	s1 =	ssub.s32 @!p0 $0x0, s1;
	[sflag:s0] =	ssyncset.done @!p0 $0x0  }
0x68: {  	[sflag:s0] =	ssyncadd.s32 @!p0 s1  }
0x69: {  	[bflag:$0x3] =	sbarrier.arrive $0xFFFF  }
0x6a: {  	_ =	shalt  }

// kernel: kernel.16.cloned.1.call-start
scs
__scs_entry_jumppad:
0x0: {  	(pc) =	sbr.rel $0x88, $3  }
0x1: {  	(tag) =	ssettag $0x0;
	lr =	simm.s32 $0x1  }
0x2: {  	[smem:$0x3F97] =	sst lr;
	_ =	strace $0xD0000000  }
0x3: {  	_ = 	snop  }
0x4: {  	_ = 	snop  }
0x5: {  	_ = 	snop  }
0x6: {  	_ = 	snop  }
0x7: {  	_ = 	snop  }
__scs_overlays_trampoline_lowered:
0x8: {  	[smem:$0x3FA6] =	sst s0  }
0x9: {  	[smem:$0x3FA7] =	sst s1  }
0xa: {  	[smem:$0x3FA8] =	sst s2  }
0xb: {  	[smem:$0x3FA9] =	sst s3  }
0xc: {  	[smem:$0x3FAA] =	sst s4  }
0xd: {  	[smem:$0x3FAB] =	sst s5  }
0xe: {  	[smem:$0x3FAC] =	sst s6  }
0xf: {  	[smem:$0x3FAD] =	sst s7  }
0x10: {  	[smem:$0x3FAE] =	sst s8  }
0x11: {  	[smem:$0x3FAF] =	sst s9;
	s0 =	simm.s32 @!p0 $0x0  }
0x12: {  	s1 =	sld [smem:$0x3F95];
	s0 =	simm.s32 @p0 $0x1  }
0x13: {  	[smem:$0x3FB0] =	sst s0;
	s0 =	simm.s32 @!p1 $0x0  }
0x14: {  	s2 =	sld [smem:$0x3F94];
	s0 =	simm.s32 @p1 $0x1  }
0x15: {  	[smem:$0x3FB1] =	sst s0;
	s0 =	simm.s32 @!p2 $0x0  }
0x16: {  	s3 =	sld [smem:$0x3FDB];
	s0 =	simm.s32 @p2 $0x1  }
0x17: {  	s4 =	simm.s32 $0x1BF5;
	[smem:$0x3FB3] =	sst s0  }
0x18: {  	s0 =	sld [smem:$0x3F96];
	_ =	swait.ge [sflag:s4], $0x0  }
0x19: {  	s7 =	sld [smem:$0x3F97]  }
0x1a: {  	s8 =	sadd.s32 $0xFFFFE003, lr  }
0x1b: {  	s9 =	sadd.s32 $0xFFFFFEF7, lr;
	s5 =	simm.s32 $0xFFFFFFFF;
	p2 =	slt.u32 s8, $0xFFFFF086  }
0x1c: {  	p1 =	slt.u32 s9, $0xF7A;
	s5 =	simm.s32 @!p2 $0x0  }
0x1d: {  	s5 =	simm.s32 @p1 $0x1;
	p0 =	seq.s32 s7, s2  }
0x1e: {  	s7 =	smul.u32 @!p0 $0xF7A, s2;
	p2 =	seq.s32 @!p0 s5, $0x0  }
0x1f: {  	s9 =	smul.u32 $0xF7A, s1;
	s8 =	simm.s32 @!p0 $0x1BF5;
	p2 =	por !p2, p0  }
0x20: {  	[sflag:s8] =	ssyncset.s32 @!p0 $0xFFFFF086;
	s6 =	sadd.s32 @!p0 s3, s7;
	s7 =	simm.s32 @!p0 $0x108  }
0x21: {  	s3 =	sadd.s32 s3, s9;
	s6 =	sadd.s32 @!p0 $0x88, s6;
	s7 =	simm.s32 @p2 $0x1082  }
0x22: {  	[simem:s7], [sflag:s8] =	dma.local @!p0 [hbm:s6], $0xF7A  }
0x23: {  	s9 =	sor.u32 $0xD0000000, s2;
	s6 =	simm.s32 $0x108;
	_ =	swait.ge @!p0 [sflag:s8], $0x0  }
0x24: {  	s3 =	sadd.s32 $0x88, s3;
	s6 =	simm.s32 @!p1 $0x1082;
	[sflag:s4] =	ssyncset.s32 $0xFFFFF086  }
0x25: {  	[simem:s6], [sflag:s4] =	dma.local [hbm:s3], $0xF7A  }
0x26: {  	[smem:$0x3F97] =	sst s1;
	(tag) =	ssettag s2;
	_ =	strace s9  }
0x27: {  	s1 =	sld [smem:$0x3FA7]  }
0x28: {  	s2 =	sld [smem:$0x3FA8]  }
0x29: {  	s4 =	sld [smem:$0x3FAA]  }
0x2a: {  	p0 =	seq.s32 s5, $0x0;
	s5 =	sld [smem:$0x3FAB]  }
0x2b: {  	s6 =	sld [smem:$0x3FAC]  }
0x2c: {  	s7 =	sld [smem:$0x3FAD]  }
0x2d: {  	s3 =	simm.s32 $0x108;
	s8 =	sld [smem:$0x3FAE]  }
0x2e: {  	s3 =	simm.s32 @!p0 $0x1082;
	s9 =	sld [smem:$0x3FAF]  }
0x2f: {  	lr =	sadd.s32 s0, s3;
	s0 =	sld [smem:$0x3FA6]  }
0x30: {  	s3 =	sld [smem:$0x3FA9]  }
0x31: {  	[smem:$0x3FB2] =	sst s10  }
0x32: {  	s10 =	sld [smem:$0x3FB0];
	_ =	sdelay $0x3  }
0x33: {  	p0 =	seq.s32 s10, $0x1;
	s10 =	sld [smem:$0x3FB2];
	_ =	sdelay $0x3  }
0x34: {  	[smem:$0x3FB2] =	sst s10  }
0x35: {  	s10 =	sld [smem:$0x3FB1];
	_ =	sdelay $0x3  }
0x36: {  	p1 =	seq.s32 s10, $0x1;
	s10 =	sld [smem:$0x3FB2];
	_ =	sdelay $0x3  }
0x37: {  	[smem:$0x3FB2] =	sst s10  }
0x38: {  	s10 =	sld [smem:$0x3FB3]  }
0x39: {  	_ = 	snop;
	(pc) =	sbr.ind lr, $3  }
0x3a: {  	_ = 	snop  }
0x3b: {  	_ = 	snop  }
0x3c: {  	p2 =	seq.s32 s10, $0x1;
	s10 =	sld [smem:$0x3FB2]  }
0x3d: {  	_ =	shalt  }
0x3e: {  	_ =	shalt  }
0x3f: {  	_ =	shalt  }
0x40: {  	_ =	shalt  }
0x41: {  	_ =	shalt  }
0x42: {  	_ =	shalt  }
0x43: {  	_ =	shalt  }
0x44: {  	_ =	shalt  }
0x45: {  	_ =	shalt  }
0x46: {  	_ =	shalt  }
0x47: {  	_ =	shalt  }
0x48: {  	_ =	shalt  }
0x49: {  	_ =	shalt  }
0x4a: {  	_ =	shalt  }
0x4b: {  	_ =	shalt  }
0x4c: {  	_ =	shalt  }
0x4d: {  	_ =	shalt  }
0x4e: {  	_ =	shalt  }
0x4f: {  	_ =	shalt  }
0x50: {  	_ =	shalt  }
0x51: {  	_ =	shalt  }
0x52: {  	_ =	shalt  }
0x53: {  	_ =	shalt  }
0x54: {  	_ =	shalt  }
0x55: {  	_ =	shalt  }
0x56: {  	_ =	shalt  }
0x57: {  	_ =	shalt  }
0x58: {  	_ =	shalt  }
0x59: {  	_ =	shalt  }
0x5a: {  	_ =	shalt  }
0x5b: {  	_ =	shalt  }
0x5c: {  	_ =	shalt  }
0x5d: {  	_ =	shalt  }
0x5e: {  	_ =	shalt  }
0x5f: {  	_ =	shalt  }
0x60: {  	_ =	shalt  }
0x61: {  	_ =	shalt  }
0x62: {  	_ =	shalt  }
0x63: {  	_ =	shalt  }
0x64: {  	_ =	shalt  }
0x65: {  	_ =	shalt  }
0x66: {  	_ =	shalt  }
0x67: {  	_ =	shalt  }
0x68: {  	_ =	shalt  }
0x69: {  	_ =	shalt  }
0x6a: {  	_ =	shalt  }
0x6b: {  	_ =	shalt  }
0x6c: {  	_ =	shalt  }
0x6d: {  	_ =	shalt  }
0x6e: {  	_ =	shalt  }
0x6f: {  	_ =	shalt  }
0x70: {  	_ =	shalt  }
0x71: {  	_ =	shalt  }
0x72: {  	_ =	shalt  }
0x73: {  	_ =	shalt  }
0x74: {  	_ =	shalt  }
0x75: {  	_ =	shalt  }
0x76: {  	_ =	shalt  }
0x77: {  	_ =	shalt  }
0x78: {  	_ =	shalt  }
0x79: {  	_ =	shalt  }
0x7a: {  	_ =	shalt  }
0x7b: {  	_ =	shalt  }
0x7c: {  	_ =	shalt  }
0x7d: {  	_ =	shalt  }
0x7e: {  	_ =	shalt  }
0x7f: {  	_ =	shalt  }
0x80: {  	_ =	shalt  }
0x81: {  	_ =	shalt  }
0x82: {  	_ =	shalt  }
0x83: {  	_ =	shalt  }
0x84: {  	_ =	shalt  }
0x85: {  	_ =	shalt  }
0x86: {  	_ =	shalt  }
0x87: {  	_ =	shalt  }
.Lfunc_end0:
.L_simem_size_0:
called_computation.2_lowered:
.L_overlay_start_0:
0x88: {  	s2 =	sld [smem:$0x3FD9]  }
0x89: {  	s3 =	sld [smem:$0x3FFE];
	_ =	sdelay $0x1  }
0x8a: {  	s1 =	srdreg.scid  }
0x8b: {  	s0 =	sand.u32 $0x1, s1  }
0x8c: {  	s17 =	sshll.u32 s0, $0xA;
	s2 =	sadd.s32 s3, s2  }
0x8d: {  	s2 =	sadd.s32 s2, s17  }
0x8e: {  	[smem:$0x3FBE] =	sst s2  }
0x8f: {  	_ = 	snop  }
0x90: {  	s2 =	sld [smem:$0x3FD0];
	(tm) =	ssettm $0x1  }
0x91: {  	s18 =	sld [smem:$0x3FFB];
	_ =	sdelay $0x3  }
0x92: {  	_ =	strace s18  }
0x93: {  	s3 =	sld [smem:$0x3FFC];
	_ =	sdelay $0x3  }
0x94: {  	_ =	strace s3  }
0x95: {  	s3 =	sld [smem:$0x3FFD];
	_ =	sdelay $0x3  }
0x96: {  	_ =	strace s3  }
0x97: {  	_ =	strace $0x8FFFFFFF  }
0x98: {  	s19 =	sld [smem:$0x3FDB];
	_ =	sdelay $0x1  }
0x99: {  	s4 =	simm.s32 $_scs_section_size  }
0x9a: {  	s5 =	simm.s32 $_size__tile_overlayer_lowered;
	s6 =	simm.s32 $_tile_overlayer_lowered  }
0x9b: {  	s22 =	simm.s32 $0x1BFF;
	s21 =	sshll.u32 s6, $0x1;
	s3 =	sadd.s32 s4, s19  }
0x9c: {  	s7 =	simm.s32 $0x0;
	s20 =	sshll.u32 s5, $0x1;
	s5 =	sadd.s32 s21, s3  }
0x9d: {  	[timem:s7], [sflag:s22] =	dma.local [hbm:s5], s20  }
0x9e: {  	_ =	swait.ge [sflag:s22], s20  }
0x9f: {  	s4 =	ssub.s32 $0x0, s20;
	[sflag:s22] =	ssyncset.done $0x0  }
0xa0: {  	[sflag:s22] =	ssyncadd.s32 s4;
	_ =	sdelay $0x1  }
0xa1: {  	s23 =	simm.s32 $0x1B8B  }
0xa2: {  	_ =	swait.ge [sflag:s23], $0x1  }
0xa3: {  	[sflag:s23] =	ssyncset.done $0x0  }
0xa4: {  	s25 =	simm.s32 $0x1B8E;
	s24 =	sld [smem:$0x3FFE];
	[sflag:s23] =	ssyncadd.s32 $0xFFFFFFFF  }
0xa5: {  	s26 =	simm.s32 $execute0_lowered;
	[smem:$0x3FD2] =	sst s25  }
0xa6: {  	s5 =	sshll.u32 s26, $0x1;
	_ =	strace $0x80000046;
	[dreg:$0x1] =	wrdreg $0xFFFFFFFF  }
0xa7: {  	s28 =	simm.s32 $_size_execute0_lowered;
	s3 =	sadd.s32 s3, s5;
	[dreg:$0x0] =	wrdreg $0x0  }
0xa8: {  	s5 =	sshll.u32 s28, $0x1;
	[dreg:$0x2] =	wrdreg s3  }
0xa9: {  	[dreg:$0x3] =	wrdreg s5  }
0xaa: {  	[dreg:$0x4] =	wrdreg $0xC0  }
0xab: {  	_ =	task [dreg:s7], $0x5FFFF  }
0xac: {  	[dreg:$0x1] =	wrdreg $0xFFFFFFFF  }
0xad: {  	[dreg:$0x0] =	wrdreg $0x60  }
0xae: {  	[dreg:$0x2] =	wrdreg s2  }
0xaf: {  	[dreg:$0x3] =	wrdreg s24  }
0xb0: {  	[dreg:$0x4] =	wrdreg $0xA  }
0xb1: {  	_ =	task.clear_ibuf [dreg:s7], $0x5FFFF;
	_ =	strace $0x90000046  }
0xb2: {  	s29 =	simm.s32 $0xA;
	_ =	strace $0x80000048  }
0xb3: {  	_ =	swait.ge [sflag:s29], $0x1  }
0xb4: {  	[sflag:s29] =	ssyncadd.s32 $0xFFFFFFFF  }
0xb5: {  	_ =	strace $0x90000048  }
0xb6: {  	_ =	sfence  }
0xb7: {  	s30 =	sld [smem:$0x0];
	_ =	sdelay $0x2  }
0xb8: {  	s31 =	sshll.u32 s1, $0xD;
	s1 =	sshrl.u32 s1, $0x2  }
0xb9: {  	s3 =	sand.u32 $0x4000, s31;
	s1 =	sadd.s32 s1, s30  }
0xba: {  	s0 =	sor.u32 s3, s0;
	s1 =	sshll.u32 s1, $0x11  }
0xbb: {  	s0 =	sor.u32 s1, s0  }
0xbc: {  	s0 =	sadd.s32 $0x8F2B, s0  }
0xbd: {  	[sflag:s0] =	ssyncadd.remote.s32 $0x1  }
0xbe: {  	_ =	sfence.sel $0xFFFF  }
0xbf: {  	[dreg:$0x0] =	wrdreg $0xFFFFFFFF;
	(pc) =	sbr.abs _section_cstart, $3  }
0xc0: {  	[dreg:$0x1] =	wrdreg $0xFFFFFFFF  }
0xc1: {  	_ =	task.clear_ibuf [dreg:s7], $0x2FFFF;
	_ =	strace $0x9FFFFFFF  }
0xc2: {  	(tm) =	ssettm $0x7FFFFFFF  }
0xc3: {  	_ =	shalt  }
tec
execute0_lowered:
.L_overlay_start_1:
0x0: {  	(tag) =	ssettag $0x1  }
0x1: {  	s1 =	rddreg [dreg:$0x0]  }
0x2: {  	s0 =	rddreg [dreg:$0x1];
	s3 =	simm.s32 $0x0  }
0x3: {  	s2 =	srdreg.scid;
	s14 =	stileid.u32;
	s28 =	simm.s32 $0x1  }
0x4: {  	s29 =	simm.s32 $0x2;
	s30 =	simm.s32 $0xCA00;
	s31 =	simm.s32 $0xCB00  }
0x5: {  	[smem:$0x7FF] =	sst s3;
	s2 =	sand.u32 $0x1, s2;
	s16 =	smul.u32 $0x27100, s14  }
0x6: {  	s5 =	sshll.u32 s14, $0x1;
	s4 =	sadd.s32 $0xDC00, s0;
	s21 =	smul.u32 $0x13880, s2  }
0x7: {  	s5 =	sor.u32 s2, s5;
	s8 =	ssub.s32 $0x2, s2;
	s2 =	smul.u32 $0x1388, s2  }
0x8: {  	s12 =	sadd.s32 $0x3C00, s0;
	s11 =	sadd.s32 $0x34E00, s0;
	s6 =	smul.u32 $0x1388, s5  }
0x9: {  	s7 =	sadd.s32 $0x3EE00, s0;
	s0 =	sadd.s32 $0x2AFE00, s0;
	s13 =	smul.u32 $0x13880, s5  }
0xa: {  	_ =	strace $0x80000047;
	s9 =	sshrl.u32 s8, $0x1;
	s5 =	smul.u32 $0x9C400, s5  }
0xb: {  	s8 =	ssub.s32 s8, s9;
	s10 =	sshrl.u32 s6, $0x3;
	s6 =	sadd.s32 $0x271C8, s6  }
0xc: {  	s24 =	sadd.s32 s7, s13;
	s5 =	sshrl.u32 s5, $0x3;
	s25 =	sadd.s32 s0, s13  }
0xd: {  	s19 =	smax.u32 s8, $0x1;
	s8 =	simm.s32 $0x4;
	[dreg:$0x7] =	wrdreg s24  }
0xe: {  	s23 =	sadd.s32 $0x4E20, s10;
	s6 =	sshrl.u32 s6, $0x3;
	[dreg:$0x8] =	wrdreg s25  }
0xf: {  	s13 =	sadd.s32 $0xC80, s5;
	s20 =	sadd.s32 $0x5078, s10;
	s15 =	sadd.s32 s12, s23  }
0x10: {  	s5 =	sadd.s32 $0x12C00, s5;
	s9 =	sadd.s32 s11, s23;
	[dreg:$0x5] =	wrdreg s15  }
0x11: {  	s24 =	sadd.s32 s16, s7;
	s26 =	sadd.s32 s12, s6;
	[dreg:$0x6] =	wrdreg s9  }
0x12: {  	s6 =	sadd.s32 s11, s6;
	s22 =	sadd.s32 s12, s20;
	[dreg:$0x9] =	wrdreg s26  }
0x13: {  	s23 =	smul.u32 $0x2710, s14;
	s17 =	sadd.s32 s7, s5;
	[dreg:$0xa] =	wrdreg s6  }
0x14: {  	s18 =	sadd.s32 s0, s5;
	s5 =	sadd.s32 s21, s24;
	[dreg:$0xd] =	wrdreg s22  }
0x15: {  	s24 =	simm.s32 $0xC8;
	s15 =	sadd.s32 s7, s13;
	[dreg:$0x3] =	wrdreg s5  }
0x16: {  	s9 =	sadd.s32 s0, s13;
	s0 =	sadd.s32 s16, s0;
	[dreg:$0xb] =	wrdreg s15  }
0x17: {  	s22 =	simm.s32 $0x5;
	s7 =	simm.s32 $0x3;
	[dreg:$0xc] =	wrdreg s9  }
0x18: {  	s9 =	sadd.s32 s11, s20;
	s2 =	sadd.s32 s2, s23;
	s0 =	sadd.s32 s21, s0  }
0x19: {  	s23 =	simm.s32 $0x100;
	[dreg:$0xe] =	wrdreg s9;
	s25 =	sadd.s32 $0x27358, s2  }
0x1a: {  	[dreg:$0x4] =	wrdreg s0;
	s26 =	sadd.s32 $0x27290, s2;
	s0 =	simm.s32 $0xCC00  }
0x1b: {  	s2 =	simm.s32 $0x13000;
	s9 =	simm.s32 $0x0;
	s20 =	sshrl.u32 s25, $0x3  }
0x1c: {  	s21 =	sshrl.u32 s26, $0x3;
	s25 =	simm.s32 $0x200;
	s26 =	simm.s32 $0x6600  }
.LBB2_1:
0x1d: {  	s5 =	rddreg [dreg:$0x5]  }
0x1e: {  	[tilespmem:s3], [sflag:$0x5] =	stream.linear.gather [hbm4b:s5+s3], $0xC8, $0x38;
	[tilespmem:$0x19400] =	vst v63  }
0x1f: {  	_ =	swait.ge [sflag:s22], $0xC8  }
0x20: {  	[sflag:s22] =	ssyncset.done $0x0  }
0x21: {  	s16 =	rddreg [dreg:$0x6];
	[sflag:s22] =	ssyncadd.s32 $0xFFFFFF38  }
0x22: {  	[tilespmem:s23], [sflag:$0x5] =	stream.linear.gather [hbm4b:s16+s3], $0xC8, $0x38;
	[tilespmem:$0x19400] =	vst v63  }
0x23: {  	_ =	swait.ge [sflag:s22], $0xC8  }
0x24: {  	[sflag:s22] =	ssyncset.done $0x0  }
0x25: {  	[sflag:s22] =	ssyncadd.s32 $0xFFFFFF38  }
0x26: {  	[tilespmem:s25], [sflag:$0x1] =	stream.indirect.gather [hbm4b:s1+s24], $0x80, s3, s24, $0xb8;
	[tilespmem:$0x19400] =	vst v63  }
0x27: {  	_ = 	snop  }
0x28: {  	[tilespmem:s26], [sflag:$0x2] =	stream.indirect.gather [hbm4b:s4+s24], $0x80, s23, s24, $0xb8;
	[tilespmem:$0x19400] =	vst v63  }
0x29: {  	_ =	swait.ge [sflag:s28], $0x6400  }
0x2a: {  	[sflag:s28] =	ssyncset.done $0x0  }
0x2b: {  	[sflag:s28] =	ssyncadd.s32 $0xFFFF9C00  }
0x2c: {  	_ =	swait.ge [sflag:s29], $0x6400  }
0x2d: {  	[sflag:s29] =	ssyncset.done $0x0  }
0x2e: {  	s6 =	rddreg [dreg:$0x7];
	[sflag:s29] =	ssyncadd.s32 $0xFFFF9C00  }
0x2f: {  	[hbm4b:s6+s3] =	stream.linear.scatter [tilespmem:s25], [sflag:$0x3], $0x6400, $0x38;
	[tilespmem:$0x19400] =	vst v63  }
0x30: {  	s10 =	rddreg [dreg:$0x8]  }
0x31: {  	[hbm4b:s10+s3] =	stream.linear.scatter [tilespmem:s26], [sflag:$0x3], $0x6400, $0x38;
	[tilespmem:$0x19400] =	vst v63  }
0x32: {  	s13 =	rddreg [dreg:$0x9]  }
0x33: {  	[tilespmem:s30], [sflag:$0x5] =	stream.linear.gather [hbm4b:s13+s3], $0xC8, $0x38;
	[tilespmem:$0x19400] =	vst v63  }
0x34: {  	_ =	swait.ge [sflag:s22], $0xC8  }
0x35: {  	[sflag:s22] =	ssyncset.done $0x0  }
0x36: {  	s14 =	rddreg [dreg:$0xa];
	[sflag:s22] =	ssyncadd.s32 $0xFFFFFF38  }
0x37: {  	[tilespmem:s31], [sflag:$0x5] =	stream.linear.gather [hbm4b:s14+s3], $0xC8, $0x38;
	[tilespmem:$0x19400] =	vst v63  }
0x38: {  	_ =	swait.ge [sflag:s22], $0xC8  }
0x39: {  	[sflag:s22] =	ssyncset.done $0x0  }
0x3a: {  	[sflag:s22] =	ssyncadd.s32 $0xFFFFFF38  }
0x3b: {  	[tilespmem:s0], [sflag:$0x1] =	stream.indirect.gather [hbm4b:s1+s24], $0x80, s30, s24, $0xb8;
	[tilespmem:$0x19400] =	vst v63  }
0x3c: {  	_ = 	snop  }
0x3d: {  	[tilespmem:s2], [sflag:$0x2] =	stream.indirect.gather [hbm4b:s4+s24], $0x80, s31, s24, $0xb8;
	[tilespmem:$0x19400] =	vst v63  }
0x3e: {  	_ =	swait.ge [sflag:s28], $0x6400  }
0x3f: {  	[sflag:s28] =	ssyncset.done $0x0  }
0x40: {  	[sflag:s28] =	ssyncadd.s32 $0xFFFF9C00  }
0x41: {  	_ =	swait.ge [sflag:s29], $0x6400  }
0x42: {  	[sflag:s29] =	ssyncset.done $0x0  }
0x43: {  	s15 =	rddreg [dreg:$0xb];
	[sflag:s29] =	ssyncadd.s32 $0xFFFF9C00  }
0x44: {  	[hbm4b:s15+s3] =	stream.linear.scatter [tilespmem:s0], [sflag:$0x4], $0x6400, $0x38;
	[tilespmem:$0x19400] =	vst v63  }
0x45: {  	s16 =	rddreg [dreg:$0xc]  }
0x46: {  	[hbm4b:s16+s3] =	stream.linear.scatter [tilespmem:s2], [sflag:$0x4], $0x6400, $0x38;
	[tilespmem:$0x19400] =	vst v63  }
0x47: {  	_ =	swait.ge [sflag:s7], $0x6400  }
0x48: {  	[sflag:s7] =	ssyncset.done $0x0  }
0x49: {  	[sflag:s7] =	ssyncadd.s32 $0xFFFF9C00  }
0x4a: {  	_ =	swait.ge [sflag:s7], $0x6400  }
0x4b: {  	[sflag:s7] =	ssyncset.done $0x0  }
0x4c: {  	s6 =	sadd.s32 s12, s21;
	[sflag:s7] =	ssyncadd.s32 $0xFFFF9C00  }
0x4d: {  	[tilespmem:s3], [sflag:$0x5] =	stream.linear.gather [hbm4b:s6+s3], $0xC8, $0x38;
	[tilespmem:$0x19400] =	vst v63  }
0x4e: {  	_ =	swait.ge [sflag:s22], $0xC8  }
0x4f: {  	[sflag:s22] =	ssyncset.done $0x0  }
0x50: {  	s10 =	sadd.s32 s11, s21;
	[sflag:s22] =	ssyncadd.s32 $0xFFFFFF38  }
0x51: {  	[tilespmem:s23], [sflag:$0x5] =	stream.linear.gather [hbm4b:s10+s3], $0xC8, $0x38;
	[tilespmem:$0x19400] =	vst v63  }
0x52: {  	_ =	swait.ge [sflag:s22], $0xC8  }
0x53: {  	[sflag:s22] =	ssyncset.done $0x0  }
0x54: {  	[sflag:s22] =	ssyncadd.s32 $0xFFFFFF38  }
0x55: {  	[tilespmem:s25], [sflag:$0x1] =	stream.indirect.gather [hbm4b:s1+s24], $0x80, s3, s24, $0xb8;
	[tilespmem:$0x19400] =	vst v63  }
0x56: {  	_ = 	snop  }
0x57: {  	[tilespmem:s26], [sflag:$0x2] =	stream.indirect.gather [hbm4b:s4+s24], $0x80, s23, s24, $0xb8;
	[tilespmem:$0x19400] =	vst v63  }
0x58: {  	_ =	swait.ge [sflag:s28], $0x6400  }
0x59: {  	[sflag:s28] =	ssyncset.done $0x0  }
0x5a: {  	[sflag:s28] =	ssyncadd.s32 $0xFFFF9C00  }
0x5b: {  	_ =	swait.ge [sflag:s29], $0x6400  }
0x5c: {  	s13 =	rddreg [dreg:$0x3]  }
0x5d: {  	s6 =	rddreg [dreg:$0x4];
	[sflag:s29] =	ssyncset.done $0x0;
	s5 =	sadd.s32 $0x0, s13  }
0x5e: {  	[sflag:s29] =	ssyncadd.s32 $0xFFFF9C00;
	s6 =	sadd.s32 $0x0, s6;
	s10 =	sadd.s32 $0x1900, s5  }
0x5f: {  	[hbm4b:s10+s3] =	stream.linear.scatter [tilespmem:s25], [sflag:$0x3], $0x6400, $0x38;
	[tilespmem:$0x19400] =	vst v63  }
0x60: {  	s14 =	sadd.s32 $0x1900, s6  }
0x61: {  	[hbm4b:s14+s3] =	stream.linear.scatter [tilespmem:s26], [sflag:$0x3], $0x6400, $0x38;
	[tilespmem:$0x19400] =	vst v63  }
0x62: {  	_ =	swait.ge [sflag:s8], $0x6400  }
0x63: {  	[sflag:s8] =	ssyncset.done $0x0  }
0x64: {  	[sflag:s8] =	ssyncadd.s32 $0xFFFF9C00  }
0x65: {  	_ =	swait.ge [sflag:s8], $0x6400  }
0x66: {  	[sflag:s8] =	ssyncset.done $0x0  }
0x67: {  	s15 =	sadd.s32 s12, s20;
	[sflag:s8] =	ssyncadd.s32 $0xFFFF9C00  }
0x68: {  	[tilespmem:s30], [sflag:$0x5] =	stream.linear.gather [hbm4b:s15+s3], $0xC8, $0x38;
	[tilespmem:$0x19400] =	vst v63  }
0x69: {  	_ =	swait.ge [sflag:s22], $0xC8  }
0x6a: {  	[sflag:s22] =	ssyncset.done $0x0  }
0x6b: {  	s16 =	sadd.s32 s11, s20;
	[sflag:s22] =	ssyncadd.s32 $0xFFFFFF38  }
0x6c: {  	[tilespmem:s31], [sflag:$0x5] =	stream.linear.gather [hbm4b:s16+s3], $0xC8, $0x38;
	[tilespmem:$0x19400] =	vst v63  }
0x6d: {  	_ =	swait.ge [sflag:s22], $0xC8  }
0x6e: {  	[sflag:s22] =	ssyncset.done $0x0  }
0x6f: {  	[sflag:s22] =	ssyncadd.s32 $0xFFFFFF38  }
0x70: {  	[tilespmem:s0], [sflag:$0x1] =	stream.indirect.gather [hbm4b:s1+s24], $0x80, s30, s24, $0xb8;
	[tilespmem:$0x19400] =	vst v63  }
0x71: {  	_ = 	snop  }
0x72: {  	[tilespmem:s2], [sflag:$0x2] =	stream.indirect.gather [hbm4b:s4+s24], $0x80, s31, s24, $0xb8;
	[tilespmem:$0x19400] =	vst v63  }
0x73: {  	_ =	swait.ge [sflag:s28], $0x6400  }
0x74: {  	[sflag:s28] =	ssyncset.done $0x0  }
0x75: {  	[sflag:s28] =	ssyncadd.s32 $0xFFFF9C00  }
0x76: {  	_ =	swait.ge [sflag:s29], $0x6400  }
0x77: {  	[sflag:s29] =	ssyncset.done $0x0  }
0x78: {  	s5 =	sadd.s32 $0x2580, s5;
	s13 =	sadd.s32 $0x2580, s6;
	[sflag:s29] =	ssyncadd.s32 $0xFFFF9C00  }
0x79: {  	[hbm4b:s5+s3] =	stream.linear.scatter [tilespmem:s0], [sflag:$0x4], $0x6400, $0x38;
	[tilespmem:$0x19400] =	vst v63  }
0x7a: {  	s6 =	smov.u32 s11;
	s10 =	simm.s32 $0x1900;
	s5 =	smov.u32 s12  }
.LBB2_2:
0x7b: {  	[hbm4b:s13+s3] =	stream.linear.scatter [tilespmem:s2], [sflag:$0x4], $0x6400, $0x38;
	[tilespmem:$0x19400] =	vst v63  }
0x7c: {  	_ =	swait.ge [sflag:s7], $0x6400  }
0x7d: {  	[sflag:s7] =	ssyncset.done $0x0  }
0x7e: {  	[sflag:s7] =	ssyncadd.s32 $0xFFFF9C00  }
0x7f: {  	_ =	swait.ge [sflag:s7], $0x6400  }
0x80: {  	s5 =	sadd.s32 $0x32, s5;
	[sflag:s7] =	ssyncset.done $0x0  }
0x81: {  	s14 =	sadd.s32 s5, s21;
	[sflag:s7] =	ssyncadd.s32 $0xFFFF9C00  }
0x82: {  	[tilespmem:s3], [sflag:$0x5] =	stream.linear.gather [hbm4b:s14+s3], $0xC8, $0x38;
	[tilespmem:$0x19400] =	vst v63  }
0x83: {  	_ =	swait.ge [sflag:s22], $0xC8  }
0x84: {  	s6 =	sadd.s32 $0x32, s6;
	[sflag:s22] =	ssyncset.done $0x0  }
0x85: {  	s15 =	sadd.s32 s6, s21;
	[sflag:s22] =	ssyncadd.s32 $0xFFFFFF38  }
0x86: {  	[tilespmem:s23], [sflag:$0x5] =	stream.linear.gather [hbm4b:s15+s3], $0xC8, $0x38;
	[tilespmem:$0x19400] =	vst v63  }
0x87: {  	_ =	swait.ge [sflag:s22], $0xC8  }
0x88: {  	[sflag:s22] =	ssyncset.done $0x0  }
0x89: {  	[sflag:s22] =	ssyncadd.s32 $0xFFFFFF38  }
0x8a: {  	[tilespmem:s25], [sflag:$0x1] =	stream.indirect.gather [hbm4b:s1+s24], $0x80, s3, s24, $0xb8;
	[tilespmem:$0x19400] =	vst v63  }
0x8b: {  	_ = 	snop  }
0x8c: {  	[tilespmem:s26], [sflag:$0x2] =	stream.indirect.gather [hbm4b:s4+s24], $0x80, s23, s24, $0xb8;
	[tilespmem:$0x19400] =	vst v63  }
0x8d: {  	_ =	swait.ge [sflag:s28], $0x6400  }
0x8e: {  	[sflag:s28] =	ssyncset.done $0x0  }
0x8f: {  	[sflag:s28] =	ssyncadd.s32 $0xFFFF9C00  }
0x90: {  	_ =	swait.ge [sflag:s29], $0x6400  }
0x91: {  	s13 =	smov.u32 s10;
	s16 =	rddreg [dreg:$0x3]  }
0x92: {  	s15 =	rddreg [dreg:$0x4];
	[sflag:s29] =	ssyncset.done $0x0;
	s14 =	sadd.s32 s13, s16  }
0x93: {  	[sflag:s29] =	ssyncadd.s32 $0xFFFF9C00;
	s13 =	sadd.s32 s13, s15;
	s16 =	sadd.s32 $0x1900, s14  }
0x94: {  	[hbm4b:s16+s3] =	stream.linear.scatter [tilespmem:s25], [sflag:$0x3], $0x6400, $0x38;
	[tilespmem:$0x19400] =	vst v63  }
0x95: {  	s15 =	sadd.s32 $0x1900, s13  }
0x96: {  	[hbm4b:s15+s3] =	stream.linear.scatter [tilespmem:s26], [sflag:$0x3], $0x6400, $0x38;
	[tilespmem:$0x19400] =	vst v63  }
0x97: {  	_ =	swait.ge [sflag:s8], $0x6400  }
0x98: {  	[sflag:s8] =	ssyncset.done $0x0  }
0x99: {  	[sflag:s8] =	ssyncadd.s32 $0xFFFF9C00  }
0x9a: {  	_ =	swait.ge [sflag:s8], $0x6400  }
0x9b: {  	[sflag:s8] =	ssyncset.done $0x0  }
0x9c: {  	s16 =	sadd.s32 s5, s20;
	[sflag:s8] =	ssyncadd.s32 $0xFFFF9C00  }
0x9d: {  	[tilespmem:s30], [sflag:$0x5] =	stream.linear.gather [hbm4b:s16+s3], $0xC8, $0x38;
	[tilespmem:$0x19400] =	vst v63  }
0x9e: {  	_ =	swait.ge [sflag:s22], $0xC8  }
0x9f: {  	[sflag:s22] =	ssyncset.done $0x0  }
0xa0: {  	s16 =	sadd.s32 s6, s20;
	[sflag:s22] =	ssyncadd.s32 $0xFFFFFF38  }
0xa1: {  	[tilespmem:s31], [sflag:$0x5] =	stream.linear.gather [hbm4b:s16+s3], $0xC8, $0x38;
	[tilespmem:$0x19400] =	vst v63  }
0xa2: {  	_ =	swait.ge [sflag:s22], $0xC8  }
0xa3: {  	[sflag:s22] =	ssyncset.done $0x0  }
0xa4: {  	[sflag:s22] =	ssyncadd.s32 $0xFFFFFF38  }
0xa5: {  	[tilespmem:s0], [sflag:$0x1] =	stream.indirect.gather [hbm4b:s1+s24], $0x80, s30, s24, $0xb8;
	[tilespmem:$0x19400] =	vst v63  }
0xa6: {  	_ = 	snop  }
0xa7: {  	[tilespmem:s2], [sflag:$0x2] =	stream.indirect.gather [hbm4b:s4+s24], $0x80, s31, s24, $0xb8;
	[tilespmem:$0x19400] =	vst v63  }
0xa8: {  	_ =	swait.ge [sflag:s28], $0x6400  }
0xa9: {  	p0 =	sne.s32 s10, $0xFA00;
	[sflag:s28] =	ssyncset.done $0x0  }
.Ltmp0:
0xaa: {  	[sflag:s28] =	ssyncadd.s32 $0xFFFF9C00;
	(pc) =	sbr.rel @p0 .LBB2_2-.Ltmp0, $4  }
0xab: {  	_ =	swait.ge [sflag:s29], $0x6400  }
0xac: {  	s10 =	sadd.s32 $0x1900, s10;
	[sflag:s29] =	ssyncset.done $0x0  }
0xad: {  	s14 =	sadd.s32 $0x2580, s14;
	s13 =	sadd.s32 $0x2580, s13;
	[sflag:s29] =	ssyncadd.s32 $0xFFFF9C00  }
0xae: {  	[hbm4b:s14+s3] =	stream.linear.scatter [tilespmem:s0], [sflag:$0x4], $0x6400, $0x38;
	[tilespmem:$0x19400] =	vst v63  }
0xaf: {  	[hbm4b:s13+s3] =	stream.linear.scatter [tilespmem:s2], [sflag:$0x4], $0x6400, $0x38;
	[tilespmem:$0x19400] =	vst v63  }
0xb0: {  	_ =	swait.ge [sflag:s7], $0x6400  }
0xb1: {  	[sflag:s7] =	ssyncset.done $0x0  }
0xb2: {  	[sflag:s7] =	ssyncadd.s32 $0xFFFF9C00  }
0xb3: {  	_ =	swait.ge [sflag:s7], $0x6400  }
0xb4: {  	[sflag:s7] =	ssyncset.done $0x0  }
0xb5: {  	s5 =	rddreg [dreg:$0xd];
	[sflag:s7] =	ssyncadd.s32 $0xFFFF9C00  }
0xb6: {  	[tilespmem:s3], [sflag:$0x5] =	stream.linear.gather [hbm4b:s5+s3], $0xC8, $0x38;
	[tilespmem:$0x19400] =	vst v63  }
0xb7: {  	_ =	swait.ge [sflag:s22], $0xC8  }
0xb8: {  	[sflag:s22] =	ssyncset.done $0x0  }
0xb9: {  	s16 =	rddreg [dreg:$0xe];
	[sflag:s22] =	ssyncadd.s32 $0xFFFFFF38  }
0xba: {  	[tilespmem:s23], [sflag:$0x5] =	stream.linear.gather [hbm4b:s16+s3], $0xC8, $0x38;
	[tilespmem:$0x19400] =	vst v63  }
0xbb: {  	_ =	swait.ge [sflag:s22], $0xC8  }
0xbc: {  	[sflag:s22] =	ssyncset.done $0x0  }
0xbd: {  	[sflag:s22] =	ssyncadd.s32 $0xFFFFFF38  }
0xbe: {  	[tilespmem:s25], [sflag:$0x1] =	stream.indirect.gather [hbm4b:s1+s24], $0x80, s3, s24, $0xb8;
	[tilespmem:$0x19400] =	vst v63  }
0xbf: {  	_ = 	snop  }
0xc0: {  	[tilespmem:s26], [sflag:$0x2] =	stream.indirect.gather [hbm4b:s4+s24], $0x80, s23, s24, $0xb8;
	[tilespmem:$0x19400] =	vst v63  }
0xc1: {  	_ =	swait.ge [sflag:s28], $0x6400  }
0xc2: {  	[sflag:s28] =	ssyncset.done $0x0  }
0xc3: {  	[sflag:s28] =	ssyncadd.s32 $0xFFFF9C00  }
0xc4: {  	_ =	swait.ge [sflag:s29], $0x6400  }
0xc5: {  	[sflag:s29] =	ssyncset.done $0x0  }
0xc6: {  	[sflag:s29] =	ssyncadd.s32 $0xFFFF9C00  }
0xc7: {  	[hbm4b:s17+s3] =	stream.linear.scatter [tilespmem:s25], [sflag:$0x3], $0x6400, $0x38;
	[tilespmem:$0x19400] =	vst v63  }
0xc8: {  	_ = 	snop  }
0xc9: {  	[hbm4b:s18+s3] =	stream.linear.scatter [tilespmem:s26], [sflag:$0x3], $0x6400, $0x38;
	[tilespmem:$0x19400] =	vst v63  }
0xca: {  	_ =	swait.ge [sflag:s7], $0x6400  }
0xcb: {  	[sflag:s7] =	ssyncset.done $0x0  }
0xcc: {  	[sflag:s7] =	ssyncadd.s32 $0xFFFF9C00  }
0xcd: {  	_ =	swait.ge [sflag:s7], $0x6400  }
0xce: {  	[sflag:s7] =	ssyncset.done $0x0  }
0xcf: {  	s9 =	sadd.s32 $0x1, s9;
	[sflag:s7] =	ssyncadd.s32 $0xFFFF9C00  }
0xd0: {  	p0 =	sne.s32 s9, s19;
	_ =	swait.ge [sflag:s8], $0x6400  }
.Ltmp1:
0xd1: {  	[sflag:s8] =	ssyncset.done $0x0;
	(pc) =	sbr.rel @p0 .LBB2_1-.Ltmp1, $4  }
0xd2: {  	[sflag:s8] =	ssyncadd.s32 $0xFFFF9C00  }
0xd3: {  	_ =	swait.ge [sflag:s8], $0x6400  }
0xd4: {  	[sflag:s8] =	ssyncset.done $0x0  }
0xd5: {  	[sflag:s8] =	ssyncadd.s32 $0xFFFF9C00  }
0xd6: {  	_ =	sfence.sel $0x180000  }
0xd7: {  	[bflag:$0x0] =	sbarrier.arrive $0xFFFF  }
0xd8: {  	_ =	strace $0x90000047  }
0xd9: {  	s0 =	stileid.u32;
	[bflag:$0x2] =	sbarrier.arrive $0xFFFF  }
0xda: {  	p0 =	sne.s32 s0, $0x0;
	s0 =	rddreg [dreg:$0x2]  }
0xdb: {  	s0 =	sadd.s32 @!p0 $0x100000, s0  }
0xdc: {  	[sflag:s0] =	ssyncadd.tile.s32 @!p0 $0x1;
	_ =	shalt  }
.Lfunc_end2:
_tile_overlayer_lowered:
.L_overlay_start_2:
0xdd: {  	(tag) =	ssettag $0x2  }
0xde: {  	s0 =	rddreg [dreg:$0x0];
	s2 =	stileid.u32  }
0xdf: {  	s1 =	rddreg [dreg:$0x1];
	p0 =	sne.s32 s2, $0x0  }
0xe0: {  	s3 =	rddreg [dreg:$0x2];
	[bflag:$0x3] =	sbarrier.arrive $0xFFFF;
	s2 =	simm.s32 @!p0 $0x1C05  }
0xe1: {  	[timem:s3], [sflag:s2] =	dma.local @!p0 [hbm:s0], s1  }
0xe2: {  	s0 =	simm.s32 @!p0 $0x5  }
0xe3: {  	_ =	swait.ge @!p0 [sflag:s0], s1  }
0xe4: {  	s1 =	ssub.s32 @!p0 $0x0, s1;
	[sflag:s0] =	ssyncset.done @!p0 $0x0  }
0xe5: {  	[sflag:s0] =	ssyncadd.s32 @!p0 s1  }
0xe6: {  	[bflag:$0x3] =	sbarrier.arrive $0xFFFF  }
0xe7: {  	_ =	shalt  }

// kernel: kernel.19.cloned.1.call-start
scs
__scs_entry_jumppad:
0x0: {  	(pc) =	sbr.rel $0x88, $3  }
0x1: {  	(tag) =	ssettag $0x0;
	lr =	simm.s32 $0x1  }
0x2: {  	[smem:$0x3F97] =	sst lr;
	_ =	strace $0xD0000000  }
0x3: {  	_ = 	snop  }
0x4: {  	_ = 	snop  }
0x5: {  	_ = 	snop  }
0x6: {  	_ = 	snop  }
0x7: {  	_ = 	snop  }
__scs_overlays_trampoline_lowered:
0x8: {  	[smem:$0x3FA6] =	sst s0  }
0x9: {  	[smem:$0x3FA7] =	sst s1  }
0xa: {  	[smem:$0x3FA8] =	sst s2  }
0xb: {  	[smem:$0x3FA9] =	sst s3  }
0xc: {  	[smem:$0x3FAA] =	sst s4  }
0xd: {  	[smem:$0x3FAB] =	sst s5  }
0xe: {  	[smem:$0x3FAC] =	sst s6  }
0xf: {  	[smem:$0x3FAD] =	sst s7  }
0x10: {  	[smem:$0x3FAE] =	sst s8  }
0x11: {  	[smem:$0x3FAF] =	sst s9;
	s0 =	simm.s32 @!p0 $0x0  }
0x12: {  	s1 =	sld [smem:$0x3F95];
	s0 =	simm.s32 @p0 $0x1  }
0x13: {  	[smem:$0x3FB0] =	sst s0;
	s0 =	simm.s32 @!p1 $0x0  }
0x14: {  	s2 =	sld [smem:$0x3F94];
	s0 =	simm.s32 @p1 $0x1  }
0x15: {  	[smem:$0x3FB1] =	sst s0;
	s0 =	simm.s32 @!p2 $0x0  }
0x16: {  	s3 =	sld [smem:$0x3FDB];
	s0 =	simm.s32 @p2 $0x1  }
0x17: {  	s4 =	simm.s32 $0x1BF5;
	[smem:$0x3FB3] =	sst s0  }
0x18: {  	s0 =	sld [smem:$0x3F96];
	_ =	swait.ge [sflag:s4], $0x0  }
0x19: {  	s7 =	sld [smem:$0x3F97]  }
0x1a: {  	s8 =	sadd.s32 $0xFFFFE003, lr  }
0x1b: {  	s9 =	sadd.s32 $0xFFFFFEF7, lr;
	s5 =	simm.s32 $0xFFFFFFFF;
	p2 =	slt.u32 s8, $0xFFFFF086  }
0x1c: {  	p1 =	slt.u32 s9, $0xF7A;
	s5 =	simm.s32 @!p2 $0x0  }
0x1d: {  	s5 =	simm.s32 @p1 $0x1;
	p0 =	seq.s32 s7, s2  }
0x1e: {  	s7 =	smul.u32 @!p0 $0xF7A, s2;
	p2 =	seq.s32 @!p0 s5, $0x0  }
0x1f: {  	s9 =	smul.u32 $0xF7A, s1;
	s8 =	simm.s32 @!p0 $0x1BF5;
	p2 =	por !p2, p0  }
0x20: {  	[sflag:s8] =	ssyncset.s32 @!p0 $0xFFFFF086;
	s6 =	sadd.s32 @!p0 s3, s7;
	s7 =	simm.s32 @!p0 $0x108  }
0x21: {  	s3 =	sadd.s32 s3, s9;
	s6 =	sadd.s32 @!p0 $0x88, s6;
	s7 =	simm.s32 @p2 $0x1082  }
0x22: {  	[simem:s7], [sflag:s8] =	dma.local @!p0 [hbm:s6], $0xF7A  }
0x23: {  	s9 =	sor.u32 $0xD0000000, s2;
	s6 =	simm.s32 $0x108;
	_ =	swait.ge @!p0 [sflag:s8], $0x0  }
0x24: {  	s3 =	sadd.s32 $0x88, s3;
	s6 =	simm.s32 @!p1 $0x1082;
	[sflag:s4] =	ssyncset.s32 $0xFFFFF086  }
0x25: {  	[simem:s6], [sflag:s4] =	dma.local [hbm:s3], $0xF7A  }
0x26: {  	[smem:$0x3F97] =	sst s1;
	(tag) =	ssettag s2;
	_ =	strace s9  }
0x27: {  	s1 =	sld [smem:$0x3FA7]  }
0x28: {  	s2 =	sld [smem:$0x3FA8]  }
0x29: {  	s4 =	sld [smem:$0x3FAA]  }
0x2a: {  	p0 =	seq.s32 s5, $0x0;
	s5 =	sld [smem:$0x3FAB]  }
0x2b: {  	s6 =	sld [smem:$0x3FAC]  }
0x2c: {  	s7 =	sld [smem:$0x3FAD]  }
0x2d: {  	s3 =	simm.s32 $0x108;
	s8 =	sld [smem:$0x3FAE]  }
0x2e: {  	s3 =	simm.s32 @!p0 $0x1082;
	s9 =	sld [smem:$0x3FAF]  }
0x2f: {  	lr =	sadd.s32 s0, s3;
	s0 =	sld [smem:$0x3FA6]  }
0x30: {  	s3 =	sld [smem:$0x3FA9]  }
0x31: {  	[smem:$0x3FB2] =	sst s10  }
0x32: {  	s10 =	sld [smem:$0x3FB0];
	_ =	sdelay $0x3  }
0x33: {  	p0 =	seq.s32 s10, $0x1;
	s10 =	sld [smem:$0x3FB2];
	_ =	sdelay $0x3  }
0x34: {  	[smem:$0x3FB2] =	sst s10  }
0x35: {  	s10 =	sld [smem:$0x3FB1];
	_ =	sdelay $0x3  }
0x36: {  	p1 =	seq.s32 s10, $0x1;
	s10 =	sld [smem:$0x3FB2];
	_ =	sdelay $0x3  }
0x37: {  	[smem:$0x3FB2] =	sst s10  }
0x38: {  	s10 =	sld [smem:$0x3FB3]  }
0x39: {  	_ = 	snop;
	(pc) =	sbr.ind lr, $3  }
0x3a: {  	_ = 	snop  }
0x3b: {  	_ = 	snop  }
0x3c: {  	p2 =	seq.s32 s10, $0x1;
	s10 =	sld [smem:$0x3FB2]  }
0x3d: {  	_ =	shalt  }
0x3e: {  	_ =	shalt  }
0x3f: {  	_ =	shalt  }
0x40: {  	_ =	shalt  }
0x41: {  	_ =	shalt  }
0x42: {  	_ =	shalt  }
0x43: {  	_ =	shalt  }
0x44: {  	_ =	shalt  }
0x45: {  	_ =	shalt  }
0x46: {  	_ =	shalt  }
0x47: {  	_ =	shalt  }
0x48: {  	_ =	shalt  }
0x49: {  	_ =	shalt  }
0x4a: {  	_ =	shalt  }
0x4b: {  	_ =	shalt  }
0x4c: {  	_ =	shalt  }
0x4d: {  	_ =	shalt  }
0x4e: {  	_ =	shalt  }
0x4f: {  	_ =	shalt  }
0x50: {  	_ =	shalt  }
0x51: {  	_ =	shalt  }
0x52: {  	_ =	shalt  }
0x53: {  	_ =	shalt  }
0x54: {  	_ =	shalt  }
0x55: {  	_ =	shalt  }
0x56: {  	_ =	shalt  }
0x57: {  	_ =	shalt  }
0x58: {  	_ =	shalt  }
0x59: {  	_ =	shalt  }
0x5a: {  	_ =	shalt  }
0x5b: {  	_ =	shalt  }
0x5c: {  	_ =	shalt  }
0x5d: {  	_ =	shalt  }
0x5e: {  	_ =	shalt  }
0x5f: {  	_ =	shalt  }
0x60: {  	_ =	shalt  }
0x61: {  	_ =	shalt  }
0x62: {  	_ =	shalt  }
0x63: {  	_ =	shalt  }
0x64: {  	_ =	shalt  }
0x65: {  	_ =	shalt  }
0x66: {  	_ =	shalt  }
0x67: {  	_ =	shalt  }
0x68: {  	_ =	shalt  }
0x69: {  	_ =	shalt  }
0x6a: {  	_ =	shalt  }
0x6b: {  	_ =	shalt  }
0x6c: {  	_ =	shalt  }
0x6d: {  	_ =	shalt  }
0x6e: {  	_ =	shalt  }
0x6f: {  	_ =	shalt  }
0x70: {  	_ =	shalt  }
0x71: {  	_ =	shalt  }
0x72: {  	_ =	shalt  }
0x73: {  	_ =	shalt  }
0x74: {  	_ =	shalt  }
0x75: {  	_ =	shalt  }
0x76: {  	_ =	shalt  }
0x77: {  	_ =	shalt  }
0x78: {  	_ =	shalt  }
0x79: {  	_ =	shalt  }
0x7a: {  	_ =	shalt  }
0x7b: {  	_ =	shalt  }
0x7c: {  	_ =	shalt  }
0x7d: {  	_ =	shalt  }
0x7e: {  	_ =	shalt  }
0x7f: {  	_ =	shalt  }
0x80: {  	_ =	shalt  }
0x81: {  	_ =	shalt  }
0x82: {  	_ =	shalt  }
0x83: {  	_ =	shalt  }
0x84: {  	_ =	shalt  }
0x85: {  	_ =	shalt  }
0x86: {  	_ =	shalt  }
0x87: {  	_ =	shalt  }
.Lfunc_end0:
.L_simem_size_0:
called_computation.3_lowered:
.L_overlay_start_0:
0x88: {  	s2 =	sld [smem:$0x3FD9]  }
0x89: {  	s3 =	sld [smem:$0x3FFE];
	_ =	sdelay $0x1  }
0x8a: {  	s1 =	srdreg.scid  }
0x8b: {  	s0 =	sand.u32 $0x1, s1  }
0x8c: {  	s17 =	sshll.u32 s0, $0xA;
	s2 =	sadd.s32 s3, s2  }
0x8d: {  	s2 =	sadd.s32 s2, s17  }
0x8e: {  	[smem:$0x3FBE] =	sst s2  }
0x8f: {  	_ = 	snop  }
0x90: {  	(tm) =	ssettm $0x1  }
0x91: {  	s18 =	sld [smem:$0x3FFB];
	_ =	sdelay $0x3  }
0x92: {  	_ =	strace s18  }
0x93: {  	s2 =	sld [smem:$0x3FFC];
	_ =	sdelay $0x3  }
0x94: {  	_ =	strace s2  }
0x95: {  	s2 =	sld [smem:$0x3FFD];
	_ =	sdelay $0x3  }
0x96: {  	_ =	strace s2  }
0x97: {  	_ =	strace $0x8FFFFFFF  }
0x98: {  	s19 =	sld [smem:$0x3FDB];
	_ =	sdelay $0x1  }
0x99: {  	s20 =	simm.s32 $_scs_section_size  }
0x9a: {  	s4 =	simm.s32 $_size__tile_overlayer_lowered;
	s5 =	simm.s32 $_tile_overlayer_lowered  }
0x9b: {  	s6 =	simm.s32 $0x1BFF;
	s21 =	sshll.u32 s5, $0x1;
	s3 =	sadd.s32 s20, s19  }
0x9c: {  	s22 =	simm.s32 $0x0;
	s4 =	sshll.u32 s4, $0x1;
	s5 =	sadd.s32 s21, s3  }
0x9d: {  	[timem:s22], [sflag:s6] =	dma.local [hbm:s5], s4  }
0x9e: {  	_ =	swait.ge [sflag:s6], s4  }
0x9f: {  	s4 =	ssub.s32 $0x0, s4;
	[sflag:s6] =	ssyncset.done $0x0  }
0xa0: {  	[sflag:s6] =	ssyncadd.s32 s4;
	_ =	sdelay $0x1  }
0xa1: {  	s23 =	simm.s32 $0x1B8B  }
0xa2: {  	_ =	swait.ge [sflag:s23], $0x1  }
0xa3: {  	[sflag:s23] =	ssyncset.done $0x0  }
0xa4: {  	[sflag:s23] =	ssyncadd.s32 $0xFFFFFFFF  }
0xa5: {  	s4 =	sld [smem:$0x0]  }
0xa6: {  	s5 =	sand.u32 $0xFFFFFFFE, s1  }
0xa7: {  	p0 =	sne.s32 s1, s5  }
0xa8: {  	s5 =	sshll.u32 @p0 s5, $0xE  }
0xa9: {  	s5 =	sadd.s32 @p0 $0x11B8D, s5;
	s6 =	sshll.u32 @p0 s4, $0x11  }
0xaa: {  	s5 =	sor.u32 @p0 s6, s5  }
0xab: {  	[sflag:s5] =	ssyncadd.remote.s32 @p0 $0x1;
	_ =	sdelay $0x1  }
0xac: {  	s5 =	simm.s32 @p0 $0x1B8D  }
0xad: {  	_ =	swait.eq @p0 [sflag:s5], $0x1  }
0xae: {  	[sflag:s5] =	ssyncadd.s32 @p0 $0xFFFFFFFF  }
0xaf: {  	s6 =	sshll.u32 @!p0 s1, $0xE  }
0xb0: {  	s6 =	sor.u32 @!p0 $0x4000, s6;
	s5 =	simm.s32 @!p0 $0x1B8D  }
0xb1: {  	s4 =	sshll.u32 @!p0 s4, $0x11;
	s6 =	sadd.s32 @!p0 $0x11B8D, s6;
	_ =	swait.eq @!p0 [sflag:s5], $0x1  }
0xb2: {  	s4 =	sor.u32 @!p0 s4, s6;
	[sflag:s5] =	ssyncadd.s32 @!p0 $0xFFFFFFFF  }
0xb3: {  	s25 =	simm.s32 $0x1B8E;
	s24 =	sld [smem:$0x3FFE];
	[sflag:s4] =	ssyncadd.remote.s32 @!p0 $0x1  }
0xb4: {  	s26 =	simm.s32 $execute0_lowered;
	[smem:$0x3FD2] =	sst s25  }
0xb5: {  	s5 =	sshll.u32 s26, $0x1;
	_ =	strace $0x8000004C;
	[dreg:$0x1] =	wrdreg $0xFFFFFFFF  }
0xb6: {  	s28 =	simm.s32 $_size_execute0_lowered;
	s3 =	sadd.s32 s3, s5;
	[dreg:$0x0] =	wrdreg $0x0  }
0xb7: {  	s5 =	sshll.u32 s28, $0x1;
	[dreg:$0x2] =	wrdreg s3  }
0xb8: {  	[dreg:$0x3] =	wrdreg s5  }
0xb9: {  	[dreg:$0x4] =	wrdreg $0xC0  }
0xba: {  	_ =	task [dreg:s22], $0x5FFFF  }
0xbb: {  	[dreg:$0x1] =	wrdreg $0xFFFFFFFF  }
0xbc: {  	[dreg:$0x0] =	wrdreg $0x60  }
0xbd: {  	[dreg:$0x2] =	wrdreg s24  }
0xbe: {  	[dreg:$0x3] =	wrdreg $0xA5000  }
0xbf: {  	[dreg:$0x4] =	wrdreg $0xA  }
0xc0: {  	_ =	task.clear_ibuf [dreg:s22], $0x5FFFF;
	_ =	strace $0x9000004C  }
0xc1: {  	s29 =	simm.s32 $0xA;
	_ =	strace $0x8000004E  }
0xc2: {  	_ =	swait.ge [sflag:s29], $0x1  }
0xc3: {  	[sflag:s29] =	ssyncadd.s32 $0xFFFFFFFF  }
0xc4: {  	_ =	strace $0x9000004E  }
0xc5: {  	_ =	sfence  }
0xc6: {  	s30 =	sld [smem:$0x0];
	_ =	sdelay $0x2  }
0xc7: {  	s31 =	sshll.u32 s1, $0xD;
	s1 =	sshrl.u32 s1, $0x2  }
0xc8: {  	s4 =	sand.u32 $0x4000, s31;
	s1 =	sadd.s32 s1, s30  }
0xc9: {  	s0 =	sor.u32 s4, s0;
	s1 =	sshll.u32 s1, $0x11  }
0xca: {  	s0 =	sor.u32 s1, s0  }
0xcb: {  	s0 =	sadd.s32 $0x8F2B, s0  }
0xcc: {  	[sflag:s0] =	ssyncadd.remote.s32 $0x1  }
0xcd: {  	_ =	sfence.sel $0xFFFF  }
0xce: {  	[dreg:$0x0] =	wrdreg $0xFFFFFFFF;
	(pc) =	sbr.abs _section_cstart, $3  }
0xcf: {  	[dreg:$0x1] =	wrdreg $0xFFFFFFFF  }
0xd0: {  	_ =	task.clear_ibuf [dreg:s22], $0x2FFFF;
	_ =	strace $0x9FFFFFFF  }
0xd1: {  	(tm) =	ssettm $0x7FFFFFFF  }
tec
execute0_lowered:
.L_overlay_start_1:
0x0: {  	(tag) =	ssettag $0x1  }
0x1: {  	s0 =	stileid.u32;
	s5 =	rddreg [dreg:$0x0]  }
0x2: {  	s1 =	srdreg.scid;
	s2 =	rddreg [dreg:$0x1]  }
0x3: {  	s3 =	simm.s32 $0x0;
	s13 =	simm.s32 $0x6500;
	s4 =	smul.u32 $0x27100, s0  }
0x4: {  	s14 =	simm.s32 $0x1;
	s15 =	simm.s32 $0x100;
	s7 =	smul.u32 $0x2710, s0  }
0x5: {  	s16 =	simm.s32 $0xC8;
	s19 =	simm.s32 $0x0;
	s22 =	smul.u32 $0x14000, s0  }
0x6: {  	s6 =	sand.u32 $0x1, s1;
	s1 =	rddreg [dreg:$0x2];
	s26 =	smul.u32 $0x50000, s0  }
0x7: {  	[smem:$0x7FF] =	sst s3;
	s17 =	sshll.u32 s0, $0x6;
	s8 =	smul.u32 $0x1388, s6  }
0x8: {  	s9 =	smul.u32 $0x140000, s6;
	_ =	strace $0x8000004D;
	s25 =	ssub.s32 $0x2, s6  }
0x9: {  	s31 =	smul.u32 $0x13880, s6;
	s17 =	sor.u32 $0x1C01, s17;
	s10 =	sadd.s32 s4, s5  }
0xa: {  	s28 =	sshrl.u32 s25, $0x1;
	s30 =	sshrl.u32 s26, $0x2;
	s7 =	sadd.s32 s8, s7  }
0xb: {  	s24 =	sadd.s32 s22, s9;
	s29 =	ssub.s32 s25, s28;
	s4 =	sadd.s32 s30, s2  }
0xc: {  	s11 =	sadd.s32 s31, s10;
	s7 =	sadd.s32 $0x27100, s7;
	s6 =	smax.u32 s29, $0x1  }
0xd: {  	s8 =	sadd.s32 $0x8000, s4;
	s9 =	sadd.s32 $0xC000, s4;
	s10 =	sadd.s32 $0x10000, s4  }
0xe: {  	s11 =	sadd.s32 $0xA02E00, s11;
	s23 =	sshrl.u32 s7, $0x3;
	s7 =	sshrl.u32 s24, $0x3  }
0xf: {  	s18 =	sshrl.u32 s4, $0x3;
	s12 =	sadd.s32 s23, s5;
	s5 =	sadd.s32 s7, s5  }
0x10: {  	v0 =	vimm.f32 $0.0e+00;
	s7 =	sadd.s32 $0x4000, s4;
	s5 =	sadd.s32 $0x3EE00, s5;
	s12 =	sadd.s32 $0x3C00, s12  }
.LBB2_1:
0x11: {  	s20 =	sand.u32 $0xFE00, s3  }
0x12: {  	s21 =	sand.u32 $0x70, s3;
	s22 =	sshrl.u32 s20, $0x2  }
0x13: {  	s20 =	simm.s32 $0x40;
	s22 =	sor.u32 s21, s22;
	s21 =	simm.s32 $0x0  }
.LBB2_2:
0x14: {  	p0 =	sne.s32 s20, $0xFFC0  }
0x15: {  	[tilespmem:s22+$0x6500] =	vst v0;
	s21 =	sadd.s32 $0x10, s21;
	s22 =	smov.u32 s20;
	s20 =	sadd.s32 $0x40, s20  }
.Ltmp0:
0x16: {  	(pc) =	sbr.rel @p0 .LBB2_2-.Ltmp0, $4  }
0x17: {  	_ = 	snop  }
0x18: {  	s22 =	sand.u32 $0xFE00, s22  }
0x19: {  	s23 =	sand.u32 $0x70, s21;
	s22 =	sshrl.u32 s22, $0x2  }
0x1a: {  	s22 =	sor.u32 s23, s22  }
0x1b: {  	[tilespmem:s22+$0x6500] =	vst v0  }
0x1c: {  	[spmem:s4] =	stream.linear.scatter [tilespmem:s13], [sflag:$0x1], $0x4000, $0x38;
	[tilespmem:$0x1E500] =	vst v63  }
0x1d: {  	_ =	swait.ge [sflag:s14], $0x4000  }
0x1e: {  	[sflag:s14] =	ssyncset.done $0x0  }
0x1f: {  	[sflag:s14] =	ssyncadd.s32 $0xFFFFC000  }
0x20: {  	[spmem:s7] =	stream.linear.scatter [tilespmem:s13], [sflag:$0x1], $0x4000, $0x38;
	[tilespmem:$0x1E500] =	vst v63  }
0x21: {  	_ =	swait.ge [sflag:s14], $0x4000  }
0x22: {  	[sflag:s14] =	ssyncset.done $0x0  }
0x23: {  	[sflag:s14] =	ssyncadd.s32 $0xFFFFC000  }
0x24: {  	[spmem:s8] =	stream.linear.scatter [tilespmem:s13], [sflag:$0x1], $0x4000, $0x38;
	[tilespmem:$0x1E500] =	vst v63  }
0x25: {  	_ =	swait.ge [sflag:s14], $0x4000  }
0x26: {  	[sflag:s14] =	ssyncset.done $0x0  }
0x27: {  	[sflag:s14] =	ssyncadd.s32 $0xFFFFC000  }
0x28: {  	[spmem:s9] =	stream.linear.scatter [tilespmem:s13], [sflag:$0x1], $0x4000, $0x38;
	[tilespmem:$0x1E500] =	vst v63  }
0x29: {  	_ =	swait.ge [sflag:s14], $0x4000  }
0x2a: {  	[sflag:s14] =	ssyncset.done $0x0  }
0x2b: {  	[sflag:s14] =	ssyncadd.s32 $0xFFFFC000  }
0x2c: {  	[spmem:s10] =	stream.linear.scatter [tilespmem:s13], [sflag:$0x1], $0x4000, $0x38;
	[tilespmem:$0x1E500] =	vst v63  }
0x2d: {  	_ =	swait.ge [sflag:s14], $0x4000  }
0x2e: {  	[sflag:s14] =	ssyncset.done $0x0  }
0x2f: {  	[sflag:s14] =	ssyncadd.s32 $0xFFFFC000  }
0x30: {  	s20 =	sadd.s32 $0x0, s12;
	[bflag:$0x0] =	sbarrier.arrive $0xFFFF  }
0x31: {  	[tilespmem:s3], [sflag:$0x1] =	stream.linear.gather [hbm4b:s20+s3], $0xC8, $0x38;
	[tilespmem:$0x1E500] =	vst v63  }
0x32: {  	_ =	swait.ge [sflag:s14], $0xC8  }
0x33: {  	[sflag:s14] =	ssyncset.done $0x0  }
0x34: {  	[sflag:s14] =	ssyncadd.s32 $0xFFFFFF38  }
0x35: {  	[tilespmem:s15], [sflag:$0x1] =	stream.linear.gather [hbm4b:s11+s3], $0x6400, $0x38;
	[tilespmem:$0x1E500] =	vst v63  }
0x36: {  	_ =	swait.ge [sflag:s14], $0x6400  }
0x37: {  	[sflag:s14] =	ssyncset.done $0x0  }
0x38: {  	[sflag:s14] =	ssyncadd.s32 $0xFFFF9C00  }
0x39: {  	[spmem:s2] =	stream.indirect.scatter.add.f32 [tilespmem:s15], [sflag:$0x1], $0x80, s3, s16, $0xb8;
	[tilespmem:$0x1E500] =	vst v63  }
0x3a: {  	s21 =	simm.s32 $0x19;
	_ =	swait.ge [sflag:s14], $0x6400  }
0x3b: {  	s22 =	simm.s32 $0x32;
	s20 =	sadd.s32 $0xC80, s11;
	[sflag:s14] =	ssyncset.done $0x0  }
.LBB2_4:
0x3c: {  	s23 =	sadd.s32 s21, s12  }
0x3d: {  	[sflag:s14] =	ssyncadd.s32 $0xFFFF9C00;
	s21 =	smov.u32 s22;
	s24 =	sadd.s32 $0x19, s22  }
0x3e: {  	[tilespmem:s3], [sflag:$0x1] =	stream.linear.gather [hbm4b:s23+s3], $0xC8, $0x38;
	[tilespmem:$0x1E500] =	vst v63  }
0x3f: {  	p0 =	sne.s32 s22, $0x258;
	_ =	swait.ge [sflag:s14], $0xC8  }
0x40: {  	[sflag:s14] =	ssyncset.done $0x0  }
0x41: {  	[sflag:s14] =	ssyncadd.s32 $0xFFFFFF38  }
0x42: {  	[tilespmem:s15], [sflag:$0x1] =	stream.linear.gather [hbm4b:s20+s3], $0x6400, $0x38;
	[tilespmem:$0x1E500] =	vst v63  }
0x43: {  	_ =	swait.ge [sflag:s14], $0x6400  }
.Ltmp1:
0x44: {  	[sflag:s14] =	ssyncset.done $0x0;
	(pc) =	sbr.rel @p0 .LBB2_4-.Ltmp1, $4  }
0x45: {  	[sflag:s14] =	ssyncadd.s32 $0xFFFF9C00  }
0x46: {  	[spmem:s2] =	stream.indirect.scatter.add.f32 [tilespmem:s15], [sflag:$0x1], $0x80, s3, s16, $0xb8;
	[tilespmem:$0x1E500] =	vst v63  }
0x47: {  	_ =	swait.ge [sflag:s14], $0x6400  }
0x48: {  	s22 =	smov.u32 s24;
	s20 =	sadd.s32 $0xC80, s20;
	[sflag:s14] =	ssyncset.done $0x0  }
0x49: {  	s21 =	sadd.s32 s21, s12;
	[sflag:s14] =	ssyncadd.s32 $0xFFFF9C00  }
0x4a: {  	[tilespmem:s3], [sflag:$0x1] =	stream.linear.gather [hbm4b:s21+s3], $0xC8, $0x38;
	[tilespmem:$0x1E500] =	vst v63  }
0x4b: {  	_ =	swait.ge [sflag:s14], $0xC8  }
0x4c: {  	[sflag:s14] =	ssyncset.done $0x0  }
0x4d: {  	[sflag:s14] =	ssyncadd.s32 $0xFFFFFF38  }
0x4e: {  	[tilespmem:s15], [sflag:$0x1] =	stream.linear.gather [hbm4b:s20+s3], $0x6400, $0x38;
	[tilespmem:$0x1E500] =	vst v63  }
0x4f: {  	_ =	swait.ge [sflag:s14], $0x6400  }
0x50: {  	[sflag:s14] =	ssyncset.done $0x0  }
0x51: {  	[sflag:s14] =	ssyncadd.s32 $0xFFFF9C00  }
0x52: {  	[spmem:s2] =	stream.indirect.scatter.add.f32 [tilespmem:s15], [sflag:$0x1], $0x80, s3, s16, $0xb8;
	[tilespmem:$0x1E500] =	vst v63  }
0x53: {  	_ =	swait.ge [sflag:s14], $0x6400  }
0x54: {  	s19 =	sadd.s32 $0x1, s19;
	[sflag:s14] =	ssyncset.done $0x0  }
0x55: {  	p0 =	sne.s32 s19, s6;
	[sflag:s14] =	ssyncadd.s32 $0xFFFF9C00  }
.Ltmp2:
0x56: {  	[bflag:$0x0] =	sbarrier.arrive $0xFFFF;
	(pc) =	sbr.rel @p0 .LBB2_1-.Ltmp2, $4  }
0x57: {  	[hbm:s5], [sflag:s17] =	dma.local [spmem:s18], $0x2800  }
0x58: {  	_ =	swait.ge [sflag:s14], $0x2800  }
0x59: {  	[sflag:s14] =	ssyncset.done $0x0  }
0x5a: {  	[sflag:s14] =	ssyncadd.s32 $0xFFFFD800  }
0x5b: {  	_ =	sfence.sel $0x180000  }
0x5c: {  	[bflag:$0x0] =	sbarrier.arrive $0xFFFF  }
0x5d: {  	p0 =	sne.s32 s0, $0x0;
	_ =	strace $0x9000004D  }
0x5e: {  	s0 =	sadd.s32 @!p0 $0x100000, s1;
	[bflag:$0x2] =	sbarrier.arrive $0xFFFF  }
0x5f: {  	[sflag:s0] =	ssyncadd.tile.s32 @!p0 $0x1;
	_ =	shalt  }
.Lfunc_end2:
_tile_overlayer_lowered:
.L_overlay_start_2:
0x60: {  	(tag) =	ssettag $0x2  }
0x61: {  	s0 =	rddreg [dreg:$0x0];
	s2 =	stileid.u32  }
0x62: {  	s1 =	rddreg [dreg:$0x1];
	p0 =	sne.s32 s2, $0x0  }
0x63: {  	s3 =	rddreg [dreg:$0x2];
	[bflag:$0x3] =	sbarrier.arrive $0xFFFF;
	s2 =	simm.s32 @!p0 $0x1C01  }
0x64: {  	[timem:s3], [sflag:s2] =	dma.local @!p0 [hbm:s0], s1  }
0x65: {  	s0 =	simm.s32 @!p0 $0x1  }
0x66: {  	_ =	swait.ge @!p0 [sflag:s0], s1  }
0x67: {  	s1 =	ssub.s32 @!p0 $0x0, s1;
	[sflag:s0] =	ssyncset.done @!p0 $0x0  }
0x68: {  	[sflag:s0] =	ssyncadd.s32 @!p0 s1  }
0x69: {  	[bflag:$0x3] =	sbarrier.arrive $0xFFFF  }
0x6a: {  	_ =	shalt  }

</sc_bundles>
